<compile_context>
chip_gen: v7x
topology: tpu7x:2x2x1
jax: 0.10.2.dev20260603
libtpu: 0.0.44.dev20260713+nightly
codegen_flags: <defaults>
</compile_context>

<pallas_src>
import functools
import numpy as np
import jax
import jax.numpy as jnp
from jax import lax
from jax.experimental import pallas as pl
from jax.experimental.pallas import tpu as pltpu
from jax.experimental.pallas import tpu_sc as plsc

H = 8


def _sc_gather(u, idx, Np, D):
    info = plsc.get_sparse_core_info()
    NC, NS = info.num_cores, info.num_subcores
    NW = NC * NS
    b_per_w = Np // NW
    chunk = 112
    nchunk = b_per_w // chunk
    mesh = plsc.VectorSubcoreMesh(core_axis_name="c", subcore_axis_name="s")

    @functools.partial(
        pl.kernel, mesh=mesh,
        out_type=jax.ShapeDtypeStruct((Np, D), jnp.float32),
        scratch_types=[
            pltpu.VMEM((b_per_w,), jnp.int32),
            pltpu.VMEM((chunk, D), jnp.float32),
            pltpu.VMEM((chunk, D), jnp.float32),
            pltpu.SemaphoreType.DMA,
            pltpu.SemaphoreType.DMA,
        ],
    )
    def gather_k(u_hbm, idx_hbm, out_hbm, idx_v, rows0, rows1, sem0, sem1):
        wid = lax.axis_index("s") * NC + lax.axis_index("c")
        base = wid * b_per_w
        pltpu.sync_copy(idx_hbm.at[pl.ds(base, b_per_w)], idx_v)
        bufs = (rows0, rows1)
        sems = (sem0, sem1)

        def issue(j):
            return pltpu.async_copy(
                u_hbm.at[idx_v.at[pl.ds(j * chunk, chunk)]],
                bufs[j % 2], sems[j % 2])

        pending = issue(0)
        for j in range(1, nchunk):
            nxt = issue(j)
            pending.wait()
            pltpu.sync_copy(bufs[(j - 1) % 2],
                            out_hbm.at[pl.ds(base + (j - 1) * chunk, chunk)])
            pending = nxt
        pending.wait()
        pltpu.sync_copy(bufs[(nchunk - 1) % 2],
                        out_hbm.at[pl.ds(base + (nchunk - 1) * chunk, chunk)])

    return gather_k(u, idx)


def _bu_body(T, D, B, nblk,
             x_ref, lab_ref, tis_ref,
             wqT, bq, wkvT, bkv,
             wboT, bbo, wvtdT, bvtd, wtoT, bto,
             tissue_out, u_out,
             q_s, m_s, d_s, num_s):
    dh = D // H
    i = pl.program_id(0)

    @pl.when(i == 0)
    def _init():
        q_s[...] = jnp.dot(tis_ref[...], wqT[...],
                           preferred_element_type=jnp.float32) + bq[...]
        m_s[...] = jnp.full((1, H), -1e30, jnp.float32)
        d_s[...] = jnp.zeros((T, H), jnp.float32)
        num_s[...] = jnp.zeros((T, D), jnp.float32)

    X = x_ref[...]
    Xb = X.astype(jnp.bfloat16)
    lab = lab_ref[0, 0, :]
    P = (lab[:, None] == jax.lax.broadcasted_iota(jnp.int32, (B, T), 1)
         ).astype(jnp.bfloat16)

    E = (jax.lax.broadcasted_iota(jnp.int32, (D, H), 0) // dh
         == jax.lax.broadcasted_iota(jnp.int32, (D, H), 1)
         ).astype(jnp.bfloat16)
    ET = (jax.lax.broadcasted_iota(jnp.int32, (H, D), 1) // dh
          == jax.lax.broadcasted_iota(jnp.int32, (H, D), 0)
          ).astype(jnp.bfloat16)

    KV = jnp.dot(Xb, wkvT[...], preferred_element_type=jnp.float32) + bkv[...]
    K = KV[:, :D]
    V = KV[:, D:]
    Qg = jnp.dot(P, q_s[...].astype(jnp.bfloat16),
                 preferred_element_type=jnp.float32)
    s = jnp.dot((K * Qg).astype(jnp.bfloat16), E,
                preferred_element_type=jnp.float32)
    s = s * (1.0 / float(np.sqrt(dh)))

    mb = jnp.max(s, axis=0, keepdims=True)
    new_m = jnp.maximum(m_s[...], mb)
    alpha = jnp.exp(m_s[...] - new_m)
    ex = jnp.exp(s - new_m)

    ex_d = jnp.dot(ex.astype(jnp.bfloat16), ET,
                   preferred_element_type=jnp.float32)
    EV = (V * ex_d).astype(jnp.bfloat16)
    G = jnp.concatenate([EV, ex.astype(jnp.bfloat16)], axis=1)
    R = jax.lax.dot_general(P, G, (((0,), (0,)), ((), ())),
                            preferred_element_type=jnp.float32)
    alpha_d = jnp.broadcast_to(alpha[:, :, None], (1, H, dh)).reshape(1, D)
    num_s[...] = num_s[...] * alpha_d + R[:, :D]
    d_s[...] = d_s[...] * alpha + R[:, D:]
    m_s[...] = new_m

    @pl.when(i == nblk - 1)
    def _finish():
        d = d_s[...]
        dd = jnp.maximum(d, 1e-30)
        d_full = jnp.broadcast_to(dd[:, :, None], (T, H, dh)).reshape(T, D)
        att = jnp.dot(num_s[...] / d_full, wboT[...],
                      preferred_element_type=jnp.float32) + bbo[...]
        tn = jnp.where(d[:, :1] > 0, att, tis_ref[...])
        tissue_out[...] = tn
        vt = jnp.dot(tn, wvtdT[...],
                     preferred_element_type=jnp.float32) + bvtd[...]
        u_out[...] = jnp.dot(vt, wtoT[...],
                             preferred_element_type=jnp.float32) + bto[...]


def _td_body(B, T, u_ref, lab_ref, out_ref):
    lab = lab_ref[0, 0, :]
    P = (lab[:, None] == jax.lax.broadcasted_iota(jnp.int32, (B, T), 1)
         ).astype(jnp.bfloat16)
    out_ref[...] = jnp.dot(P, u_ref[...], preferred_element_type=jnp.float32)


def kernel(cell_features, tissue_features, cluster_labels, tissue_batch,
           bu_in_w, bu_in_b, bu_out_w, bu_out_b,
           td_in_w, td_in_b, td_out_w, td_out_b):
    N, D = cell_features.shape
    T = tissue_features.shape[0]
    B = 2000
    assert N % B == 0 and B % 8 == 0
    nblk = N // B

    labels = cluster_labels.astype(jnp.int32).reshape(nblk, 1, B)

    d = D
    wqT = bu_in_w[:d].T
    wkvT = jnp.concatenate([bu_in_w[d:2 * d].T, bu_in_w[2 * d:].T],
                           axis=1).astype(jnp.bfloat16)
    bq = bu_in_b[:d].reshape(1, d)
    bkv = bu_in_b[d:].reshape(1, 2 * d)
    wboT = bu_out_w.T
    bbo = bu_out_b.reshape(1, d)
    wvtdT = td_in_w[2 * d:].T
    bvtd = td_in_b[2 * d:].reshape(1, d)
    wtoT = td_out_w.T
    bto = td_out_b.reshape(1, d)

    full = lambda shape: pl.BlockSpec(shape, lambda i: tuple(0 for _ in shape))

    tissue_new, u = pl.pallas_call(
        functools.partial(_bu_body, T, D, B, nblk),
        grid=(nblk,),
        in_specs=[
            pl.BlockSpec((B, D), lambda i: (i, 0)),
            pl.BlockSpec((1, 1, B), lambda i: (i, 0, 0)),
            full((T, D)),
            full((D, D)), full((1, D)),
            full((D, 2 * D)), full((1, 2 * D)),
            full((D, D)), full((1, D)),
            full((D, D)), full((1, D)),
            full((D, D)), full((1, D)),
        ],
        out_specs=[full((T, D)), full((T, D))],
        out_shape=[
            jax.ShapeDtypeStruct((T, D), jnp.float32),
            jax.ShapeDtypeStruct((T, D), jnp.float32),
        ],
        scratch_shapes=[
            pltpu.VMEM((T, D), jnp.float32),
            pltpu.VMEM((1, H), jnp.float32),
            pltpu.VMEM((T, H), jnp.float32),
            pltpu.VMEM((T, D), jnp.float32),
        ],
    )(cell_features, labels, tissue_features,
      wqT, bq, wkvT, bkv, wboT, bbo, wvtdT, bvtd, wtoT, bto)

    Np = ((N + 255) // 256) * 256
    idx_pad = jnp.concatenate(
        [cluster_labels.astype(jnp.int32),
         jnp.zeros((Np - N,), jnp.int32)])
    cell_new = _sc_gather(u, idx_pad, Np, D)[:N]

    return cell_new, tissue_new

# --- scband reference (transcript-rebuilt; emitter-appended) ---
"""Pipeline reference for scband-cross-level-attention-85873576117156 (READ-ONLY COPY).

The authoritative reference and input builder live on the scoring server;
editing this copy changes nothing except your own understanding.
"""

import jax, jax.numpy as jnp
import numpy as np

N_CELLS = 50000
N_TISSUE = 500
D = 512
H = 8


def setup_inputs(seed: int = 0) -> dict:
    key = jax.random.key(seed)
    ks = jax.random.split(key, 12)
    cell_features = jax.random.normal(ks[0], (N_CELLS, D), dtype=jnp.float32)
    tissue_features = jax.random.normal(ks[1], (N_TISSUE, D), dtype=jnp.float32)
    cluster_labels = jax.random.randint(ks[2], (N_CELLS,), 0, N_TISSUE, dtype=jnp.int64)
    tissue_batch = jnp.zeros((N_TISSUE,), dtype=jnp.int64)
    s = 0.02
    bu_in_w = jax.random.normal(ks[3], (3 * D, D), dtype=jnp.float32) * s
    bu_in_b = jax.random.normal(ks[4], (3 * D,), dtype=jnp.float32) * s
    bu_out_w = jax.random.normal(ks[5], (D, D), dtype=jnp.float32) * s
    bu_out_b = jax.random.normal(ks[6], (D,), dtype=jnp.float32) * s
    td_in_w = jax.random.normal(ks[7], (3 * D, D), dtype=jnp.float32) * s
    td_in_b = jax.random.normal(ks[8], (3 * D,), dtype=jnp.float32) * s
    td_out_w = jax.random.normal(ks[9], (D, D), dtype=jnp.float32) * s
    td_out_b = jax.random.normal(ks[10], (D,), dtype=jnp.float32) * s
    return {
        'cell_features': cell_features,
        'tissue_features': tissue_features,
        'cluster_labels': cluster_labels,
        'tissue_batch': tissue_batch,
        'bu_in_w': bu_in_w, 'bu_in_b': bu_in_b, 'bu_out_w': bu_out_w, 'bu_out_b': bu_out_b,
        'td_in_w': td_in_w, 'td_in_b': td_in_b, 'td_out_w': td_out_w, 'td_out_b': td_out_b,
    }


def reference(cell_features, tissue_features, cluster_labels, tissue_batch,
              bu_in_w, bu_in_b, bu_out_w, bu_out_b,
              td_in_w, td_in_b, td_out_w, td_out_b):
    d = cell_features.shape[1]
    h = H
    dh = d // h
    T = tissue_features.shape[0]
    labels = cluster_labels.astype(jnp.int32)

    # ---- bottom-up: each tissue node attends over its member cells (segment softmax) ----
    Wq, Wk, Wv = bu_in_w[:d], bu_in_w[d:2 * d], bu_in_w[2 * d:]
    bq, bk, bv = bu_in_b[:d], bu_in_b[d:2 * d], bu_in_b[2 * d:]
    q = (tissue_features @ Wq.T + bq).reshape(T, h, dh)
    k = (cell_features @ Wk.T + bk).reshape(-1, h, dh)
    v = (cell_features @ Wv.T + bv).reshape(-1, h, dh)
    scale = 1.0 / float(np.sqrt(dh))
    scores = jnp.einsum('nhd,nhd->nh', jnp.take(q, labels, axis=0), k) * scale  # [N, H]
    counts = jnp.zeros((T,), jnp.float32).at[labels].add(1.0)
    seg_max = jax.ops.segment_max(scores, labels, num_segments=T)  # [T, H]
    seg_max = jnp.where(counts[:, None] > 0, seg_max, 0.0)
    ex = jnp.exp(scores - jnp.take(seg_max, labels, axis=0))  # [N, H]
    denom = jax.ops.segment_sum(ex, labels, num_segments=T)  # [T, H]
    num = jax.ops.segment_sum(ex[:, :, None] * v, labels, num_segments=T)  # [T, H, dh]
    attended = num / jnp.maximum(denom, 1e-30)[:, :, None]
    attended = attended.reshape(T, d) @ bu_out_w.T + bu_out_b
    # clusters with no cells keep their original tissue feature (torch only updates unique clusters)
    tissue_new = jnp.where(counts[:, None] > 0, attended, tissue_features)

    # ---- top-down: each cell attends to its single tissue node; with one key the
    # softmax weight is exactly 1, so attn output == out_proj(v_proj(tissue)) ----
    Wv_td = td_in_w[2 * d:]
    bv_td = td_in_b[2 * d:]
    v_t = tissue_new @ Wv_td.T + bv_td  # [T, d]
    cell_new = jnp.take(v_t, labels, axis=0) @ td_out_w.T + td_out_b  # [N, d]

    return cell_new, tissue_new

if __name__ == "__main__":
    import jax
    _d = setup_inputs()
    print(jax.jit(kernel)(*tuple(_d.values())))

</pallas_src>

<mosaic_0001>
#map = affine_map<(d0, d1) -> (0, 0)>
#map1 = affine_map<(d0, d1) -> (0)>
module attributes {stable_mosaic.version = 14 : i64} {
  func.func @gather_k(%arg0: i32, %arg1: i32, %arg2: memref<500x512xf32, #tpu.memory_space<hbm>>, %arg3: memref<50176xi32, #tpu.memory_space<hbm>>, %arg4: memref<50176x512xf32, #tpu.memory_space<hbm>>, %arg5: memref<1568xi32, #tpu.memory_space<vmem>>, %arg6: memref<112x512xf32, #tpu.memory_space<vmem>>, %arg7: memref<112x512xf32, #tpu.memory_space<vmem>>, %arg8: memref<!tpu.dma_semaphore, #tpu.memory_space<semaphore_mem>>, %arg9: memref<!tpu.dma_semaphore, #tpu.memory_space<semaphore_mem>>) attributes {dimension_semantics = [#tpu.dimension_semantics<core_parallel>, #tpu.dimension_semantics<subcore_parallel>], iteration_bounds = array<i64: 2, 16>, scalar_prefetch = 0 : i64, scratch_operands = 5 : i64, tpu.core_type = #tpu.core_type<sc_vector_subcore>, window_params = [{transform_indices = #map}, {transform_indices = #map1}, {transform_indices = #map}]} {
    %mul3A = arith.constant 2 : i32
    %mul3A_0 = arith.muli %arg1, %mul3A : i32
    %add3A = arith.addi %mul3A_0, %arg0 : i32
    %mul3A_1 = arith.constant 1568 : i32
    %mul3A_2 = arith.muli %add3A, %mul3A_1 : i32
    "tpu.region"() ({
      %run_scoped3A = tpu.sem_alloc : memref<!tpu.dma_semaphore, #tpu.memory_space<semaphore_mem>>
      %dma_start3A_169 = tpu.memref_slice %arg3[%mul3A_2] : memref<50176xi32, #tpu.memory_space<hbm>> -> memref<1568xi32, #tpu.memory_space<hbm>>
      %dma_start3A_170 = tpu.memref_slice %arg3[%mul3A_2] : memref<50176xi32, #tpu.memory_space<hbm>> -> memref<1568xi32, #tpu.memory_space<hbm>>
      tpu.enqueue_dma source(%dma_start3A_170 : memref<1568xi32, #tpu.memory_space<hbm>>) target(%arg5 : memref<1568xi32, #tpu.memory_space<vmem>>) target_semaphore(%run_scoped3A : memref<!tpu.dma_semaphore, #tpu.memory_space<semaphore_mem>>)
      %dma_wait3A_171 = tpu.memref_slice %arg3[%mul3A_2] : memref<50176xi32, #tpu.memory_space<hbm>> -> memref<1568xi32, #tpu.memory_space<hbm>>
      %dma_wait3A_172 = tpu.memref_slice %arg3[%mul3A_2] : memref<50176xi32, #tpu.memory_space<hbm>> -> memref<1568xi32, #tpu.memory_space<hbm>>
      tpu.wait_dma2 semaphore(%run_scoped3A : memref<!tpu.dma_semaphore, #tpu.memory_space<semaphore_mem>>) src(%dma_wait3A_172 : memref<1568xi32, #tpu.memory_space<hbm>>) dst(%arg5 : memref<1568xi32, #tpu.memory_space<vmem>>)
      tpu.yield
    }) : () -> ()
    %dma_start3A = arith.constant 0 : i32
    %dma_start3A_3 = tpu.memref_slice %arg5[%dma_start3A] : memref<1568xi32, #tpu.memory_space<vmem>> -> memref<112xi32, #tpu.memory_space<vmem>>
    %dma_start3A_4 = arith.constant 0 : i32
    %dma_start3A_5 = arith.constant 0 : i32
    %dma_start3A_6 = tpu.memref_slice %arg2[%dma_start3A_4, %dma_start3A_5] : memref<500x512xf32, #tpu.memory_space<hbm>> -> memref<500x512xf32, #tpu.memory_space<hbm>>
    tpu.enqueue_indirect_dma source(%dma_start3A_6 : memref<500x512xf32, #tpu.memory_space<hbm>>) target(%arg6 : memref<112x512xf32, #tpu.memory_space<vmem>>) offsets(%dma_start3A_3 : memref<112xi32, #tpu.memory_space<vmem>>) semaphore(%arg8 : memref<!tpu.dma_semaphore, #tpu.memory_space<semaphore_mem>>)
    %dma_start3A_7 = arith.constant 112 : i32
    %dma_start3A_8 = tpu.memref_slice %arg5[%dma_start3A_7] : memref<1568xi32, #tpu.memory_space<vmem>> -> memref<112xi32, #tpu.memory_space<vmem>>
    %dma_start3A_9 = arith.constant 0 : i32
    %dma_start3A_10 = arith.constant 0 : i32
    %dma_start3A_11 = tpu.memref_slice %arg2[%dma_start3A_9, %dma_start3A_10] : memref<500x512xf32, #tpu.memory_space<hbm>> -> memref<500x512xf32, #tpu.memory_space<hbm>>
    tpu.enqueue_indirect_dma source(%dma_start3A_11 : memref<500x512xf32, #tpu.memory_space<hbm>>) target(%arg7 : memref<112x512xf32, #tpu.memory_space<vmem>>) offsets(%dma_start3A_8 : memref<112xi32, #tpu.memory_space<vmem>>) semaphore(%arg9 : memref<!tpu.dma_semaphore, #tpu.memory_space<semaphore_mem>>)
    %dma_wait3A = arith.constant 0 : i32
    %dma_wait3A_12 = tpu.memref_slice %arg5[%dma_wait3A] : memref<1568xi32, #tpu.memory_space<vmem>> -> memref<112xi32, #tpu.memory_space<vmem>>
    %dma_wait3A_13 = arith.constant 0 : i32
    %dma_wait3A_14 = arith.constant 0 : i32
    %dma_wait3A_15 = tpu.memref_slice %arg2[%dma_wait3A_13, %dma_wait3A_14] : memref<500x512xf32, #tpu.memory_space<hbm>> -> memref<500x512xf32, #tpu.memory_space<hbm>>
    tpu.wait_indirect_dma semaphore(%arg8 : memref<!tpu.dma_semaphore, #tpu.memory_space<semaphore_mem>>) src(%dma_wait3A_15 : memref<500x512xf32, #tpu.memory_space<hbm>>) dst(%arg6 : memref<112x512xf32, #tpu.memory_space<vmem>>)
    %add3A_16 = arith.constant 0 : i32
    %add3A_17 = arith.addi %mul3A_2, %add3A_16 : i32
    "tpu.region"() ({
      %run_scoped3A = tpu.sem_alloc : memref<!tpu.dma_semaphore, #tpu.memory_space<semaphore_mem>>
      %dma_start3A_169 = arith.constant 0 : i32
      %dma_start3A_170 = tpu.memref_slice %arg4[%add3A_17, %dma_start3A_169] : memref<50176x512xf32, #tpu.memory_space<hbm>> -> memref<112x512xf32, #tpu.memory_space<hbm>>
      %dma_start3A_171 = arith.constant 0 : i32
      %dma_start3A_172 = tpu.memref_slice %arg4[%add3A_17, %dma_start3A_171] : memref<50176x512xf32, #tpu.memory_space<hbm>> -> memref<112x512xf32, #tpu.memory_space<hbm>>
      tpu.enqueue_dma source(%arg6 : memref<112x512xf32, #tpu.memory_space<vmem>>) target(%dma_start3A_172 : memref<112x512xf32, #tpu.memory_space<hbm>>) target_semaphore(%run_scoped3A : memref<!tpu.dma_semaphore, #tpu.memory_space<semaphore_mem>>)
      %dma_wait3A_173 = arith.constant 0 : i32
      %dma_wait3A_174 = tpu.memref_slice %arg4[%add3A_17, %dma_wait3A_173] : memref<50176x512xf32, #tpu.memory_space<hbm>> -> memref<112x512xf32, #tpu.memory_space<hbm>>
      %dma_wait3A_175 = arith.constant 0 : i32
      %dma_wait3A_176 = tpu.memref_slice %arg4[%add3A_17, %dma_wait3A_175] : memref<50176x512xf32, #tpu.memory_space<hbm>> -> memref<112x512xf32, #tpu.memory_space<hbm>>
      tpu.wait_dma2 semaphore(%run_scoped3A : memref<!tpu.dma_semaphore, #tpu.memory_space<semaphore_mem>>) src(%arg6 : memref<112x512xf32, #tpu.memory_space<vmem>>) dst(%dma_wait3A_176 : memref<112x512xf32, #tpu.memory_space<hbm>>)
      tpu.yield
    }) : () -> ()
    %dma_start3A_18 = arith.constant 224 : i32
    %dma_start3A_19 = tpu.memref_slice %arg5[%dma_start3A_18] : memref<1568xi32, #tpu.memory_space<vmem>> -> memref<112xi32, #tpu.memory_space<vmem>>
    %dma_start3A_20 = arith.constant 0 : i32
    %dma_start3A_21 = arith.constant 0 : i32
    %dma_start3A_22 = tpu.memref_slice %arg2[%dma_start3A_20, %dma_start3A_21] : memref<500x512xf32, #tpu.memory_space<hbm>> -> memref<500x512xf32, #tpu.memory_space<hbm>>
    tpu.enqueue_indirect_dma source(%dma_start3A_22 : memref<500x512xf32, #tpu.memory_space<hbm>>) target(%arg6 : memref<112x512xf32, #tpu.memory_space<vmem>>) offsets(%dma_start3A_19 : memref<112xi32, #tpu.memory_space<vmem>>) semaphore(%arg8 : memref<!tpu.dma_semaphore, #tpu.memory_space<semaphore_mem>>)
    %dma_wait3A_23 = arith.constant 112 : i32
    %dma_wait3A_24 = tpu.memref_slice %arg5[%dma_wait3A_23] : memref<1568xi32, #tpu.memory_space<vmem>> -> memref<112xi32, #tpu.memory_space<vmem>>
    %dma_wait3A_25 = arith.constant 0 : i32
    %dma_wait3A_26 = arith.constant 0 : i32
    %dma_wait3A_27 = tpu.memref_slice %arg2[%dma_wait3A_25, %dma_wait3A_26] : memref<500x512xf32, #tpu.memory_space<hbm>> -> memref<500x512xf32, #tpu.memory_space<hbm>>
    tpu.wait_indirect_dma semaphore(%arg9 : memref<!tpu.dma_semaphore, #tpu.memory_space<semaphore_mem>>) src(%dma_wait3A_27 : memref<500x512xf32, #tpu.memory_space<hbm>>) dst(%arg7 : memref<112x512xf32, #tpu.memory_space<vmem>>)
    %add3A_28 = arith.constant 112 : i32
    %add3A_29 = arith.addi %mul3A_2, %add3A_28 : i32
    "tpu.region"() ({
      %run_scoped3A = tpu.sem_alloc : memref<!tpu.dma_semaphore, #tpu.memory_space<semaphore_mem>>
      %dma_start3A_169 = arith.constant 0 : i32
      %dma_start3A_170 = tpu.memref_slice %arg4[%add3A_29, %dma_start3A_169] : memref<50176x512xf32, #tpu.memory_space<hbm>> -> memref<112x512xf32, #tpu.memory_space<hbm>>
      %dma_start3A_171 = arith.constant 0 : i32
      %dma_start3A_172 = tpu.memref_slice %arg4[%add3A_29, %dma_start3A_171] : memref<50176x512xf32, #tpu.memory_space<hbm>> -> memref<112x512xf32, #tpu.memory_space<hbm>>
      tpu.enqueue_dma source(%arg7 : memref<112x512xf32, #tpu.memory_space<vmem>>) target(%dma_start3A_172 : memref<112x512xf32, #tpu.memory_space<hbm>>) target_semaphore(%run_scoped3A : memref<!tpu.dma_semaphore, #tpu.memory_space<semaphore_mem>>)
      %dma_wait3A_173 = arith.constant 0 : i32
      %dma_wait3A_174 = tpu.memref_slice %arg4[%add3A_29, %dma_wait3A_173] : memref<50176x512xf32, #tpu.memory_space<hbm>> -> memref<112x512xf32, #tpu.memory_space<hbm>>
      %dma_wait3A_175 = arith.constant 0 : i32
      %dma_wait3A_176 = tpu.memref_slice %arg4[%add3A_29, %dma_wait3A_175] : memref<50176x512xf32, #tpu.memory_space<hbm>> -> memref<112x512xf32, #tpu.memory_space<hbm>>
      tpu.wait_dma2 semaphore(%run_scoped3A : memref<!tpu.dma_semaphore, #tpu.memory_space<semaphore_mem>>) src(%arg7 : memref<112x512xf32, #tpu.memory_space<vmem>>) dst(%dma_wait3A_176 : memref<112x512xf32, #tpu.memory_space<hbm>>)
      tpu.yield
    }) : () -> ()
    %dma_start3A_30 = arith.constant 336 : i32
    %dma_start3A_31 = tpu.memref_slice %arg5[%dma_start3A_30] : memref<1568xi32, #tpu.memory_space<vmem>> -> memref<112xi32, #tpu.memory_space<vmem>>
    %dma_start3A_32 = arith.constant 0 : i32
    %dma_start3A_33 = arith.constant 0 : i32
    %dma_start3A_34 = tpu.memref_slice %arg2[%dma_start3A_32, %dma_start3A_33] : memref<500x512xf32, #tpu.memory_space<hbm>> -> memref<500x512xf32, #tpu.memory_space<hbm>>
    tpu.enqueue_indirect_dma source(%dma_start3A_34 : memref<500x512xf32, #tpu.memory_space<hbm>>) target(%arg7 : memref<112x512xf32, #tpu.memory_space<vmem>>) offsets(%dma_start3A_31 : memref<112xi32, #tpu.memory_space<vmem>>) semaphore(%arg9 : memref<!tpu.dma_semaphore, #tpu.memory_space<semaphore_mem>>)
    %dma_wait3A_35 = arith.constant 224 : i32
    %dma_wait3A_36 = tpu.memref_slice %arg5[%dma_wait3A_35] : memref<1568xi32, #tpu.memory_space<vmem>> -> memref<112xi32, #tpu.memory_space<vmem>>
    %dma_wait3A_37 = arith.constant 0 : i32
    %dma_wait3A_38 = arith.constant 0 : i32
    %dma_wait3A_39 = tpu.memref_slice %arg2[%dma_wait3A_37, %dma_wait3A_38] : memref<500x512xf32, #tpu.memory_space<hbm>> -> memref<500x512xf32, #tpu.memory_space<hbm>>
    tpu.wait_indirect_dma semaphore(%arg8 : memref<!tpu.dma_semaphore, #tpu.memory_space<semaphore_mem>>) src(%dma_wait3A_39 : memref<500x512xf32, #tpu.memory_space<hbm>>) dst(%arg6 : memref<112x512xf32, #tpu.memory_space<vmem>>)
    %add3A_40 = arith.constant 224 : i32
    %add3A_41 = arith.addi %mul3A_2, %add3A_40 : i32
    "tpu.region"() ({
      %run_scoped3A = tpu.sem_alloc : memref<!tpu.dma_semaphore, #tpu.memory_space<semaphore_mem>>
      %dma_start3A_169 = arith.constant 0 : i32
      %dma_start3A_170 = tpu.memref_slice %arg4[%add3A_41, %dma_start3A_169] : memref<50176x512xf32, #tpu.memory_space<hbm>> -> memref<112x512xf32, #tpu.memory_space<hbm>>
      %dma_start3A_171 = arith.constant 0 : i32
      %dma_start3A_172 = tpu.memref_slice %arg4[%add3A_41, %dma_start3A_171] : memref<50176x512xf32, #tpu.memory_space<hbm>> -> memref<112x512xf32, #tpu.memory_space<hbm>>
      tpu.enqueue_dma source(%arg6 : memref<112x512xf32, #tpu.memory_space<vmem>>) target(%dma_start3A_172 : memref<112x512xf32, #tpu.memory_space<hbm>>) target_semaphore(%run_scoped3A : memref<!tpu.dma_semaphore, #tpu.memory_space<semaphore_mem>>)
      %dma_wait3A_173 = arith.constant 0 : i32
      %dma_wait3A_174 = tpu.memref_slice %arg4[%add3A_41, %dma_wait3A_173] : memref<50176x512xf32, #tpu.memory_space<hbm>> -> memref<112x512xf32, #tpu.memory_space<hbm>>
      %dma_wait3A_175 = arith.constant 0 : i32
      %dma_wait3A_176 = tpu.memref_slice %arg4[%add3A_41, %dma_wait3A_175] : memref<50176x512xf32, #tpu.memory_space<hbm>> -> memref<112x512xf32, #tpu.memory_space<hbm>>
      tpu.wait_dma2 semaphore(%run_scoped3A : memref<!tpu.dma_semaphore, #tpu.memory_space<semaphore_mem>>) src(%arg6 : memref<112x512xf32, #tpu.memory_space<vmem>>) dst(%dma_wait3A_176 : memref<112x512xf32, #tpu.memory_space<hbm>>)
      tpu.yield
    }) : () -> ()
    %dma_start3A_42 = arith.constant 448 : i32
    %dma_start3A_43 = tpu.memref_slice %arg5[%dma_start3A_42] : memref<1568xi32, #tpu.memory_space<vmem>> -> memref<112xi32, #tpu.memory_space<vmem>>
    %dma_start3A_44 = arith.constant 0 : i32
    %dma_start3A_45 = arith.constant 0 : i32
    %dma_start3A_46 = tpu.memref_slice %arg2[%dma_start3A_44, %dma_start3A_45] : memref<500x512xf32, #tpu.memory_space<hbm>> -> memref<500x512xf32, #tpu.memory_space<hbm>>
    tpu.enqueue_indirect_dma source(%dma_start3A_46 : memref<500x512xf32, #tpu.memory_space<hbm>>) target(%arg6 : memref<112x512xf32, #tpu.memory_space<vmem>>) offsets(%dma_start3A_43 : memref<112xi32, #tpu.memory_space<vmem>>) semaphore(%arg8 : memref<!tpu.dma_semaphore, #tpu.memory_space<semaphore_mem>>)
    %dma_wait3A_47 = arith.constant 336 : i32
    %dma_wait3A_48 = tpu.memref_slice %arg5[%dma_wait3A_47] : memref<1568xi32, #tpu.memory_space<vmem>> -> memref<112xi32, #tpu.memory_space<vmem>>
    %dma_wait3A_49 = arith.constant 0 : i32
    %dma_wait3A_50 = arith.constant 0 : i32
    %dma_wait3A_51 = tpu.memref_slice %arg2[%dma_wait3A_49, %dma_wait3A_50] : memref<500x512xf32, #tpu.memory_space<hbm>> -> memref<500x512xf32, #tpu.memory_space<hbm>>
    tpu.wait_indirect_dma semaphore(%arg9 : memref<!tpu.dma_semaphore, #tpu.memory_space<semaphore_mem>>) src(%dma_wait3A_51 : memref<500x512xf32, #tpu.memory_space<hbm>>) dst(%arg7 : memref<112x512xf32, #tpu.memory_space<vmem>>)
    %add3A_52 = arith.constant 336 : i32
    %add3A_53 = arith.addi %mul3A_2, %add3A_52 : i32
    "tpu.region"() ({
      %run_scoped3A = tpu.sem_alloc : memref<!tpu.dma_semaphore, #tpu.memory_space<semaphore_mem>>
      %dma_start3A_169 = arith.constant 0 : i32
      %dma_start3A_170 = tpu.memref_slice %arg4[%add3A_53, %dma_start3A_169] : memref<50176x512xf32, #tpu.memory_space<hbm>> -> memref<112x512xf32, #tpu.memory_space<hbm>>
      %dma_start3A_171 = arith.constant 0 : i32
      %dma_start3A_172 = tpu.memref_slice %arg4[%add3A_53, %dma_start3A_171] : memref<50176x512xf32, #tpu.memory_space<hbm>> -> memref<112x512xf32, #tpu.memory_space<hbm>>
      tpu.enqueue_dma source(%arg7 : memref<112x512xf32, #tpu.memory_space<vmem>>) target(%dma_start3A_172 : memref<112x512xf32, #tpu.memory_space<hbm>>) target_semaphore(%run_scoped3A : memref<!tpu.dma_semaphore, #tpu.memory_space<semaphore_mem>>)
      %dma_wait3A_173 = arith.constant 0 : i32
      %dma_wait3A_174 = tpu.memref_slice %arg4[%add3A_53, %dma_wait3A_173] : memref<50176x512xf32, #tpu.memory_space<hbm>> -> memref<112x512xf32, #tpu.memory_space<hbm>>
      %dma_wait3A_175 = arith.constant 0 : i32
      %dma_wait3A_176 = tpu.memref_slice %arg4[%add3A_53, %dma_wait3A_175] : memref<50176x512xf32, #tpu.memory_space<hbm>> -> memref<112x512xf32, #tpu.memory_space<hbm>>
      tpu.wait_dma2 semaphore(%run_scoped3A : memref<!tpu.dma_semaphore, #tpu.memory_space<semaphore_mem>>) src(%arg7 : memref<112x512xf32, #tpu.memory_space<vmem>>) dst(%dma_wait3A_176 : memref<112x512xf32, #tpu.memory_space<hbm>>)
      tpu.yield
    }) : () -> ()
    %dma_start3A_54 = arith.constant 560 : i32
    %dma_start3A_55 = tpu.memref_slice %arg5[%dma_start3A_54] : memref<1568xi32, #tpu.memory_space<vmem>> -> memref<112xi32, #tpu.memory_space<vmem>>
    %dma_start3A_56 = arith.constant 0 : i32
    %dma_start3A_57 = arith.constant 0 : i32
    %dma_start3A_58 = tpu.memref_slice %arg2[%dma_start3A_56, %dma_start3A_57] : memref<500x512xf32, #tpu.memory_space<hbm>> -> memref<500x512xf32, #tpu.memory_space<hbm>>
    tpu.enqueue_indirect_dma source(%dma_start3A_58 : memref<500x512xf32, #tpu.memory_space<hbm>>) target(%arg7 : memref<112x512xf32, #tpu.memory_space<vmem>>) offsets(%dma_start3A_55 : memref<112xi32, #tpu.memory_space<vmem>>) semaphore(%arg9 : memref<!tpu.dma_semaphore, #tpu.memory_space<semaphore_mem>>)
    %dma_wait3A_59 = arith.constant 448 : i32
    %dma_wait3A_60 = tpu.memref_slice %arg5[%dma_wait3A_59] : memref<1568xi32, #tpu.memory_space<vmem>> -> memref<112xi32, #tpu.memory_space<vmem>>
    %dma_wait3A_61 = arith.constant 0 : i32
    %dma_wait3A_62 = arith.constant 0 : i32
    %dma_wait3A_63 = tpu.memref_slice %arg2[%dma_wait3A_61, %dma_wait3A_62] : memref<500x512xf32, #tpu.memory_space<hbm>> -> memref<500x512xf32, #tpu.memory_space<hbm>>
    tpu.wait_indirect_dma semaphore(%arg8 : memref<!tpu.dma_semaphore, #tpu.memory_space<semaphore_mem>>) src(%dma_wait3A_63 : memref<500x512xf32, #tpu.memory_space<hbm>>) dst(%arg6 : memref<112x512xf32, #tpu.memory_space<vmem>>)
    %add3A_64 = arith.constant 448 : i32
    %add3A_65 = arith.addi %mul3A_2, %add3A_64 : i32
    "tpu.region"() ({
      %run_scoped3A = tpu.sem_alloc : memref<!tpu.dma_semaphore, #tpu.memory_space<semaphore_mem>>
      %dma_start3A_169 = arith.constant 0 : i32
      %dma_start3A_170 = tpu.memref_slice %arg4[%add3A_65, %dma_start3A_169] : memref<50176x512xf32, #tpu.memory_space<hbm>> -> memref<112x512xf32, #tpu.memory_space<hbm>>
      %dma_start3A_171 = arith.constant 0 : i32
      %dma_start3A_172 = tpu.memref_slice %arg4[%add3A_65, %dma_start3A_171] : memref<50176x512xf32, #tpu.memory_space<hbm>> -> memref<112x512xf32, #tpu.memory_space<hbm>>
      tpu.enqueue_dma source(%arg6 : memref<112x512xf32, #tpu.memory_space<vmem>>) target(%dma_start3A_172 : memref<112x512xf32, #tpu.memory_space<hbm>>) target_semaphore(%run_scoped3A : memref<!tpu.dma_semaphore, #tpu.memory_space<semaphore_mem>>)
      %dma_wait3A_173 = arith.constant 0 : i32
      %dma_wait3A_174 = tpu.memref_slice %arg4[%add3A_65, %dma_wait3A_173] : memref<50176x512xf32, #tpu.memory_space<hbm>> -> memref<112x512xf32, #tpu.memory_space<hbm>>
      %dma_wait3A_175 = arith.constant 0 : i32
      %dma_wait3A_176 = tpu.memref_slice %arg4[%add3A_65, %dma_wait3A_175] : memref<50176x512xf32, #tpu.memory_space<hbm>> -> memref<112x512xf32, #tpu.memory_space<hbm>>
      tpu.wait_dma2 semaphore(%run_scoped3A : memref<!tpu.dma_semaphore, #tpu.memory_space<semaphore_mem>>) src(%arg6 : memref<112x512xf32, #tpu.memory_space<vmem>>) dst(%dma_wait3A_176 : memref<112x512xf32, #tpu.memory_space<hbm>>)
      tpu.yield
    }) : () -> ()
    %dma_start3A_66 = arith.constant 672 : i32
    %dma_start3A_67 = tpu.memref_slice %arg5[%dma_start3A_66] : memref<1568xi32, #tpu.memory_space<vmem>> -> memref<112xi32, #tpu.memory_space<vmem>>
    %dma_start3A_68 = arith.constant 0 : i32
    %dma_start3A_69 = arith.constant 0 : i32
    %dma_start3A_70 = tpu.memref_slice %arg2[%dma_start3A_68, %dma_start3A_69] : memref<500x512xf32, #tpu.memory_space<hbm>> -> memref<500x512xf32, #tpu.memory_space<hbm>>
    tpu.enqueue_indirect_dma source(%dma_start3A_70 : memref<500x512xf32, #tpu.memory_space<hbm>>) target(%arg6 : memref<112x512xf32, #tpu.memory_space<vmem>>) offsets(%dma_start3A_67 : memref<112xi32, #tpu.memory_space<vmem>>) semaphore(%arg8 : memref<!tpu.dma_semaphore, #tpu.memory_space<semaphore_mem>>)
    %dma_wait3A_71 = arith.constant 560 : i32
    %dma_wait3A_72 = tpu.memref_slice %arg5[%dma_wait3A_71] : memref<1568xi32, #tpu.memory_space<vmem>> -> memref<112xi32, #tpu.memory_space<vmem>>
    %dma_wait3A_73 = arith.constant 0 : i32
    %dma_wait3A_74 = arith.constant 0 : i32
    %dma_wait3A_75 = tpu.memref_slice %arg2[%dma_wait3A_73, %dma_wait3A_74] : memref<500x512xf32, #tpu.memory_space<hbm>> -> memref<500x512xf32, #tpu.memory_space<hbm>>
    tpu.wait_indirect_dma semaphore(%arg9 : memref<!tpu.dma_semaphore, #tpu.memory_space<semaphore_mem>>) src(%dma_wait3A_75 : memref<500x512xf32, #tpu.memory_space<hbm>>) dst(%arg7 : memref<112x512xf32, #tpu.memory_space<vmem>>)
    %add3A_76 = arith.constant 560 : i32
    %add3A_77 = arith.addi %mul3A_2, %add3A_76 : i32
    "tpu.region"() ({
      %run_scoped3A = tpu.sem_alloc : memref<!tpu.dma_semaphore, #tpu.memory_space<semaphore_mem>>
      %dma_start3A_169 = arith.constant 0 : i32
      %dma_start3A_170 = tpu.memref_slice %arg4[%add3A_77, %dma_start3A_169] : memref<50176x512xf32, #tpu.memory_space<hbm>> -> memref<112x512xf32, #tpu.memory_space<hbm>>
      %dma_start3A_171 = arith.constant 0 : i32
      %dma_start3A_172 = tpu.memref_slice %arg4[%add3A_77, %dma_start3A_171] : memref<50176x512xf32, #tpu.memory_space<hbm>> -> memref<112x512xf32, #tpu.memory_space<hbm>>
      tpu.enqueue_dma source(%arg7 : memref<112x512xf32, #tpu.memory_space<vmem>>) target(%dma_start3A_172 : memref<112x512xf32, #tpu.memory_space<hbm>>) target_semaphore(%run_scoped3A : memref<!tpu.dma_semaphore, #tpu.memory_space<semaphore_mem>>)
      %dma_wait3A_173 = arith.constant 0 : i32
      %dma_wait3A_174 = tpu.memref_slice %arg4[%add3A_77, %dma_wait3A_173] : memref<50176x512xf32, #tpu.memory_space<hbm>> -> memref<112x512xf32, #tpu.memory_space<hbm>>
      %dma_wait3A_175 = arith.constant 0 : i32
      %dma_wait3A_176 = tpu.memref_slice %arg4[%add3A_77, %dma_wait3A_175] : memref<50176x512xf32, #tpu.memory_space<hbm>> -> memref<112x512xf32, #tpu.memory_space<hbm>>
      tpu.wait_dma2 semaphore(%run_scoped3A : memref<!tpu.dma_semaphore, #tpu.memory_space<semaphore_mem>>) src(%arg7 : memref<112x512xf32, #tpu.memory_space<vmem>>) dst(%dma_wait3A_176 : memref<112x512xf32, #tpu.memory_space<hbm>>)
      tpu.yield
    }) : () -> ()
    %dma_start3A_78 = arith.constant 784 : i32
    %dma_start3A_79 = tpu.memref_slice %arg5[%dma_start3A_78] : memref<1568xi32, #tpu.memory_space<vmem>> -> memref<112xi32, #tpu.memory_space<vmem>>
    %dma_start3A_80 = arith.constant 0 : i32
    %dma_start3A_81 = arith.constant 0 : i32
    %dma_start3A_82 = tpu.memref_slice %arg2[%dma_start3A_80, %dma_start3A_81] : memref<500x512xf32, #tpu.memory_space<hbm>> -> memref<500x512xf32, #tpu.memory_space<hbm>>
    tpu.enqueue_indirect_dma source(%dma_start3A_82 : memref<500x512xf32, #tpu.memory_space<hbm>>) target(%arg7 : memref<112x512xf32, #tpu.memory_space<vmem>>) offsets(%dma_start3A_79 : memref<112xi32, #tpu.memory_space<vmem>>) semaphore(%arg9 : memref<!tpu.dma_semaphore, #tpu.memory_space<semaphore_mem>>)
    %dma_wait3A_83 = arith.constant 672 : i32
    %dma_wait3A_84 = tpu.memref_slice %arg5[%dma_wait3A_83] : memref<1568xi32, #tpu.memory_space<vmem>> -> memref<112xi32, #tpu.memory_space<vmem>>
    %dma_wait3A_85 = arith.constant 0 : i32
    %dma_wait3A_86 = arith.constant 0 : i32
    %dma_wait3A_87 = tpu.memref_slice %arg2[%dma_wait3A_85, %dma_wait3A_86] : memref<500x512xf32, #tpu.memory_space<hbm>> -> memref<500x512xf32, #tpu.memory_space<hbm>>
    tpu.wait_indirect_dma semaphore(%arg8 : memref<!tpu.dma_semaphore, #tpu.memory_space<semaphore_mem>>) src(%dma_wait3A_87 : memref<500x512xf32, #tpu.memory_space<hbm>>) dst(%arg6 : memref<112x512xf32, #tpu.memory_space<vmem>>)
    %add3A_88 = arith.constant 672 : i32
    %add3A_89 = arith.addi %mul3A_2, %add3A_88 : i32
    "tpu.region"() ({
      %run_scoped3A = tpu.sem_alloc : memref<!tpu.dma_semaphore, #tpu.memory_space<semaphore_mem>>
      %dma_start3A_169 = arith.constant 0 : i32
      %dma_start3A_170 = tpu.memref_slice %arg4[%add3A_89, %dma_start3A_169] : memref<50176x512xf32, #tpu.memory_space<hbm>> -> memref<112x512xf32, #tpu.memory_space<hbm>>
      %dma_start3A_171 = arith.constant 0 : i32
      %dma_start3A_172 = tpu.memref_slice %arg4[%add3A_89, %dma_start3A_171] : memref<50176x512xf32, #tpu.memory_space<hbm>> -> memref<112x512xf32, #tpu.memory_space<hbm>>
      tpu.enqueue_dma source(%arg6 : memref<112x512xf32, #tpu.memory_space<vmem>>) target(%dma_start3A_172 : memref<112x512xf32, #tpu.memory_space<hbm>>) target_semaphore(%run_scoped3A : memref<!tpu.dma_semaphore, #tpu.memory_space<semaphore_mem>>)
      %dma_wait3A_173 = arith.constant 0 : i32
      %dma_wait3A_174 = tpu.memref_slice %arg4[%add3A_89, %dma_wait3A_173] : memref<50176x512xf32, #tpu.memory_space<hbm>> -> memref<112x512xf32, #tpu.memory_space<hbm>>
      %dma_wait3A_175 = arith.constant 0 : i32
      %dma_wait3A_176 = tpu.memref_slice %arg4[%add3A_89, %dma_wait3A_175] : memref<50176x512xf32, #tpu.memory_space<hbm>> -> memref<112x512xf32, #tpu.memory_space<hbm>>
      tpu.wait_dma2 semaphore(%run_scoped3A : memref<!tpu.dma_semaphore, #tpu.memory_space<semaphore_mem>>) src(%arg6 : memref<112x512xf32, #tpu.memory_space<vmem>>) dst(%dma_wait3A_176 : memref<112x512xf32, #tpu.memory_space<hbm>>)
      tpu.yield
    }) : () -> ()
    %dma_start3A_90 = arith.constant 896 : i32
    %dma_start3A_91 = tpu.memref_slice %arg5[%dma_start3A_90] : memref<1568xi32, #tpu.memory_space<vmem>> -> memref<112xi32, #tpu.memory_space<vmem>>
    %dma_start3A_92 = arith.constant 0 : i32
    %dma_start3A_93 = arith.constant 0 : i32
    %dma_start3A_94 = tpu.memref_slice %arg2[%dma_start3A_92, %dma_start3A_93] : memref<500x512xf32, #tpu.memory_space<hbm>> -> memref<500x512xf32, #tpu.memory_space<hbm>>
    tpu.enqueue_indirect_dma source(%dma_start3A_94 : memref<500x512xf32, #tpu.memory_space<hbm>>) target(%arg6 : memref<112x512xf32, #tpu.memory_space<vmem>>) offsets(%dma_start3A_91 : memref<112xi32, #tpu.memory_space<vmem>>) semaphore(%arg8 : memref<!tpu.dma_semaphore, #tpu.memory_space<semaphore_mem>>)
    %dma_wait3A_95 = arith.constant 784 : i32
    %dma_wait3A_96 = tpu.memref_slice %arg5[%dma_wait3A_95] : memref<1568xi32, #tpu.memory_space<vmem>> -> memref<112xi32, #tpu.memory_space<vmem>>
    %dma_wait3A_97 = arith.constant 0 : i32
    %dma_wait3A_98 = arith.constant 0 : i32
    %dma_wait3A_99 = tpu.memref_slice %arg2[%dma_wait3A_97, %dma_wait3A_98] : memref<500x512xf32, #tpu.memory_space<hbm>> -> memref<500x512xf32, #tpu.memory_space<hbm>>
    tpu.wait_indirect_dma semaphore(%arg9 : memref<!tpu.dma_semaphore, #tpu.memory_space<semaphore_mem>>) src(%dma_wait3A_99 : memref<500x512xf32, #tpu.memory_space<hbm>>) dst(%arg7 : memref<112x512xf32, #tpu.memory_space<vmem>>)
    %add3A_100 = arith.constant 784 : i32
    %add3A_101 = arith.addi %mul3A_2, %add3A_100 : i32
    "tpu.region"() ({
      %run_scoped3A = tpu.sem_alloc : memref<!tpu.dma_semaphore, #tpu.memory_space<semaphore_mem>>
      %dma_start3A_169 = arith.constant 0 : i32
      %dma_start3A_170 = tpu.memref_slice %arg4[%add3A_101, %dma_start3A_169] : memref<50176x512xf32, #tpu.memory_space<hbm>> -> memref<112x512xf32, #tpu.memory_space<hbm>>
      %dma_start3A_171 = arith.constant 0 : i32
      %dma_start3A_172 = tpu.memref_slice %arg4[%add3A_101, %dma_start3A_171] : memref<50176x512xf32, #tpu.memory_space<hbm>> -> memref<112x512xf32, #tpu.memory_space<hbm>>
      tpu.enqueue_dma source(%arg7 : memref<112x512xf32, #tpu.memory_space<vmem>>) target(%dma_start3A_172 : memref<112x512xf32, #tpu.memory_space<hbm>>) target_semaphore(%run_scoped3A : memref<!tpu.dma_semaphore, #tpu.memory_space<semaphore_mem>>)
      %dma_wait3A_173 = arith.constant 0 : i32
      %dma_wait3A_174 = tpu.memref_slice %arg4[%add3A_101, %dma_wait3A_173] : memref<50176x512xf32, #tpu.memory_space<hbm>> -> memref<112x512xf32, #tpu.memory_space<hbm>>
      %dma_wait3A_175 = arith.constant 0 : i32
      %dma_wait3A_176 = tpu.memref_slice %arg4[%add3A_101, %dma_wait3A_175] : memref<50176x512xf32, #tpu.memory_space<hbm>> -> memref<112x512xf32, #tpu.memory_space<hbm>>
      tpu.wait_dma2 semaphore(%run_scoped3A : memref<!tpu.dma_semaphore, #tpu.memory_space<semaphore_mem>>) src(%arg7 : memref<112x512xf32, #tpu.memory_space<vmem>>) dst(%dma_wait3A_176 : memref<112x512xf32, #tpu.memory_space<hbm>>)
      tpu.yield
    }) : () -> ()
    %dma_start3A_102 = arith.constant 1008 : i32
    %dma_start3A_103 = tpu.memref_slice %arg5[%dma_start3A_102] : memref<1568xi32, #tpu.memory_space<vmem>> -> memref<112xi32, #tpu.memory_space<vmem>>
    %dma_start3A_104 = arith.constant 0 : i32
    %dma_start3A_105 = arith.constant 0 : i32
    %dma_start3A_106 = tpu.memref_slice %arg2[%dma_start3A_104, %dma_start3A_105] : memref<500x512xf32, #tpu.memory_space<hbm>> -> memref<500x512xf32, #tpu.memory_space<hbm>>
    tpu.enqueue_indirect_dma source(%dma_start3A_106 : memref<500x512xf32, #tpu.memory_space<hbm>>) target(%arg7 : memref<112x512xf32, #tpu.memory_space<vmem>>) offsets(%dma_start3A_103 : memref<112xi32, #tpu.memory_space<vmem>>) semaphore(%arg9 : memref<!tpu.dma_semaphore, #tpu.memory_space<semaphore_mem>>)
    %dma_wait3A_107 = arith.constant 896 : i32
    %dma_wait3A_108 = tpu.memref_slice %arg5[%dma_wait3A_107] : memref<1568xi32, #tpu.memory_space<vmem>> -> memref<112xi32, #tpu.memory_space<vmem>>
    %dma_wait3A_109 = arith.constant 0 : i32
    %dma_wait3A_110 = arith.constant 0 : i32
    %dma_wait3A_111 = tpu.memref_slice %arg2[%dma_wait3A_109, %dma_wait3A_110] : memref<500x512xf32, #tpu.memory_space<hbm>> -> memref<500x512xf32, #tpu.memory_space<hbm>>
    tpu.wait_indirect_dma semaphore(%arg8 : memref<!tpu.dma_semaphore, #tpu.memory_space<semaphore_mem>>) src(%dma_wait3A_111 : memref<500x512xf32, #tpu.memory_space<hbm>>) dst(%arg6 : memref<112x512xf32, #tpu.memory_space<vmem>>)
    %add3A_112 = arith.constant 896 : i32
    %add3A_113 = arith.addi %mul3A_2, %add3A_112 : i32
    "tpu.region"() ({
      %run_scoped3A = tpu.sem_alloc : memref<!tpu.dma_semaphore, #tpu.memory_space<semaphore_mem>>
      %dma_start3A_169 = arith.constant 0 : i32
      %dma_start3A_170 = tpu.memref_slice %arg4[%add3A_113, %dma_start3A_169] : memref<50176x512xf32, #tpu.memory_space<hbm>> -> memref<112x512xf32, #tpu.memory_space<hbm>>
      %dma_start3A_171 = arith.constant 0 : i32
      %dma_start3A_172 = tpu.memref_slice %arg4[%add3A_113, %dma_start3A_171] : memref<50176x512xf32, #tpu.memory_space<hbm>> -> memref<112x512xf32, #tpu.memory_space<hbm>>
      tpu.enqueue_dma source(%arg6 : memref<112x512xf32, #tpu.memory_space<vmem>>) target(%dma_start3A_172 : memref<112x512xf32, #tpu.memory_space<hbm>>) target_semaphore(%run_scoped3A : memref<!tpu.dma_semaphore, #tpu.memory_space<semaphore_mem>>)
      %dma_wait3A_173 = arith.constant 0 : i32
      %dma_wait3A_174 = tpu.memref_slice %arg4[%add3A_113, %dma_wait3A_173] : memref<50176x512xf32, #tpu.memory_space<hbm>> -> memref<112x512xf32, #tpu.memory_space<hbm>>
      %dma_wait3A_175 = arith.constant 0 : i32
      %dma_wait3A_176 = tpu.memref_slice %arg4[%add3A_113, %dma_wait3A_175] : memref<50176x512xf32, #tpu.memory_space<hbm>> -> memref<112x512xf32, #tpu.memory_space<hbm>>
      tpu.wait_dma2 semaphore(%run_scoped3A : memref<!tpu.dma_semaphore, #tpu.memory_space<semaphore_mem>>) src(%arg6 : memref<112x512xf32, #tpu.memory_space<vmem>>) dst(%dma_wait3A_176 : memref<112x512xf32, #tpu.memory_space<hbm>>)
      tpu.yield
    }) : () -> ()
    %dma_start3A_114 = arith.constant 1120 : i32
    %dma_start3A_115 = tpu.memref_slice %arg5[%dma_start3A_114] : memref<1568xi32, #tpu.memory_space<vmem>> -> memref<112xi32, #tpu.memory_space<vmem>>
    %dma_start3A_116 = arith.constant 0 : i32
    %dma_start3A_117 = arith.constant 0 : i32
    %dma_start3A_118 = tpu.memref_slice %arg2[%dma_start3A_116, %dma_start3A_117] : memref<500x512xf32, #tpu.memory_space<hbm>> -> memref<500x512xf32, #tpu.memory_space<hbm>>
    tpu.enqueue_indirect_dma source(%dma_start3A_118 : memref<500x512xf32, #tpu.memory_space<hbm>>) target(%arg6 : memref<112x512xf32, #tpu.memory_space<vmem>>) offsets(%dma_start3A_115 : memref<112xi32, #tpu.memory_space<vmem>>) semaphore(%arg8 : memref<!tpu.dma_semaphore, #tpu.memory_space<semaphore_mem>>)
    %dma_wait3A_119 = arith.constant 1008 : i32
    %dma_wait3A_120 = tpu.memref_slice %arg5[%dma_wait3A_119] : memref<1568xi32, #tpu.memory_space<vmem>> -> memref<112xi32, #tpu.memory_space<vmem>>
    %dma_wait3A_121 = arith.constant 0 : i32
    %dma_wait3A_122 = arith.constant 0 : i32
    %dma_wait3A_123 = tpu.memref_slice %arg2[%dma_wait3A_121, %dma_wait3A_122] : memref<500x512xf32, #tpu.memory_space<hbm>> -> memref<500x512xf32, #tpu.memory_space<hbm>>
    tpu.wait_indirect_dma semaphore(%arg9 : memref<!tpu.dma_semaphore, #tpu.memory_space<semaphore_mem>>) src(%dma_wait3A_123 : memref<500x512xf32, #tpu.memory_space<hbm>>) dst(%arg7 : memref<112x512xf32, #tpu.memory_space<vmem>>)
    %add3A_124 = arith.constant 1008 : i32
    %add3A_125 = arith.addi %mul3A_2, %add3A_124 : i32
    "tpu.region"() ({
      %run_scoped3A = tpu.sem_alloc : memref<!tpu.dma_semaphore, #tpu.memory_space<semaphore_mem>>
      %dma_start3A_169 = arith.constant 0 : i32
      %dma_start3A_170 = tpu.memref_slice %arg4[%add3A_125, %dma_start3A_169] : memref<50176x512xf32, #tpu.memory_space<hbm>> -> memref<112x512xf32, #tpu.memory_space<hbm>>
      %dma_start3A_171 = arith.constant 0 : i32
      %dma_start3A_172 = tpu.memref_slice %arg4[%add3A_125, %dma_start3A_171] : memref<50176x512xf32, #tpu.memory_space<hbm>> -> memref<112x512xf32, #tpu.memory_space<hbm>>
      tpu.enqueue_dma source(%arg7 : memref<112x512xf32, #tpu.memory_space<vmem>>) target(%dma_start3A_172 : memref<112x512xf32, #tpu.memory_space<hbm>>) target_semaphore(%run_scoped3A : memref<!tpu.dma_semaphore, #tpu.memory_space<semaphore_mem>>)
      %dma_wait3A_173 = arith.constant 0 : i32
      %dma_wait3A_174 = tpu.memref_slice %arg4[%add3A_125, %dma_wait3A_173] : memref<50176x512xf32, #tpu.memory_space<hbm>> -> memref<112x512xf32, #tpu.memory_space<hbm>>
      %dma_wait3A_175 = arith.constant 0 : i32
      %dma_wait3A_176 = tpu.memref_slice %arg4[%add3A_125, %dma_wait3A_175] : memref<50176x512xf32, #tpu.memory_space<hbm>> -> memref<112x512xf32, #tpu.memory_space<hbm>>
      tpu.wait_dma2 semaphore(%run_scoped3A : memref<!tpu.dma_semaphore, #tpu.memory_space<semaphore_mem>>) src(%arg7 : memref<112x512xf32, #tpu.memory_space<vmem>>) dst(%dma_wait3A_176 : memref<112x512xf32, #tpu.memory_space<hbm>>)
      tpu.yield
    }) : () -> ()
    %dma_start3A_126 = arith.constant 1232 : i32
    %dma_start3A_127 = tpu.memref_slice %arg5[%dma_start3A_126] : memref<1568xi32, #tpu.memory_space<vmem>> -> memref<112xi32, #tpu.memory_space<vmem>>
    %dma_start3A_128 = arith.constant 0 : i32
    %dma_start3A_129 = arith.constant 0 : i32
    %dma_start3A_130 = tpu.memref_slice %arg2[%dma_start3A_128, %dma_start3A_129] : memref<500x512xf32, #tpu.memory_space<hbm>> -> memref<500x512xf32, #tpu.memory_space<hbm>>
    tpu.enqueue_indirect_dma source(%dma_start3A_130 : memref<500x512xf32, #tpu.memory_space<hbm>>) target(%arg7 : memref<112x512xf32, #tpu.memory_space<vmem>>) offsets(%dma_start3A_127 : memref<112xi32, #tpu.memory_space<vmem>>) semaphore(%arg9 : memref<!tpu.dma_semaphore, #tpu.memory_space<semaphore_mem>>)
    %dma_wait3A_131 = arith.constant 1120 : i32
    %dma_wait3A_132 = tpu.memref_slice %arg5[%dma_wait3A_131] : memref<1568xi32, #tpu.memory_space<vmem>> -> memref<112xi32, #tpu.memory_space<vmem>>
    %dma_wait3A_133 = arith.constant 0 : i32
    %dma_wait3A_134 = arith.constant 0 : i32
    %dma_wait3A_135 = tpu.memref_slice %arg2[%dma_wait3A_133, %dma_wait3A_134] : memref<500x512xf32, #tpu.memory_space<hbm>> -> memref<500x512xf32, #tpu.memory_space<hbm>>
    tpu.wait_indirect_dma semaphore(%arg8 : memref<!tpu.dma_semaphore, #tpu.memory_space<semaphore_mem>>) src(%dma_wait3A_135 : memref<500x512xf32, #tpu.memory_space<hbm>>) dst(%arg6 : memref<112x512xf32, #tpu.memory_space<vmem>>)
    %add3A_136 = arith.constant 1120 : i32
    %add3A_137 = arith.addi %mul3A_2, %add3A_136 : i32
    "tpu.region"() ({
      %run_scoped3A = tpu.sem_alloc : memref<!tpu.dma_semaphore, #tpu.memory_space<semaphore_mem>>
      %dma_start3A_169 = arith.constant 0 : i32
      %dma_start3A_170 = tpu.memref_slice %arg4[%add3A_137, %dma_start3A_169] : memref<50176x512xf32, #tpu.memory_space<hbm>> -> memref<112x512xf32, #tpu.memory_space<hbm>>
      %dma_start3A_171 = arith.constant 0 : i32
      %dma_start3A_172 = tpu.memref_slice %arg4[%add3A_137, %dma_start3A_171] : memref<50176x512xf32, #tpu.memory_space<hbm>> -> memref<112x512xf32, #tpu.memory_space<hbm>>
      tpu.enqueue_dma source(%arg6 : memref<112x512xf32, #tpu.memory_space<vmem>>) target(%dma_start3A_172 : memref<112x512xf32, #tpu.memory_space<hbm>>) target_semaphore(%run_scoped3A : memref<!tpu.dma_semaphore, #tpu.memory_space<semaphore_mem>>)
      %dma_wait3A_173 = arith.constant 0 : i32
      %dma_wait3A_174 = tpu.memref_slice %arg4[%add3A_137, %dma_wait3A_173] : memref<50176x512xf32, #tpu.memory_space<hbm>> -> memref<112x512xf32, #tpu.memory_space<hbm>>
      %dma_wait3A_175 = arith.constant 0 : i32
      %dma_wait3A_176 = tpu.memref_slice %arg4[%add3A_137, %dma_wait3A_175] : memref<50176x512xf32, #tpu.memory_space<hbm>> -> memref<112x512xf32, #tpu.memory_space<hbm>>
      tpu.wait_dma2 semaphore(%run_scoped3A : memref<!tpu.dma_semaphore, #tpu.memory_space<semaphore_mem>>) src(%arg6 : memref<112x512xf32, #tpu.memory_space<vmem>>) dst(%dma_wait3A_176 : memref<112x512xf32, #tpu.memory_space<hbm>>)
      tpu.yield
    }) : () -> ()
    %dma_start3A_138 = arith.constant 1344 : i32
    %dma_start3A_139 = tpu.memref_slice %arg5[%dma_start3A_138] : memref<1568xi32, #tpu.memory_space<vmem>> -> memref<112xi32, #tpu.memory_space<vmem>>
    %dma_start3A_140 = arith.constant 0 : i32
    %dma_start3A_141 = arith.constant 0 : i32
    %dma_start3A_142 = tpu.memref_slice %arg2[%dma_start3A_140, %dma_start3A_141] : memref<500x512xf32, #tpu.memory_space<hbm>> -> memref<500x512xf32, #tpu.memory_space<hbm>>
    tpu.enqueue_indirect_dma source(%dma_start3A_142 : memref<500x512xf32, #tpu.memory_space<hbm>>) target(%arg6 : memref<112x512xf32, #tpu.memory_space<vmem>>) offsets(%dma_start3A_139 : memref<112xi32, #tpu.memory_space<vmem>>) semaphore(%arg8 : memref<!tpu.dma_semaphore, #tpu.memory_space<semaphore_mem>>)
    %dma_wait3A_143 = arith.constant 1232 : i32
    %dma_wait3A_144 = tpu.memref_slice %arg5[%dma_wait3A_143] : memref<1568xi32, #tpu.memory_space<vmem>> -> memref<112xi32, #tpu.memory_space<vmem>>
    %dma_wait3A_145 = arith.constant 0 : i32
    %dma_wait3A_146 = arith.constant 0 : i32
    %dma_wait3A_147 = tpu.memref_slice %arg2[%dma_wait3A_145, %dma_wait3A_146] : memref<500x512xf32, #tpu.memory_space<hbm>> -> memref<500x512xf32, #tpu.memory_space<hbm>>
    tpu.wait_indirect_dma semaphore(%arg9 : memref<!tpu.dma_semaphore, #tpu.memory_space<semaphore_mem>>) src(%dma_wait3A_147 : memref<500x512xf32, #tpu.memory_space<hbm>>) dst(%arg7 : memref<112x512xf32, #tpu.memory_space<vmem>>)
    %add3A_148 = arith.constant 1232 : i32
    %add3A_149 = arith.addi %mul3A_2, %add3A_148 : i32
    "tpu.region"() ({
      %run_scoped3A = tpu.sem_alloc : memref<!tpu.dma_semaphore, #tpu.memory_space<semaphore_mem>>
      %dma_start3A_169 = arith.constant 0 : i32
      %dma_start3A_170 = tpu.memref_slice %arg4[%add3A_149, %dma_start3A_169] : memref<50176x512xf32, #tpu.memory_space<hbm>> -> memref<112x512xf32, #tpu.memory_space<hbm>>
      %dma_start3A_171 = arith.constant 0 : i32
      %dma_start3A_172 = tpu.memref_slice %arg4[%add3A_149, %dma_start3A_171] : memref<50176x512xf32, #tpu.memory_space<hbm>> -> memref<112x512xf32, #tpu.memory_space<hbm>>
      tpu.enqueue_dma source(%arg7 : memref<112x512xf32, #tpu.memory_space<vmem>>) target(%dma_start3A_172 : memref<112x512xf32, #tpu.memory_space<hbm>>) target_semaphore(%run_scoped3A : memref<!tpu.dma_semaphore, #tpu.memory_space<semaphore_mem>>)
      %dma_wait3A_173 = arith.constant 0 : i32
      %dma_wait3A_174 = tpu.memref_slice %arg4[%add3A_149, %dma_wait3A_173] : memref<50176x512xf32, #tpu.memory_space<hbm>> -> memref<112x512xf32, #tpu.memory_space<hbm>>
      %dma_wait3A_175 = arith.constant 0 : i32
      %dma_wait3A_176 = tpu.memref_slice %arg4[%add3A_149, %dma_wait3A_175] : memref<50176x512xf32, #tpu.memory_space<hbm>> -> memref<112x512xf32, #tpu.memory_space<hbm>>
      tpu.wait_dma2 semaphore(%run_scoped3A : memref<!tpu.dma_semaphore, #tpu.memory_space<semaphore_mem>>) src(%arg7 : memref<112x512xf32, #tpu.memory_space<vmem>>) dst(%dma_wait3A_176 : memref<112x512xf32, #tpu.memory_space<hbm>>)
      tpu.yield
    }) : () -> ()
    %dma_start3A_150 = arith.constant 1456 : i32
    %dma_start3A_151 = tpu.memref_slice %arg5[%dma_start3A_150] : memref<1568xi32, #tpu.memory_space<vmem>> -> memref<112xi32, #tpu.memory_space<vmem>>
    %dma_start3A_152 = arith.constant 0 : i32
    %dma_start3A_153 = arith.constant 0 : i32
    %dma_start3A_154 = tpu.memref_slice %arg2[%dma_start3A_152, %dma_start3A_153] : memref<500x512xf32, #tpu.memory_space<hbm>> -> memref<500x512xf32, #tpu.memory_space<hbm>>
    tpu.enqueue_indirect_dma source(%dma_start3A_154 : memref<500x512xf32, #tpu.memory_space<hbm>>) target(%arg7 : memref<112x512xf32, #tpu.memory_space<vmem>>) offsets(%dma_start3A_151 : memref<112xi32, #tpu.memory_space<vmem>>) semaphore(%arg9 : memref<!tpu.dma_semaphore, #tpu.memory_space<semaphore_mem>>)
    %dma_wait3A_155 = arith.constant 1344 : i32
    %dma_wait3A_156 = tpu.memref_slice %arg5[%dma_wait3A_155] : memref<1568xi32, #tpu.memory_space<vmem>> -> memref<112xi32, #tpu.memory_space<vmem>>
    %dma_wait3A_157 = arith.constant 0 : i32
    %dma_wait3A_158 = arith.constant 0 : i32
    %dma_wait3A_159 = tpu.memref_slice %arg2[%dma_wait3A_157, %dma_wait3A_158] : memref<500x512xf32, #tpu.memory_space<hbm>> -> memref<500x512xf32, #tpu.memory_space<hbm>>
    tpu.wait_indirect_dma semaphore(%arg8 : memref<!tpu.dma_semaphore, #tpu.memory_space<semaphore_mem>>) src(%dma_wait3A_159 : memref<500x512xf32, #tpu.memory_space<hbm>>) dst(%arg6 : memref<112x512xf32, #tpu.memory_space<vmem>>)
    %add3A_160 = arith.constant 1344 : i32
    %add3A_161 = arith.addi %mul3A_2, %add3A_160 : i32
    "tpu.region"() ({
      %run_scoped3A = tpu.sem_alloc : memref<!tpu.dma_semaphore, #tpu.memory_space<semaphore_mem>>
      %dma_start3A_169 = arith.constant 0 : i32
      %dma_start3A_170 = tpu.memref_slice %arg4[%add3A_161, %dma_start3A_169] : memref<50176x512xf32, #tpu.memory_space<hbm>> -> memref<112x512xf32, #tpu.memory_space<hbm>>
      %dma_start3A_171 = arith.constant 0 : i32
      %dma_start3A_172 = tpu.memref_slice %arg4[%add3A_161, %dma_start3A_171] : memref<50176x512xf32, #tpu.memory_space<hbm>> -> memref<112x512xf32, #tpu.memory_space<hbm>>
      tpu.enqueue_dma source(%arg6 : memref<112x512xf32, #tpu.memory_space<vmem>>) target(%dma_start3A_172 : memref<112x512xf32, #tpu.memory_space<hbm>>) target_semaphore(%run_scoped3A : memref<!tpu.dma_semaphore, #tpu.memory_space<semaphore_mem>>)
      %dma_wait3A_173 = arith.constant 0 : i32
      %dma_wait3A_174 = tpu.memref_slice %arg4[%add3A_161, %dma_wait3A_173] : memref<50176x512xf32, #tpu.memory_space<hbm>> -> memref<112x512xf32, #tpu.memory_space<hbm>>
      %dma_wait3A_175 = arith.constant 0 : i32
      %dma_wait3A_176 = tpu.memref_slice %arg4[%add3A_161, %dma_wait3A_175] : memref<50176x512xf32, #tpu.memory_space<hbm>> -> memref<112x512xf32, #tpu.memory_space<hbm>>
      tpu.wait_dma2 semaphore(%run_scoped3A : memref<!tpu.dma_semaphore, #tpu.memory_space<semaphore_mem>>) src(%arg6 : memref<112x512xf32, #tpu.memory_space<vmem>>) dst(%dma_wait3A_176 : memref<112x512xf32, #tpu.memory_space<hbm>>)
      tpu.yield
    }) : () -> ()
    %dma_wait3A_162 = arith.constant 1456 : i32
    %dma_wait3A_163 = tpu.memref_slice %arg5[%dma_wait3A_162] : memref<1568xi32, #tpu.memory_space<vmem>> -> memref<112xi32, #tpu.memory_space<vmem>>
    %dma_wait3A_164 = arith.constant 0 : i32
    %dma_wait3A_165 = arith.constant 0 : i32
    %dma_wait3A_166 = tpu.memref_slice %arg2[%dma_wait3A_164, %dma_wait3A_165] : memref<500x512xf32, #tpu.memory_space<hbm>> -> memref<500x512xf32, #tpu.memory_space<hbm>>
    tpu.wait_indirect_dma semaphore(%arg9 : memref<!tpu.dma_semaphore, #tpu.memory_space<semaphore_mem>>) src(%dma_wait3A_166 : memref<500x512xf32, #tpu.memory_space<hbm>>) dst(%arg7 : memref<112x512xf32, #tpu.memory_space<vmem>>)
    %add3A_167 = arith.constant 1456 : i32
    %add3A_168 = arith.addi %mul3A_2, %add3A_167 : i32
    "tpu.region"() ({
      %run_scoped3A = tpu.sem_alloc : memref<!tpu.dma_semaphore, #tpu.memory_space<semaphore_mem>>
      %dma_start3A_169 = arith.constant 0 : i32
      %dma_start3A_170 = tpu.memref_slice %arg4[%add3A_168, %dma_start3A_169] : memref<50176x512xf32, #tpu.memory_space<hbm>> -> memref<112x512xf32, #tpu.memory_space<hbm>>
      %dma_start3A_171 = arith.constant 0 : i32
      %dma_start3A_172 = tpu.memref_slice %arg4[%add3A_168, %dma_start3A_171] : memref<50176x512xf32, #tpu.memory_space<hbm>> -> memref<112x512xf32, #tpu.memory_space<hbm>>
      tpu.enqueue_dma source(%arg7 : memref<112x512xf32, #tpu.memory_space<vmem>>) target(%dma_start3A_172 : memref<112x512xf32, #tpu.memory_space<hbm>>) target_semaphore(%run_scoped3A : memref<!tpu.dma_semaphore, #tpu.memory_space<semaphore_mem>>)
      %dma_wait3A_173 = arith.constant 0 : i32
      %dma_wait3A_174 = tpu.memref_slice %arg4[%add3A_168, %dma_wait3A_173] : memref<50176x512xf32, #tpu.memory_space<hbm>> -> memref<112x512xf32, #tpu.memory_space<hbm>>
      %dma_wait3A_175 = arith.constant 0 : i32
      %dma_wait3A_176 = tpu.memref_slice %arg4[%add3A_168, %dma_wait3A_175] : memref<50176x512xf32, #tpu.memory_space<hbm>> -> memref<112x512xf32, #tpu.memory_space<hbm>>
      tpu.wait_dma2 semaphore(%run_scoped3A : memref<!tpu.dma_semaphore, #tpu.memory_space<semaphore_mem>>) src(%arg7 : memref<112x512xf32, #tpu.memory_space<vmem>>) dst(%dma_wait3A_176 : memref<112x512xf32, #tpu.memory_space<hbm>>)
      tpu.yield
    }) : () -> ()
    return
  }
}

module attributes {stable_mosaic.version = 14 : i64} {
  func.func @_bu_body(%arg0: i32, %arg1: memref<2000x512xf32, #tpu.memory_space<vmem>>, %arg2: memref<1x1x2000xi32, #tpu.memory_space<vmem>>, %arg3: memref<500x512xf32, #tpu.memory_space<vmem>>, %arg4: memref<512x512xf32, #tpu.memory_space<vmem>>, %arg5: memref<1x512xf32, #tpu.memory_space<vmem>>, %arg6: memref<512x1024xbf16, #tpu.memory_space<vmem>>, %arg7: memref<1x1024xf32, #tpu.memory_space<vmem>>, %arg8: memref<512x512xf32, #tpu.memory_space<vmem>>, %arg9: memref<1x512xf32, #tpu.memory_space<vmem>>, %arg10: memref<512x512xf32, #tpu.memory_space<vmem>>, %arg11: memref<1x512xf32, #tpu.memory_space<vmem>>, %arg12: memref<512x512xf32, #tpu.memory_space<vmem>>, %arg13: memref<1x512xf32, #tpu.memory_space<vmem>>, %arg14: memref<500x512xf32, #tpu.memory_space<vmem>>, %arg15: memref<500x512xf32, #tpu.memory_space<vmem>>, %arg16: memref<500x512xf32, #tpu.memory_space<vmem>>, %arg17: memref<1x8xf32, #tpu.memory_space<vmem>>, %arg18: memref<500x8xf32, #tpu.memory_space<vmem>>, %arg19: memref<500x512xf32, #tpu.memory_space<vmem>>) attributes {dimension_semantics = [#tpu.dimension_semantics<arbitrary>], iteration_bounds = array<i64: 25>, scalar_prefetch = 0 : i64, scratch_operands = 4 : i64, tpu.core_type = #tpu.core_type<tc>, window_params = [{transform_indices = @transform_0, window_bounds = array<i64: 2000, 512>}, {transform_indices = @transform_1, window_bounds = array<i64: 1, 1, 2000>}, {pipeline_mode = #tpu.pipeline_mode<synchronous>, transform_indices = @transform_2, window_bounds = array<i64: 500, 512>}, {pipeline_mode = #tpu.pipeline_mode<synchronous>, transform_indices = @transform_3, window_bounds = array<i64: 512, 512>}, {pipeline_mode = #tpu.pipeline_mode<synchronous>, transform_indices = @transform_4, window_bounds = array<i64: 1, 512>}, {pipeline_mode = #tpu.pipeline_mode<synchronous>, transform_indices = @transform_5, window_bounds = array<i64: 512, 1024>}, {pipeline_mode = #tpu.pipeline_mode<synchronous>, transform_indices = @transform_6, window_bounds = array<i64: 1, 1024>}, {pipeline_mode = #tpu.pipeline_mode<synchronous>, transform_indices = @transform_7, window_bounds = array<i64: 512, 512>}, {pipeline_mode = #tpu.pipeline_mode<synchronous>, transform_indices = @transform_8, window_bounds = array<i64: 1, 512>}, {pipeline_mode = #tpu.pipeline_mode<synchronous>, transform_indices = @transform_9, window_bounds = array<i64: 512, 512>}, {pipeline_mode = #tpu.pipeline_mode<synchronous>, transform_indices = @transform_10, window_bounds = array<i64: 1, 512>}, {pipeline_mode = #tpu.pipeline_mode<synchronous>, transform_indices = @transform_11, window_bounds = array<i64: 512, 512>}, {pipeline_mode = #tpu.pipeline_mode<synchronous>, transform_indices = @transform_12, window_bounds = array<i64: 1, 512>}, {pipeline_mode = #tpu.pipeline_mode<synchronous>, transform_indices = @transform_13, window_bounds = array<i64: 500, 512>}, {pipeline_mode = #tpu.pipeline_mode<synchronous>, transform_indices = @transform_14, window_bounds = array<i64: 500, 512>}]} {
    %eq3A = arith.constant 0 : i32
    %eq3A_0 = arith.cmpi eq, %arg0, %eq3A : i32
    %convert_element_type3A = arith.extui %eq3A_0 : i1 to i32
    %cond3A = arith.constant 0 : i32
    %cond3A_1 = arith.cmpi ne, %convert_element_type3A, %cond3A : i32
    scf.if %cond3A_1 {
      %get3A_152 = arith.constant 0 : index
      %get3A_153 = arith.constant 0 : index
      %get3A_154 = vector.load %arg3[%get3A_152, %get3A_153] : memref<500x512xf32, #tpu.memory_space<vmem>>, vector<500x512xf32>
      %get3A_155 = arith.constant 0 : index
      %get3A_156 = arith.constant 0 : index
      %get3A_157 = vector.load %arg4[%get3A_155, %get3A_156] : memref<512x512xf32, #tpu.memory_space<vmem>>, vector<512x512xf32>
      %dot_general3A_158 = arith.constant dense<0.000000e+00> : vector<500x512xf32>
      %dot_general3A_159 = tpu.matmul %get3A_154, %get3A_157, %dot_general3A_158 {dimension_numbers = #tpu.dot_dimension_numbers<[1], [0], [0], [1], [0, 0, 1, 1], [], []>, transpose_lhs_hint = false} : vector<500x512xf32>, vector<512x512xf32>, vector<500x512xf32> -> vector<500x512xf32>
      %get3A_160 = arith.constant 0 : index
      %get3A_161 = arith.constant 0 : index
      %get3A_162 = vector.load %arg5[%get3A_160, %get3A_161] : memref<1x512xf32, #tpu.memory_space<vmem>>, vector<1x512xf32>
      %add3A_163 = vector.broadcast %get3A_162 : vector<1x512xf32> to vector<500x512xf32>
      %add3A_164 = arith.addf %dot_general3A_159, %add3A_163 : vector<500x512xf32>
      %swap3A_165 = arith.constant 0 : index
      %swap3A_166 = arith.constant 0 : index
      %swap3A_167 = vector.load %arg16[%swap3A_165, %swap3A_166] : memref<500x512xf32, #tpu.memory_space<vmem>>, vector<500x512xf32>
      tpu.vector_store %arg16[%swap3A_165, %swap3A_166], %add3A_164 {strides = array<i32>} : memref<500x512xf32, #tpu.memory_space<vmem>>, vector<500x512xf32>,
      %broadcast_in_dim3A_168 = arith.constant -1.000000e+30 : f32
      %broadcast_in_dim3A_169 = vector.broadcast %broadcast_in_dim3A_168 : f32 to vector<1x8xf32>
      %swap3A_170 = arith.constant 0 : index
      %swap3A_171 = arith.constant 0 : index
      %swap3A_172 = vector.load %arg17[%swap3A_170, %swap3A_171] : memref<1x8xf32, #tpu.memory_space<vmem>>, vector<1x8xf32>
      tpu.vector_store %arg17[%swap3A_170, %swap3A_171], %broadcast_in_dim3A_169 {strides = array<i32>} : memref<1x8xf32, #tpu.memory_space<vmem>>, vector<1x8xf32>,
      %broadcast_in_dim3A_173 = arith.constant 0.000000e+00 : f32
      %broadcast_in_dim3A_174 = vector.broadcast %broadcast_in_dim3A_173 : f32 to vector<500x8xf32>
      %swap3A_175 = arith.constant 0 : index
      %swap3A_176 = arith.constant 0 : index
      %swap3A_177 = vector.load %arg18[%swap3A_175, %swap3A_176] : memref<500x8xf32, #tpu.memory_space<vmem>>, vector<500x8xf32>
      tpu.vector_store %arg18[%swap3A_175, %swap3A_176], %broadcast_in_dim3A_174 {strides = array<i32>} : memref<500x8xf32, #tpu.memory_space<vmem>>, vector<500x8xf32>,
      %broadcast_in_dim3A_178 = arith.constant 0.000000e+00 : f32
      %broadcast_in_dim3A_179 = vector.broadcast %broadcast_in_dim3A_178 : f32 to vector<500x512xf32>
      %swap3A_180 = arith.constant 0 : index
      %swap3A_181 = arith.constant 0 : index
      %swap3A_182 = vector.load %arg19[%swap3A_180, %swap3A_181] : memref<500x512xf32, #tpu.memory_space<vmem>>, vector<500x512xf32>
      tpu.vector_store %arg19[%swap3A_180, %swap3A_181], %broadcast_in_dim3A_179 {strides = array<i32>} : memref<500x512xf32, #tpu.memory_space<vmem>>, vector<500x512xf32>,
    } else {
    }
    %get3A = arith.constant 0 : index
    %get3A_2 = arith.constant 0 : index
    %get3A_3 = vector.load %arg1[%get3A, %get3A_2] : memref<2000x512xf32, #tpu.memory_space<vmem>>, vector<2000x512xf32>
    %convert_element_type3A_4 = arith.truncf %get3A_3 : vector<2000x512xf32> to vector<2000x512xbf16>
    %get3A_5 = arith.constant 0 : index
    %get3A_6 = arith.constant 0 : index
    %get3A_7 = arith.constant 0 : index
    %get3A_8 = vector.load %arg2[%get3A_5, %get3A_6, %get3A_7] : memref<1x1x2000xi32, #tpu.memory_space<vmem>>, vector<1x1x2000xi32>
    %get3A_9 = vector.shape_cast %get3A_8 : vector<1x1x2000xi32> to vector<2000xi32>
    %broadcast_in_dim3A = vector.shape_cast %get3A_9 : vector<2000xi32> to vector<2000x1xi32>
    %iota3A = tpu.iota {dimensions = array<i32: 1>} : vector<2000x500xi32>
    %eq3A_10 = vector.broadcast %broadcast_in_dim3A : vector<2000x1xi32> to vector<2000x500xi32>
    %eq3A_11 = arith.cmpi eq, %eq3A_10, %iota3A : vector<2000x500xi32>
    %convert_element_type3A_12 = arith.extui %eq3A_11 : vector<2000x500xi1> to vector<2000x500xi32>
    %convert_element_type3A_13 = arith.sitofp %convert_element_type3A_12 : vector<2000x500xi32> to vector<2000x500xf32>
    %convert_element_type3A_14 = arith.truncf %convert_element_type3A_13 : vector<2000x500xf32> to vector<2000x500xbf16>
    %iota3A_15 = tpu.iota {dimensions = array<i32: 0>} : vector<512x8xi32>
    %jit3A = arith.constant 64 : i32
    %div3A = vector.broadcast %jit3A : i32 to vector<512x8xi32>
    %div3A_16 = arith.divsi %iota3A_15, %div3A : vector<512x8xi32>
    %sign3A = arith.constant 0 : i32
    %sign3A_17 = vector.broadcast %sign3A : i32 to vector<512x8xi32>
    %sign3A_18 = arith.cmpi sgt, %iota3A_15, %sign3A_17 : vector<512x8xi32>
    %sign3A_19 = arith.extui %sign3A_18 : vector<512x8xi1> to vector<512x8xi32>
    %sign3A_20 = arith.constant 0 : i32
    %sign3A_21 = vector.broadcast %sign3A_20 : i32 to vector<512x8xi32>
    %sign3A_22 = arith.cmpi slt, %iota3A_15, %sign3A_21 : vector<512x8xi32>
    %sign3A_23 = arith.extui %sign3A_22 : vector<512x8xi1> to vector<512x8xi32>
    %sign3A_24 = arith.subi %sign3A_19, %sign3A_23 : vector<512x8xi32>
    %sign3A_25 = arith.constant 0 : i32
    %sign3A_26 = arith.cmpi sgt, %jit3A, %sign3A_25 : i32
    %sign3A_27 = arith.extui %sign3A_26 : i1 to i32
    %sign3A_28 = arith.constant 0 : i32
    %sign3A_29 = arith.cmpi slt, %jit3A, %sign3A_28 : i32
    %sign3A_30 = arith.extui %sign3A_29 : i1 to i32
    %sign3A_31 = arith.subi %sign3A_27, %sign3A_30 : i32
    %ne3A = vector.broadcast %sign3A_31 : i32 to vector<512x8xi32>
    %ne3A_32 = arith.cmpi ne, %sign3A_24, %ne3A : vector<512x8xi32>
    %rem3A = vector.broadcast %jit3A : i32 to vector<512x8xi32>
    %rem3A_33 = arith.remsi %iota3A_15, %rem3A : vector<512x8xi32>
    %ne3A_34 = arith.constant 0 : i32
    %ne3A_35 = vector.broadcast %ne3A_34 : i32 to vector<512x8xi32>
    %ne3A_36 = arith.cmpi ne, %rem3A_33, %ne3A_35 : vector<512x8xi32>
    %and3A = arith.andi %ne3A_32, %ne3A_36 : vector<512x8xi1>
    %sub3A = arith.constant 1 : i32
    %sub3A_37 = vector.broadcast %sub3A : i32 to vector<512x8xi32>
    %sub3A_38 = arith.subi %div3A_16, %sub3A_37 : vector<512x8xi32>
    %select_n3A = arith.select %and3A, %sub3A_38, %div3A_16 : vector<512x8xi1>, vector<512x8xi32>
    %iota3A_39 = tpu.iota {dimensions = array<i32: 1>} : vector<512x8xi32>
    %eq3A_40 = arith.cmpi eq, %select_n3A, %iota3A_39 : vector<512x8xi32>
    %convert_element_type3A_41 = arith.extui %eq3A_40 : vector<512x8xi1> to vector<512x8xi32>
    %convert_element_type3A_42 = arith.sitofp %convert_element_type3A_41 : vector<512x8xi32> to vector<512x8xf32>
    %convert_element_type3A_43 = arith.truncf %convert_element_type3A_42 : vector<512x8xf32> to vector<512x8xbf16>
    %iota3A_44 = tpu.iota {dimensions = array<i32: 1>} : vector<8x512xi32>
    %jit3A_45 = arith.constant 64 : i32
    %div3A_46 = vector.broadcast %jit3A_45 : i32 to vector<8x512xi32>
    %div3A_47 = arith.divsi %iota3A_44, %div3A_46 : vector<8x512xi32>
    %sign3A_48 = arith.constant 0 : i32
    %sign3A_49 = vector.broadcast %sign3A_48 : i32 to vector<8x512xi32>
    %sign3A_50 = arith.cmpi sgt, %iota3A_44, %sign3A_49 : vector<8x512xi32>
    %sign3A_51 = arith.extui %sign3A_50 : vector<8x512xi1> to vector<8x512xi32>
    %sign3A_52 = arith.constant 0 : i32
    %sign3A_53 = vector.broadcast %sign3A_52 : i32 to vector<8x512xi32>
    %sign3A_54 = arith.cmpi slt, %iota3A_44, %sign3A_53 : vector<8x512xi32>
    %sign3A_55 = arith.extui %sign3A_54 : vector<8x512xi1> to vector<8x512xi32>
    %sign3A_56 = arith.subi %sign3A_51, %sign3A_55 : vector<8x512xi32>
    %sign3A_57 = arith.constant 0 : i32
    %sign3A_58 = arith.cmpi sgt, %jit3A_45, %sign3A_57 : i32
    %sign3A_59 = arith.extui %sign3A_58 : i1 to i32
    %sign3A_60 = arith.constant 0 : i32
    %sign3A_61 = arith.cmpi slt, %jit3A_45, %sign3A_60 : i32
    %sign3A_62 = arith.extui %sign3A_61 : i1 to i32
    %sign3A_63 = arith.subi %sign3A_59, %sign3A_62 : i32
    %ne3A_64 = vector.broadcast %sign3A_63 : i32 to vector<8x512xi32>
    %ne3A_65 = arith.cmpi ne, %sign3A_56, %ne3A_64 : vector<8x512xi32>
    %rem3A_66 = vector.broadcast %jit3A_45 : i32 to vector<8x512xi32>
    %rem3A_67 = arith.remsi %iota3A_44, %rem3A_66 : vector<8x512xi32>
    %ne3A_68 = arith.constant 0 : i32
    %ne3A_69 = vector.broadcast %ne3A_68 : i32 to vector<8x512xi32>
    %ne3A_70 = arith.cmpi ne, %rem3A_67, %ne3A_69 : vector<8x512xi32>
    %and3A_71 = arith.andi %ne3A_65, %ne3A_70 : vector<8x512xi1>
    %sub3A_72 = arith.constant 1 : i32
    %sub3A_73 = vector.broadcast %sub3A_72 : i32 to vector<8x512xi32>
    %sub3A_74 = arith.subi %div3A_47, %sub3A_73 : vector<8x512xi32>
    %select_n3A_75 = arith.select %and3A_71, %sub3A_74, %div3A_47 : vector<8x512xi1>, vector<8x512xi32>
    %iota3A_76 = tpu.iota {dimensions = array<i32: 0>} : vector<8x512xi32>
    %eq3A_77 = arith.cmpi eq, %select_n3A_75, %iota3A_76 : vector<8x512xi32>
    %convert_element_type3A_78 = arith.extui %eq3A_77 : vector<8x512xi1> to vector<8x512xi32>
    %convert_element_type3A_79 = arith.sitofp %convert_element_type3A_78 : vector<8x512xi32> to vector<8x512xf32>
    %convert_element_type3A_80 = arith.truncf %convert_element_type3A_79 : vector<8x512xf32> to vector<8x512xbf16>
    %get3A_81 = arith.constant 0 : index
    %get3A_82 = arith.constant 0 : index
    %get3A_83 = vector.load %arg6[%get3A_81, %get3A_82] : memref<512x1024xbf16, #tpu.memory_space<vmem>>, vector<512x1024xbf16>
    %dot_general3A = arith.constant dense<0.000000e+00> : vector<2000x1024xf32>
    %dot_general3A_84 = tpu.matmul %convert_element_type3A_4, %get3A_83, %dot_general3A {dimension_numbers = #tpu.dot_dimension_numbers<[1], [0], [0], [1], [0, 0, 1, 1], [], []>, transpose_lhs_hint = false} : vector<2000x512xbf16>, vector<512x1024xbf16>, vector<2000x1024xf32> -> vector<2000x1024xf32>
    %get3A_85 = arith.constant 0 : index
    %get3A_86 = arith.constant 0 : index
    %get3A_87 = vector.load %arg7[%get3A_85, %get3A_86] : memref<1x1024xf32, #tpu.memory_space<vmem>>, vector<1x1024xf32>
    %add3A = vector.broadcast %get3A_87 : vector<1x1024xf32> to vector<2000x1024xf32>
    %add3A_88 = arith.addf %dot_general3A_84, %add3A : vector<2000x1024xf32>
    %slice3A = vector.extract_strided_slice %add3A_88 {offsets = [0, 0], sizes = [2000, 512], strides = [1, 1]} : vector<2000x1024xf32> to vector<2000x512xf32>
    %slice3A_89 = vector.extract_strided_slice %add3A_88 {offsets = [0, 512], sizes = [2000, 512], strides = [1, 1]} : vector<2000x1024xf32> to vector<2000x512xf32>
    %get3A_90 = arith.constant 0 : index
    %get3A_91 = arith.constant 0 : index
    %get3A_92 = vector.load %arg16[%get3A_90, %get3A_91] : memref<500x512xf32, #tpu.memory_space<vmem>>, vector<500x512xf32>
    %convert_element_type3A_93 = arith.truncf %get3A_92 : vector<500x512xf32> to vector<500x512xbf16>
    %dot_general3A_94 = arith.constant dense<0.000000e+00> : vector<2000x512xf32>
    %dot_general3A_95 = tpu.matmul %convert_element_type3A_14, %convert_element_type3A_93, %dot_general3A_94 {dimension_numbers = #tpu.dot_dimension_numbers<[1], [0], [0], [1], [0, 0, 1, 1], [], []>, transpose_lhs_hint = false} : vector<2000x500xbf16>, vector<500x512xbf16>, vector<2000x512xf32> -> vector<2000x512xf32>
    %mul3A = arith.mulf %slice3A, %dot_general3A_95 : vector<2000x512xf32>
    %convert_element_type3A_96 = arith.truncf %mul3A : vector<2000x512xf32> to vector<2000x512xbf16>
    %dot_general3A_97 = arith.constant dense<0.000000e+00> : vector<2000x8xf32>
    %dot_general3A_98 = tpu.matmul %convert_element_type3A_96, %convert_element_type3A_43, %dot_general3A_97 {dimension_numbers = #tpu.dot_dimension_numbers<[1], [0], [0], [1], [0, 0, 1, 1], [], []>, transpose_lhs_hint = false} : vector<2000x512xbf16>, vector<512x8xbf16>, vector<2000x8xf32> -> vector<2000x8xf32>
    %mul3A_99 = arith.constant 1.250000e-01 : f32
    %mul3A_100 = vector.broadcast %mul3A_99 : f32 to vector<2000x8xf32>
    %mul3A_101 = arith.mulf %dot_general3A_98, %mul3A_100 : vector<2000x8xf32>
    %reduce_max3A = arith.constant dense<0xFF800000> : vector<8xf32>
    %reduce_max3A_102 = vector.multi_reduction <maximumf>, %mul3A_101, %reduce_max3A [0] : vector<2000x8xf32> to vector<8xf32>
    %broadcast_in_dim3A_103 = vector.shape_cast %reduce_max3A_102 : vector<8xf32> to vector<1x8xf32>
    %get3A_104 = arith.constant 0 : index
    %get3A_105 = arith.constant 0 : index
    %get3A_106 = vector.load %arg17[%get3A_104, %get3A_105] : memref<1x8xf32, #tpu.memory_space<vmem>>, vector<1x8xf32>
    %max3A = arith.maximumf %get3A_106, %broadcast_in_dim3A_103 : vector<1x8xf32>
    %get3A_107 = arith.constant 0 : index
    %get3A_108 = arith.constant 0 : index
    %get3A_109 = vector.load %arg17[%get3A_107, %get3A_108] : memref<1x8xf32, #tpu.memory_space<vmem>>, vector<1x8xf32>
    %sub3A_110 = arith.subf %get3A_109, %max3A : vector<1x8xf32>
    %exp3A = math.exp %sub3A_110 : vector<1x8xf32>
    %sub3A_111 = vector.broadcast %max3A : vector<1x8xf32> to vector<2000x8xf32>
    %sub3A_112 = arith.subf %mul3A_101, %sub3A_111 : vector<2000x8xf32>
    %exp3A_113 = math.exp %sub3A_112 : vector<2000x8xf32>
    %convert_element_type3A_114 = arith.truncf %exp3A_113 : vector<2000x8xf32> to vector<2000x8xbf16>
    %dot_general3A_115 = arith.constant dense<0.000000e+00> : vector<2000x512xf32>
    %dot_general3A_116 = tpu.matmul %convert_element_type3A_114, %convert_element_type3A_80, %dot_general3A_115 {dimension_numbers = #tpu.dot_dimension_numbers<[1], [0], [0], [1], [0, 0, 1, 1], [], []>, transpose_lhs_hint = false} : vector<2000x8xbf16>, vector<8x512xbf16>, vector<2000x512xf32> -> vector<2000x512xf32>
    %mul3A_117 = arith.mulf %slice3A_89, %dot_general3A_116 : vector<2000x512xf32>
    %convert_element_type3A_118 = arith.truncf %mul3A_117 : vector<2000x512xf32> to vector<2000x512xbf16>
    %convert_element_type3A_119 = arith.truncf %exp3A_113 : vector<2000x8xf32> to vector<2000x8xbf16>
    %concatenate3A = tpu.concatenate %convert_element_type3A_118, %convert_element_type3A_119 in 1 : vector<2000x512xbf16>, vector<2000x8xbf16> -> vector<2000x520xbf16>
    %dot_general3A_120 = arith.constant dense<0.000000e+00> : vector<500x520xf32>
    %dot_general3A_121 = tpu.matmul %convert_element_type3A_14, %concatenate3A, %dot_general3A_120 {dimension_numbers = #tpu.dot_dimension_numbers<[0], [0], [1], [1], [0, 1, 1, 1], [], []>, transpose_lhs_hint = false} : vector<2000x500xbf16>, vector<2000x520xbf16>, vector<500x520xf32> -> vector<500x520xf32>
    %broadcast_in_dim3A_122 = vector.shape_cast %exp3A : vector<1x8xf32> to vector<1x8x1xf32>
    %broadcast_in_dim3A_123 = vector.shape_cast %broadcast_in_dim3A_122 : vector<1x8x1xf32> to vector<1x8x1xf32>
    %broadcast_in_dim3A_124 = vector.broadcast %broadcast_in_dim3A_123 : vector<1x8x1xf32> to vector<1x8x64xf32>
    %reshape3A = vector.shape_cast %broadcast_in_dim3A_124 : vector<1x8x64xf32> to vector<1x512xf32>
    %get3A_125 = arith.constant 0 : index
    %get3A_126 = arith.constant 0 : index
    %get3A_127 = vector.load %arg19[%get3A_125, %get3A_126] : memref<500x512xf32, #tpu.memory_space<vmem>>, vector<500x512xf32>
    %mul3A_128 = vector.broadcast %reshape3A : vector<1x512xf32> to vector<500x512xf32>
    %mul3A_129 = arith.mulf %get3A_127, %mul3A_128 : vector<500x512xf32>
    %slice3A_130 = vector.extract_strided_slice %dot_general3A_121 {offsets = [0, 0], sizes = [500, 512], strides = [1, 1]} : vector<500x520xf32> to vector<500x512xf32>
    %add3A_131 = arith.addf %mul3A_129, %slice3A_130 : vector<500x512xf32>
    %swap3A = arith.constant 0 : index
    %swap3A_132 = arith.constant 0 : index
    %swap3A_133 = vector.load %arg19[%swap3A, %swap3A_132] : memref<500x512xf32, #tpu.memory_space<vmem>>, vector<500x512xf32>
    tpu.vector_store %arg19[%swap3A, %swap3A_132], %add3A_131 {strides = array<i32>} : memref<500x512xf32, #tpu.memory_space<vmem>>, vector<500x512xf32>,
    %get3A_134 = arith.constant 0 : index
    %get3A_135 = arith.constant 0 : index
    %get3A_136 = vector.load %arg18[%get3A_134, %get3A_135] : memref<500x8xf32, #tpu.memory_space<vmem>>, vector<500x8xf32>
    %mul3A_137 = vector.broadcast %exp3A : vector<1x8xf32> to vector<500x8xf32>
    %mul3A_138 = arith.mulf %get3A_136, %mul3A_137 : vector<500x8xf32>
    %slice3A_139 = vector.extract_strided_slice %dot_general3A_121 {offsets = [0, 512], sizes = [500, 8], strides = [1, 1]} : vector<500x520xf32> to vector<500x8xf32>
    %add3A_140 = arith.addf %mul3A_138, %slice3A_139 : vector<500x8xf32>
    %swap3A_141 = arith.constant 0 : index
    %swap3A_142 = arith.constant 0 : index
    %swap3A_143 = vector.load %arg18[%swap3A_141, %swap3A_142] : memref<500x8xf32, #tpu.memory_space<vmem>>, vector<500x8xf32>
    tpu.vector_store %arg18[%swap3A_141, %swap3A_142], %add3A_140 {strides = array<i32>} : memref<500x8xf32, #tpu.memory_space<vmem>>, vector<500x8xf32>,
    %swap3A_144 = arith.constant 0 : index
    %swap3A_145 = arith.constant 0 : index
    %swap3A_146 = vector.load %arg17[%swap3A_144, %swap3A_145] : memref<1x8xf32, #tpu.memory_space<vmem>>, vector<1x8xf32>
    tpu.vector_store %arg17[%swap3A_144, %swap3A_145], %max3A {strides = array<i32>} : memref<1x8xf32, #tpu.memory_space<vmem>>, vector<1x8xf32>,
    %eq3A_147 = arith.constant 24 : i32
    %eq3A_148 = arith.cmpi eq, %arg0, %eq3A_147 : i32
    %convert_element_type3A_149 = arith.extui %eq3A_148 : i1 to i32
    %cond3A_150 = arith.constant 0 : i32
    %cond3A_151 = arith.cmpi ne, %convert_element_type3A_149, %cond3A_150 : i32
    scf.if %cond3A_151 {
      %get3A_152 = arith.constant 0 : index
      %get3A_153 = arith.constant 0 : index
      %get3A_154 = vector.load %arg18[%get3A_152, %get3A_153] : memref<500x8xf32, #tpu.memory_space<vmem>>, vector<500x8xf32>
      %max3A_155 = arith.constant 1.000000e-30 : f32
      %max3A_156 = vector.broadcast %max3A_155 : f32 to vector<500x8xf32>
      %max3A_157 = arith.maximumf %get3A_154, %max3A_156 : vector<500x8xf32>
      %broadcast_in_dim3A_158 = vector.shape_cast %max3A_157 : vector<500x8xf32> to vector<500x8x1xf32>
      %broadcast_in_dim3A_159 = vector.shape_cast %broadcast_in_dim3A_158 : vector<500x8x1xf32> to vector<500x8x1xf32>
      %broadcast_in_dim3A_160 = vector.broadcast %broadcast_in_dim3A_159 : vector<500x8x1xf32> to vector<500x8x64xf32>
      %reshape3A_161 = vector.shape_cast %broadcast_in_dim3A_160 : vector<500x8x64xf32> to vector<500x512xf32>
      %get3A_162 = arith.constant 0 : index
      %get3A_163 = arith.constant 0 : index
      %get3A_164 = vector.load %arg19[%get3A_162, %get3A_163] : memref<500x512xf32, #tpu.memory_space<vmem>>, vector<500x512xf32>
      %div3A_165 = arith.divf %get3A_164, %reshape3A_161 : vector<500x512xf32>
      %get3A_166 = arith.constant 0 : index
      %get3A_167 = arith.constant 0 : index
      %get3A_168 = vector.load %arg8[%get3A_166, %get3A_167] : memref<512x512xf32, #tpu.memory_space<vmem>>, vector<512x512xf32>
      %dot_general3A_169 = arith.constant dense<0.000000e+00> : vector<500x512xf32>
      %dot_general3A_170 = tpu.matmul %div3A_165, %get3A_168, %dot_general3A_169 {dimension_numbers = #tpu.dot_dimension_numbers<[1], [0], [0], [1], [0, 0, 1, 1], [], []>, transpose_lhs_hint = false} : vector<500x512xf32>, vector<512x512xf32>, vector<500x512xf32> -> vector<500x512xf32>
      %get3A_171 = arith.constant 0 : index
      %get3A_172 = arith.constant 0 : index
      %get3A_173 = vector.load %arg9[%get3A_171, %get3A_172] : memref<1x512xf32, #tpu.memory_space<vmem>>, vector<1x512xf32>
      %add3A_174 = vector.broadcast %get3A_173 : vector<1x512xf32> to vector<500x512xf32>
      %add3A_175 = arith.addf %dot_general3A_170, %add3A_174 : vector<500x512xf32>
      %slice3A_176 = vector.extract_strided_slice %get3A_154 {offsets = [0, 0], sizes = [500, 1], strides = [1, 1]} : vector<500x8xf32> to vector<500x1xf32>
      %gt3A = arith.constant 0.000000e+00 : f32
      %gt3A_177 = vector.broadcast %gt3A : f32 to vector<500x1xf32>
      %gt3A_178 = arith.cmpf ogt, %slice3A_176, %gt3A_177 : vector<500x1xf32>
      %get3A_179 = arith.constant 0 : index
      %get3A_180 = arith.constant 0 : index
      %get3A_181 = vector.load %arg3[%get3A_179, %get3A_180] : memref<500x512xf32, #tpu.memory_space<vmem>>, vector<500x512xf32>
      %broadcast_in_dim3A_182 = vector.shape_cast %gt3A_178 : vector<500x1xi1> to vector<500x1xi1>
      %broadcast_in_dim3A_183 = vector.broadcast %broadcast_in_dim3A_182 : vector<500x1xi1> to vector<500x512xi1>
      %select_n3A_184 = arith.select %broadcast_in_dim3A_183, %add3A_175, %get3A_181 : vector<500x512xi1>, vector<500x512xf32>
      %swap3A_185 = arith.constant 0 : index
      %swap3A_186 = arith.constant 0 : index
      %swap3A_187 = vector.load %arg14[%swap3A_185, %swap3A_186] : memref<500x512xf32, #tpu.memory_space<vmem>>, vector<500x512xf32>
      tpu.vector_store %arg14[%swap3A_185, %swap3A_186], %select_n3A_184 {strides = array<i32>} : memref<500x512xf32, #tpu.memory_space<vmem>>, vector<500x512xf32>,
      %get3A_188 = arith.constant 0 : index
      %get3A_189 = arith.constant 0 : index
      %get3A_190 = vector.load %arg10[%get3A_188, %get3A_189] : memref<512x512xf32, #tpu.memory_space<vmem>>, vector<512x512xf32>
      %dot_general3A_191 = arith.constant dense<0.000000e+00> : vector<500x512xf32>
      %dot_general3A_192 = tpu.matmul %select_n3A_184, %get3A_190, %dot_general3A_191 {dimension_numbers = #tpu.dot_dimension_numbers<[1], [0], [0], [1], [0, 0, 1, 1], [], []>, transpose_lhs_hint = false} : vector<500x512xf32>, vector<512x512xf32>, vector<500x512xf32> -> vector<500x512xf32>
      %get3A_193 = arith.constant 0 : index
      %get3A_194 = arith.constant 0 : index
      %get3A_195 = vector.load %arg11[%get3A_193, %get3A_194] : memref<1x512xf32, #tpu.memory_space<vmem>>, vector<1x512xf32>
      %add3A_196 = vector.broadcast %get3A_195 : vector<1x512xf32> to vector<500x512xf32>
      %add3A_197 = arith.addf %dot_general3A_192, %add3A_196 : vector<500x512xf32>
      %get3A_198 = arith.constant 0 : index
      %get3A_199 = arith.constant 0 : index
      %get3A_200 = vector.load %arg12[%get3A_198, %get3A_199] : memref<512x512xf32, #tpu.memory_space<vmem>>, vector<512x512xf32>
      %dot_general3A_201 = arith.constant dense<0.000000e+00> : vector<500x512xf32>
      %dot_general3A_202 = tpu.matmul %add3A_197, %get3A_200, %dot_general3A_201 {dimension_numbers = #tpu.dot_dimension_numbers<[1], [0], [0], [1], [0, 0, 1, 1], [], []>, transpose_lhs_hint = false} : vector<500x512xf32>, vector<512x512xf32>, vector<500x512xf32> -> vector<500x512xf32>
      %get3A_203 = arith.constant 0 : index
      %get3A_204 = arith.constant 0 : index
      %get3A_205 = vector.load %arg13[%get3A_203, %get3A_204] : memref<1x512xf32, #tpu.memory_space<vmem>>, vector<1x512xf32>
      %add3A_206 = vector.broadcast %get3A_205 : vector<1x512xf32> to vector<500x512xf32>
      %add3A_207 = arith.addf %dot_general3A_202, %add3A_206 : vector<500x512xf32>
      %swap3A_208 = arith.constant 0 : index
      %swap3A_209 = arith.constant 0 : index
      %swap3A_210 = vector.load %arg15[%swap3A_208, %swap3A_209] : memref<500x512xf32, #tpu.memory_space<vmem>>, vector<500x512xf32>
      tpu.vector_store %arg15[%swap3A_208, %swap3A_209], %add3A_207 {strides = array<i32>} : memref<500x512xf32, #tpu.memory_space<vmem>>, vector<500x512xf32>,
    } else {
    }
    return
  }
  func.func @transform_0(%arg0: i32) -> (i32, i32) {
    %c0_i32 = arith.constant 0 : i32
    %c0_i32_0 = arith.constant 0 : i32
    return %arg0, %c0_i32 : i32, i32
  }
  func.func @transform_1(%arg0: i32) -> (i32, i32, i32) {
    %c0_i32 = arith.constant 0 : i32
    %c0_i32_0 = arith.constant 0 : i32
    %c0_i32_1 = arith.constant 0 : i32
    return %arg0, %c0_i32, %c0_i32_0 : i32, i32, i32
  }
  func.func @transform_2(%arg0: i32) -> (i32, i32) {
    %c0_i32 = arith.constant 0 : i32
    %c0_i32_0 = arith.constant 0 : i32
    %c0_i32_1 = arith.constant 0 : i32
    return %c0_i32, %c0_i32_0 : i32, i32
  }
  func.func @transform_3(%arg0: i32) -> (i32, i32) {
    %c0_i32 = arith.constant 0 : i32
    %c0_i32_0 = arith.constant 0 : i32
    %c0_i32_1 = arith.constant 0 : i32
    return %c0_i32, %c0_i32_0 : i32, i32
  }
  func.func @transform_4(%arg0: i32) -> (i32, i32) {
    %c0_i32 = arith.constant 0 : i32
    %c0_i32_0 = arith.constant 0 : i32
    %c0_i32_1 = arith.constant 0 : i32
    return %c0_i32, %c0_i32_0 : i32, i32
  }
  func.func @transform_5(%arg0: i32) -> (i32, i32) {
    %c0_i32 = arith.constant 0 : i32
    %c0_i32_0 = arith.constant 0 : i32
    %c0_i32_1 = arith.constant 0 : i32
    return %c0_i32, %c0_i32_0 : i32, i32
  }
  func.func @transform_6(%arg0: i32) -> (i32, i32) {
    %c0_i32 = arith.constant 0 : i32
    %c0_i32_0 = arith.constant 0 : i32
    %c0_i32_1 = arith.constant 0 : i32
    return %c0_i32, %c0_i32_0 : i32, i32
  }
  func.func @transform_7(%arg0: i32) -> (i32, i32) {
    %c0_i32 = arith.constant 0 : i32
    %c0_i32_0 = arith.constant 0 : i32
    %c0_i32_1 = arith.constant 0 : i32
    return %c0_i32, %c0_i32_0 : i32, i32
  }
  func.func @transform_8(%arg0: i32) -> (i32, i32) {
    %c0_i32 = arith.constant 0 : i32
    %c0_i32_0 = arith.constant 0 : i32
    %c0_i32_1 = arith.constant 0 : i32
    return %c0_i32, %c0_i32_0 : i32, i32
  }
  func.func @transform_9(%arg0: i32) -> (i32, i32) {
    %c0_i32 = arith.constant 0 : i32
    %c0_i32_0 = arith.constant 0 : i32
    %c0_i32_1 = arith.constant 0 : i32
    return %c0_i32, %c0_i32_0 : i32, i32
  }
  func.func @transform_10(%arg0: i32) -> (i32, i32) {
    %c0_i32 = arith.constant 0 : i32
    %c0_i32_0 = arith.constant 0 : i32
    %c0_i32_1 = arith.constant 0 : i32
    return %c0_i32, %c0_i32_0 : i32, i32
  }
  func.func @transform_11(%arg0: i32) -> (i32, i32) {
    %c0_i32 = arith.constant 0 : i32
    %c0_i32_0 = arith.constant 0 : i32
    %c0_i32_1 = arith.constant 0 : i32
    return %c0_i32, %c0_i32_0 : i32, i32
  }
  func.func @transform_12(%arg0: i32) -> (i32, i32) {
    %c0_i32 = arith.constant 0 : i32
    %c0_i32_0 = arith.constant 0 : i32
    %c0_i32_1 = arith.constant 0 : i32
    return %c0_i32, %c0_i32_0 : i32, i32
  }
  func.func @transform_13(%arg0: i32) -> (i32, i32) {
    %c0_i32 = arith.constant 0 : i32
    %c0_i32_0 = arith.constant 0 : i32
    %c0_i32_1 = arith.constant 0 : i32
    return %c0_i32, %c0_i32_0 : i32, i32
  }
  func.func @transform_14(%arg0: i32) -> (i32, i32) {
    %c0_i32 = arith.constant 0 : i32
    %c0_i32_0 = arith.constant 0 : i32
    %c0_i32_1 = arith.constant 0 : i32
    return %c0_i32, %c0_i32_0 : i32, i32
  }
}

</mosaic_0001>

<sc_bundles>
// kernel: kernel.4.cloned.1.call-start
scs
__scs_entry_jumppad:
0x0: {  	(pc) =	sbr.rel $0x88, $3  }
0x1: {  	(tag) =	ssettag $0x0;
	lr =	simm.s32 $0x1  }
0x2: {  	[smem:$0x3F96] =	sst lr;
	_ =	strace $0xD0000000  }
0x3: {  	_ = 	snop  }
0x4: {  	_ = 	snop  }
0x5: {  	_ = 	snop  }
0x6: {  	_ = 	snop  }
0x7: {  	_ = 	snop  }
__scs_overlays_trampoline_lowered:
0x8: {  	[smem:$0x3FA5] =	sst s0  }
0x9: {  	[smem:$0x3FA6] =	sst s1  }
0xa: {  	[smem:$0x3FA7] =	sst s2  }
0xb: {  	[smem:$0x3FA8] =	sst s3  }
0xc: {  	[smem:$0x3FA9] =	sst s4  }
0xd: {  	[smem:$0x3FAA] =	sst s5  }
0xe: {  	[smem:$0x3FAB] =	sst s6  }
0xf: {  	[smem:$0x3FAC] =	sst s7  }
0x10: {  	[smem:$0x3FAD] =	sst s8  }
0x11: {  	[smem:$0x3FAE] =	sst s9;
	s0 =	simm.s32 @!p0 $0x0  }
0x12: {  	s1 =	sld [smem:$0x3F94];
	s0 =	simm.s32 @p0 $0x1  }
0x13: {  	[smem:$0x3FAF] =	sst s0;
	s0 =	simm.s32 @!p1 $0x0  }
0x14: {  	s2 =	sld [smem:$0x3F93];
	s0 =	simm.s32 @p1 $0x1  }
0x15: {  	[smem:$0x3FB0] =	sst s0;
	s0 =	simm.s32 @!p2 $0x0  }
0x16: {  	s3 =	sld [smem:$0x3FDB];
	s0 =	simm.s32 @p2 $0x1  }
0x17: {  	s4 =	simm.s32 $0x1BF5;
	[smem:$0x3FB2] =	sst s0  }
0x18: {  	s0 =	sld [smem:$0x3F95];
	_ =	swait.ge [sflag:s4], $0x0  }
0x19: {  	s7 =	sld [smem:$0x3F96]  }
0x1a: {  	s8 =	sadd.s32 $0xFFFFE003, lr  }
0x1b: {  	s9 =	sadd.s32 $0xFFFFFEF7, lr;
	s5 =	simm.s32 $0xFFFFFFFF;
	p2 =	slt.u32 s8, $0xFFFFF086  }
0x1c: {  	p1 =	slt.u32 s9, $0xF7A;
	s5 =	simm.s32 @!p2 $0x0  }
0x1d: {  	s5 =	simm.s32 @p1 $0x1;
	p0 =	seq.s32 s7, s2  }
0x1e: {  	s7 =	smul.u32 @!p0 $0xF7A, s2;
	p2 =	seq.s32 @!p0 s5, $0x0  }
0x1f: {  	s9 =	smul.u32 $0xF7A, s1;
	s8 =	simm.s32 @!p0 $0x1BF5;
	p2 =	por !p2, p0  }
0x20: {  	[sflag:s8] =	ssyncset.s32 @!p0 $0xFFFFF086;
	s6 =	sadd.s32 @!p0 s3, s7;
	s7 =	simm.s32 @!p0 $0x108  }
0x21: {  	s3 =	sadd.s32 s3, s9;
	s6 =	sadd.s32 @!p0 $0x88, s6;
	s7 =	simm.s32 @p2 $0x1082  }
0x22: {  	[simem:s7], [sflag:s8] =	dma.local @!p0 [hbm:s6], $0xF7A  }
0x23: {  	s9 =	sor.u32 $0xD0000000, s2;
	s6 =	simm.s32 $0x108;
	_ =	swait.ge @!p0 [sflag:s8], $0x0  }
0x24: {  	s3 =	sadd.s32 $0x88, s3;
	s6 =	simm.s32 @!p1 $0x1082;
	[sflag:s4] =	ssyncset.s32 $0xFFFFF086  }
0x25: {  	[simem:s6], [sflag:s4] =	dma.local [hbm:s3], $0xF7A  }
0x26: {  	[smem:$0x3F96] =	sst s1;
	(tag) =	ssettag s2;
	_ =	strace s9  }
0x27: {  	s1 =	sld [smem:$0x3FA6]  }
0x28: {  	s2 =	sld [smem:$0x3FA7]  }
0x29: {  	s4 =	sld [smem:$0x3FA9]  }
0x2a: {  	p0 =	seq.s32 s5, $0x0;
	s5 =	sld [smem:$0x3FAA]  }
0x2b: {  	s6 =	sld [smem:$0x3FAB]  }
0x2c: {  	s7 =	sld [smem:$0x3FAC]  }
0x2d: {  	s3 =	simm.s32 $0x108;
	s8 =	sld [smem:$0x3FAD]  }
0x2e: {  	s3 =	simm.s32 @!p0 $0x1082;
	s9 =	sld [smem:$0x3FAE]  }
0x2f: {  	lr =	sadd.s32 s0, s3;
	s0 =	sld [smem:$0x3FA5]  }
0x30: {  	s3 =	sld [smem:$0x3FA8]  }
0x31: {  	[smem:$0x3FB1] =	sst s10  }
0x32: {  	s10 =	sld [smem:$0x3FAF];
	_ =	sdelay $0x3  }
0x33: {  	p0 =	seq.s32 s10, $0x1;
	s10 =	sld [smem:$0x3FB1];
	_ =	sdelay $0x3  }
0x34: {  	[smem:$0x3FB1] =	sst s10  }
0x35: {  	s10 =	sld [smem:$0x3FB0];
	_ =	sdelay $0x3  }
0x36: {  	p1 =	seq.s32 s10, $0x1;
	s10 =	sld [smem:$0x3FB1];
	_ =	sdelay $0x3  }
0x37: {  	[smem:$0x3FB1] =	sst s10  }
0x38: {  	s10 =	sld [smem:$0x3FB2]  }
0x39: {  	_ = 	snop;
	(pc) =	sbr.ind lr, $3  }
0x3a: {  	_ = 	snop  }
0x3b: {  	_ = 	snop  }
0x3c: {  	p2 =	seq.s32 s10, $0x1;
	s10 =	sld [smem:$0x3FB1]  }
0x3d: {  	_ =	shalt  }
0x3e: {  	_ =	shalt  }
0x3f: {  	_ =	shalt  }
0x40: {  	_ =	shalt  }
0x41: {  	_ =	shalt  }
0x42: {  	_ =	shalt  }
0x43: {  	_ =	shalt  }
0x44: {  	_ =	shalt  }
0x45: {  	_ =	shalt  }
0x46: {  	_ =	shalt  }
0x47: {  	_ =	shalt  }
0x48: {  	_ =	shalt  }
0x49: {  	_ =	shalt  }
0x4a: {  	_ =	shalt  }
0x4b: {  	_ =	shalt  }
0x4c: {  	_ =	shalt  }
0x4d: {  	_ =	shalt  }
0x4e: {  	_ =	shalt  }
0x4f: {  	_ =	shalt  }
0x50: {  	_ =	shalt  }
0x51: {  	_ =	shalt  }
0x52: {  	_ =	shalt  }
0x53: {  	_ =	shalt  }
0x54: {  	_ =	shalt  }
0x55: {  	_ =	shalt  }
0x56: {  	_ =	shalt  }
0x57: {  	_ =	shalt  }
0x58: {  	_ =	shalt  }
0x59: {  	_ =	shalt  }
0x5a: {  	_ =	shalt  }
0x5b: {  	_ =	shalt  }
0x5c: {  	_ =	shalt  }
0x5d: {  	_ =	shalt  }
0x5e: {  	_ =	shalt  }
0x5f: {  	_ =	shalt  }
0x60: {  	_ =	shalt  }
0x61: {  	_ =	shalt  }
0x62: {  	_ =	shalt  }
0x63: {  	_ =	shalt  }
0x64: {  	_ =	shalt  }
0x65: {  	_ =	shalt  }
0x66: {  	_ =	shalt  }
0x67: {  	_ =	shalt  }
0x68: {  	_ =	shalt  }
0x69: {  	_ =	shalt  }
0x6a: {  	_ =	shalt  }
0x6b: {  	_ =	shalt  }
0x6c: {  	_ =	shalt  }
0x6d: {  	_ =	shalt  }
0x6e: {  	_ =	shalt  }
0x6f: {  	_ =	shalt  }
0x70: {  	_ =	shalt  }
0x71: {  	_ =	shalt  }
0x72: {  	_ =	shalt  }
0x73: {  	_ =	shalt  }
0x74: {  	_ =	shalt  }
0x75: {  	_ =	shalt  }
0x76: {  	_ =	shalt  }
0x77: {  	_ =	shalt  }
0x78: {  	_ =	shalt  }
0x79: {  	_ =	shalt  }
0x7a: {  	_ =	shalt  }
0x7b: {  	_ =	shalt  }
0x7c: {  	_ =	shalt  }
0x7d: {  	_ =	shalt  }
0x7e: {  	_ =	shalt  }
0x7f: {  	_ =	shalt  }
0x80: {  	_ =	shalt  }
0x81: {  	_ =	shalt  }
0x82: {  	_ =	shalt  }
0x83: {  	_ =	shalt  }
0x84: {  	_ =	shalt  }
0x85: {  	_ =	shalt  }
0x86: {  	_ =	shalt  }
0x87: {  	_ =	shalt  }
.Lfunc_end0:
.L_simem_size_0:
called_computation_lowered:
.L_overlay_start_0:
0x88: {  	s2 =	sld [smem:$0x3FD9]  }
0x89: {  	s3 =	sld [smem:$0x3FFE];
	_ =	sdelay $0x1  }
0x8a: {  	s1 =	srdreg.scid  }
0x8b: {  	s0 =	sand.u32 $0x1, s1  }
0x8c: {  	s14 =	sshll.u32 s0, $0xA;
	s2 =	sadd.s32 s3, s2  }
0x8d: {  	s2 =	sadd.s32 s2, s14  }
0x8e: {  	[smem:$0x3FBD] =	sst s2  }
0x8f: {  	_ = 	snop  }
0x90: {  	s2 =	sld [smem:$0x3FD0];
	_ =	sdelay $0x2  }
0x91: {  	s15 =	simm.s32 $0xA;
	s4 =	simm.s32 $0x10  }
0x92: {  	[smem:s4], [sflag:s15] =	dma.local [hbm:s2], $0x1  }
0x93: {  	_ =	swait.eq [sflag:s15], $0x1  }
0x94: {  	[sflag:s15] =	ssyncset.done $0x0  }
0x95: {  	[sflag:s15] =	ssyncadd.s32 $0xFFFFFFFF  }
0x96: {  	s16 =	sld [smem:$0x10];
	(tm) =	ssettm $0x1  }
0x97: {  	s17 =	sld [smem:$0x3FFB];
	_ =	sdelay $0x3  }
0x98: {  	_ =	strace s17  }
0x99: {  	s3 =	sld [smem:$0x3FFC];
	_ =	sdelay $0x3  }
0x9a: {  	_ =	strace s3  }
0x9b: {  	s3 =	sld [smem:$0x3FFD];
	_ =	sdelay $0x3  }
0x9c: {  	_ =	strace s3  }
0x9d: {  	_ =	strace $0x8FFFFFFF  }
0x9e: {  	s18 =	sld [smem:$0x3FDB];
	_ =	sdelay $0x1  }
0x9f: {  	s19 =	simm.s32 $_scs_section_size  }
0xa0: {  	s5 =	simm.s32 $_size__tile_overlayer_lowered;
	s6 =	simm.s32 $_tile_overlayer_lowered  }
0xa1: {  	s22 =	simm.s32 $0x1BFF;
	s21 =	sshll.u32 s6, $0x1;
	s3 =	sadd.s32 s19, s18  }
0xa2: {  	s7 =	simm.s32 $0x0;
	s20 =	sshll.u32 s5, $0x1;
	s5 =	sadd.s32 s21, s3  }
0xa3: {  	[timem:s7], [sflag:s22] =	dma.local [hbm:s5], s20  }
0xa4: {  	_ =	swait.ge [sflag:s22], s20  }
0xa5: {  	s4 =	ssub.s32 $0x0, s20;
	[sflag:s22] =	ssyncset.done $0x0  }
0xa6: {  	[sflag:s22] =	ssyncadd.s32 s4;
	_ =	sdelay $0x1  }
0xa7: {  	s23 =	simm.s32 $0x1B8B  }
0xa8: {  	_ =	swait.ge [sflag:s23], $0x1  }
0xa9: {  	[sflag:s23] =	ssyncset.done $0x0  }
0xaa: {  	s25 =	simm.s32 $0x1B8E;
	s24 =	sld [smem:$0x3FFE];
	[sflag:s23] =	ssyncadd.s32 $0xFFFFFFFF  }
0xab: {  	s26 =	simm.s32 $execute0_lowered;
	[smem:$0x3FD2] =	sst s25  }
0xac: {  	s5 =	sshll.u32 s26, $0x1;
	_ =	strace $0x80000046;
	[dreg:$0x1] =	wrdreg $0xFFFFFFFF  }
0xad: {  	s28 =	simm.s32 $_size_execute0_lowered;
	s3 =	sadd.s32 s3, s5;
	[dreg:$0x0] =	wrdreg $0x0  }
0xae: {  	s5 =	sshll.u32 s28, $0x1;
	[dreg:$0x2] =	wrdreg s3  }
0xaf: {  	[dreg:$0x3] =	wrdreg s5  }
0xb0: {  	[dreg:$0x4] =	wrdreg $0xC0  }
0xb1: {  	_ =	task [dreg:s7], $0x5FFFF  }
0xb2: {  	[dreg:$0x1] =	wrdreg $0xFFFFFFFF  }
0xb3: {  	[dreg:$0x0] =	wrdreg $0x60  }
0xb4: {  	[dreg:$0x2] =	wrdreg s16  }
0xb5: {  	[dreg:$0x3] =	wrdreg s24  }
0xb6: {  	[dreg:$0x4] =	wrdreg $0x9  }
0xb7: {  	_ =	task.clear_ibuf [dreg:s7], $0x5FFFF;
	_ =	strace $0x90000046  }
0xb8: {  	s29 =	simm.s32 $0x9;
	_ =	strace $0x80000048  }
0xb9: {  	_ =	swait.ge [sflag:s29], $0x1  }
0xba: {  	[sflag:s29] =	ssyncadd.s32 $0xFFFFFFFF  }
0xbb: {  	_ =	strace $0x90000048  }
0xbc: {  	_ =	sfence  }
0xbd: {  	s30 =	sld [smem:$0x0];
	_ =	sdelay $0x2  }
0xbe: {  	s31 =	sshll.u32 s1, $0xD;
	s1 =	sshrl.u32 s1, $0x2  }
0xbf: {  	s3 =	sand.u32 $0x4000, s31;
	s1 =	sadd.s32 s1, s30  }
0xc0: {  	s0 =	sor.u32 s3, s0;
	s1 =	sshll.u32 s1, $0x11  }
0xc1: {  	s0 =	sor.u32 s1, s0  }
0xc2: {  	s0 =	sadd.s32 $0x8F2B, s0  }
0xc3: {  	[sflag:s0] =	ssyncadd.remote.s32 $0x1  }
0xc4: {  	_ =	sfence.sel $0xFFFF  }
0xc5: {  	[dreg:$0x0] =	wrdreg $0xFFFFFFFF;
	(pc) =	sbr.abs _section_cstart, $3  }
0xc6: {  	[dreg:$0x1] =	wrdreg $0xFFFFFFFF  }
0xc7: {  	_ =	task.clear_ibuf [dreg:s7], $0x2FFFF;
	_ =	strace $0x9FFFFFFF  }
0xc8: {  	(tm) =	ssettm $0x7FFFFFFF  }
0xc9: {  	_ =	shalt  }
tec
execute0_lowered:
.L_overlay_start_1:
0x0: {  	(tag) =	ssettag $0x1  }
0x1: {  	s0 =	srdreg.scid;
	s1 =	stileid.u32  }
0x2: {  	s0 =	sand.u32 $0x1, s0;
	s1 =	sshll.u32 s1, $0x1  }
0x3: {  	s2 =	rddreg [dreg:$0x0];
	s1 =	sor.u32 s0, s1  }
0x4: {  	s4 =	rddreg [dreg:$0x1];
	s3 =	simm.s32 $0x0;
	s5 =	smul.u32 $0xC4, s1  }
0x5: {  	[smem:$0x7FF] =	sst s3;
	s6 =	smul.u32 $0xC4000, s1  }
0x6: {  	_ =	strace $0x80000047;
	s1 =	smul.u32 $0x18800, s1;
	s5 =	sadd.s32 s5, s4  }
0x7: {  	s4 =	sadd.s32 $0x3400, s4;
	s6 =	sshrl.u32 s6, $0x3;
	s5 =	sadd.s32 $0x1A00, s5  }
0x8: {  	s1 =	sadd.s32 s4, s1;
	s4 =	sadd.s32 s4, s6;
	[dreg:$0x3] =	wrdreg s5  }
0x9: {  	[dreg:$0x4] =	wrdreg s1;
	s17 =	sadd.s32 $0x1C00, s4  }
0xa: {  	s18 =	sadd.s32 $0x3800, s4;
	[dreg:$0x5] =	wrdreg s17  }
0xb: {  	s19 =	sadd.s32 $0x5400, s4;
	[dreg:$0x6] =	wrdreg s18  }
0xc: {  	s20 =	sadd.s32 $0x7000, s4;
	[dreg:$0x7] =	wrdreg s19  }
0xd: {  	s21 =	sadd.s32 $0x8C00, s4;
	[dreg:$0x8] =	wrdreg s20  }
0xe: {  	s10 =	simm.s32 $0xE680;
	s22 =	sadd.s32 $0xA800, s4;
	[dreg:$0x9] =	wrdreg s21  }
0xf: {  	s14 =	simm.s32 $0x1;
	s23 =	sadd.s32 $0xC400, s4;
	[dreg:$0xa] =	wrdreg s22  }
0x10: {  	s15 =	simm.s32 $0x2;
	s24 =	sadd.s32 $0xE000, s4;
	[dreg:$0xb] =	wrdreg s23  }
0x11: {  	s0 =	ssub.s32 $0x2, s0;
	s25 =	sadd.s32 $0xFC00, s4;
	[dreg:$0xc] =	wrdreg s24  }
0x12: {  	s30 =	sshrl.u32 s0, $0x1;
	s26 =	sadd.s32 $0x11800, s4;
	[dreg:$0xd] =	wrdreg s25  }
0x13: {  	s0 =	ssub.s32 s0, s30;
	s28 =	sadd.s32 $0x13400, s4;
	[dreg:$0xe] =	wrdreg s26  }
0x14: {  	v2 =	vlaneseq.u32;
	s6 =	simm.s32 $0x3;
	s29 =	sadd.s32 $0x15000, s4;
	[dreg:$0xf] =	wrdreg s28  }
0x15: {  	vm0 =	vmmov $0xffff;
	v1 =	vshrl.u32 v2, $0x3;
	s31 =	sadd.s32 $0x16C00, s4;
	s4 =	sadd.s32 $0x100, s2;
	[dreg:$0x10] =	wrdreg s29  }
0x16: {  	v0 =	vand.u32 $0x7, v2;
	v2 =	vor.u32 $0x8, v2;
	v1 =	vmul.u32 $0x8, v1;
	s5 =	smax.u32 s0, $0x1;
	[dreg:$0x11] =	wrdreg s31;
	s17 =	simm.s32 $0x680  }
.LBB2_1:
0x17: {  	s16 =	rddreg [dreg:$0x3]  }
0x18: {  	[tilespmem:s3], [sflag:$0x3] =	stream.linear.gather [hbm4b:s16+s3], $0x620, $0x38;
	[tilespmem:$0x1C680] =	vst v63  }
0x19: {  	_ =	swait.ge [sflag:s6], $0x620  }
0x1a: {  	[sflag:s6] =	ssyncset.done $0x0  }
0x1b: {  	[sflag:s6] =	ssyncadd.s32 $0xFFFFF9E0  }
0x1c: {  	v3 =	vld [tilespmem:$0x0];
	_ =	sdelay $0x4  }
0x1d: {  	v4 =	vshll.u32 v3, $0x2  }
0x1e: {  	v3 =	vand.u32 $0x7, v3;
	v4 =	vand.u32 $0xFFFFFFE0, v4  }
0x1f: {  	v3 =	vor.u32 v3, v4  }
0x20: {  	v4 =	vperm.xlane v3, v0;
	_ =	sdelay $0x1  }
0x21: {  	v4 =	vadd.s32 v1, v4;
	_ =	sdelay $0x1  }
0x22: {  	v3 =	vperm.xlane v3, v2;
	_ =	sdelay $0x1  }
0x23: {  	v3 =	vadd.s32 v1, v3  }
0x24: {  	[tilespmem:s17], [sflag:$0x1] =	stream.indirect_vreg.gather [hbm4b:s2+s3], $0x80, v4, vm0, $0xb8;
	[tilespmem:$0x1C680] =	vst v63  }
0x25: {  	s0 =	simm.s32 $0xE80  }
0x26: {  	[tilespmem:s0], [sflag:$0x1] =	stream.indirect_vreg.gather [hbm4b:s4+s3], $0x80, v4, vm0, $0xb8;
	[tilespmem:$0x1C680] =	vst v63  }
0x27: {  	s29 =	simm.s32 $0x1680  }
0x28: {  	[tilespmem:s29], [sflag:$0x1] =	stream.indirect_vreg.gather [hbm4b:s2+s3], $0x80, v3, vm0, $0xb8;
	[tilespmem:$0x1C680] =	vst v63  }
0x29: {  	s30 =	simm.s32 $0x1E80  }
0x2a: {  	[tilespmem:s30], [sflag:$0x1] =	stream.indirect_vreg.gather [hbm4b:s4+s3], $0x80, v3, vm0, $0xb8;
	[tilespmem:$0x1C680] =	vst v63  }
0x2b: {  	v3 =	vld [tilespmem:$0x10];
	_ =	sdelay $0x4  }
0x2c: {  	v23 =	vshll.u32 v3, $0x2  }
0x2d: {  	v3 =	vand.u32 $0x7, v3;
	v4 =	vand.u32 $0xFFFFFFE0, v23  }
0x2e: {  	v3 =	vor.u32 v3, v4  }
0x2f: {  	v4 =	vperm.xlane v3, v0;
	_ =	sdelay $0x1  }
0x30: {  	v4 =	vadd.s32 v1, v4;
	_ =	sdelay $0x1  }
0x31: {  	v3 =	vperm.xlane v3, v2;
	_ =	sdelay $0x1  }
0x32: {  	s31 =	simm.s32 $0x2680;
	v3 =	vadd.s32 v1, v3  }
0x33: {  	[tilespmem:s31], [sflag:$0x1] =	stream.indirect_vreg.gather [hbm4b:s2+s3], $0x80, v4, vm0, $0xb8;
	[tilespmem:$0x1C680] =	vst v63  }
0x34: {  	s1 =	simm.s32 $0x2E80  }
0x35: {  	[tilespmem:s1], [sflag:$0x1] =	stream.indirect_vreg.gather [hbm4b:s4+s3], $0x80, v4, vm0, $0xb8;
	[tilespmem:$0x1C680] =	vst v63  }
0x36: {  	s8 =	simm.s32 $0x3680  }
0x37: {  	[tilespmem:s8], [sflag:$0x1] =	stream.indirect_vreg.gather [hbm4b:s2+s3], $0x80, v3, vm0, $0xb8;
	[tilespmem:$0x1C680] =	vst v63  }
0x38: {  	s9 =	simm.s32 $0x3E80  }
0x39: {  	[tilespmem:s9], [sflag:$0x1] =	stream.indirect_vreg.gather [hbm4b:s4+s3], $0x80, v3, vm0, $0xb8;
	[tilespmem:$0x1C680] =	vst v63  }
0x3a: {  	v3 =	vld [tilespmem:$0x20];
	_ =	sdelay $0x4  }
0x3b: {  	v24 =	vshll.u32 v3, $0x2  }
0x3c: {  	v3 =	vand.u32 $0x7, v3;
	v4 =	vand.u32 $0xFFFFFFE0, v24  }
0x3d: {  	v3 =	vor.u32 v3, v4  }
0x3e: {  	v4 =	vperm.xlane v3, v0;
	_ =	sdelay $0x1  }
0x3f: {  	v4 =	vadd.s32 v1, v4;
	_ =	sdelay $0x1  }
0x40: {  	v3 =	vperm.xlane v3, v2;
	_ =	sdelay $0x1  }
0x41: {  	s11 =	simm.s32 $0x4680;
	v3 =	vadd.s32 v1, v3  }
0x42: {  	[tilespmem:s11], [sflag:$0x1] =	stream.indirect_vreg.gather [hbm4b:s2+s3], $0x80, v4, vm0, $0xb8;
	[tilespmem:$0x1C680] =	vst v63  }
0x43: {  	s12 =	simm.s32 $0x4E80  }
0x44: {  	[tilespmem:s12], [sflag:$0x1] =	stream.indirect_vreg.gather [hbm4b:s4+s3], $0x80, v4, vm0, $0xb8;
	[tilespmem:$0x1C680] =	vst v63  }
0x45: {  	s13 =	simm.s32 $0x5680  }
0x46: {  	[tilespmem:s13], [sflag:$0x1] =	stream.indirect_vreg.gather [hbm4b:s2+s3], $0x80, v3, vm0, $0xb8;
	[tilespmem:$0x1C680] =	vst v63  }
0x47: {  	s16 =	simm.s32 $0x5E80  }
0x48: {  	[tilespmem:s16], [sflag:$0x1] =	stream.indirect_vreg.gather [hbm4b:s4+s3], $0x80, v3, vm0, $0xb8;
	[tilespmem:$0x1C680] =	vst v63  }
0x49: {  	v3 =	vld [tilespmem:$0x30];
	_ =	sdelay $0x4  }
0x4a: {  	v25 =	vshll.u32 v3, $0x2  }
0x4b: {  	v3 =	vand.u32 $0x7, v3;
	v4 =	vand.u32 $0xFFFFFFE0, v25  }
0x4c: {  	v3 =	vor.u32 v3, v4  }
0x4d: {  	v4 =	vperm.xlane v3, v0;
	_ =	sdelay $0x1  }
0x4e: {  	v4 =	vadd.s32 v1, v4;
	_ =	sdelay $0x1  }
0x4f: {  	v3 =	vperm.xlane v3, v2;
	_ =	sdelay $0x1  }
0x50: {  	s18 =	simm.s32 $0x6680;
	v3 =	vadd.s32 v1, v3  }
0x51: {  	[tilespmem:s18], [sflag:$0x1] =	stream.indirect_vreg.gather [hbm4b:s2+s3], $0x80, v4, vm0, $0xb8;
	[tilespmem:$0x1C680] =	vst v63  }
0x52: {  	s19 =	simm.s32 $0x6E80  }
0x53: {  	[tilespmem:s19], [sflag:$0x1] =	stream.indirect_vreg.gather [hbm4b:s4+s3], $0x80, v4, vm0, $0xb8;
	[tilespmem:$0x1C680] =	vst v63  }
0x54: {  	s20 =	simm.s32 $0x7680  }
0x55: {  	[tilespmem:s20], [sflag:$0x1] =	stream.indirect_vreg.gather [hbm4b:s2+s3], $0x80, v3, vm0, $0xb8;
	[tilespmem:$0x1C680] =	vst v63  }
0x56: {  	s21 =	simm.s32 $0x7E80  }
0x57: {  	[tilespmem:s21], [sflag:$0x1] =	stream.indirect_vreg.gather [hbm4b:s4+s3], $0x80, v3, vm0, $0xb8;
	[tilespmem:$0x1C680] =	vst v63  }
0x58: {  	v3 =	vld [tilespmem:$0x40];
	_ =	sdelay $0x4  }
0x59: {  	v26 =	vshll.u32 v3, $0x2  }
0x5a: {  	v3 =	vand.u32 $0x7, v3;
	v4 =	vand.u32 $0xFFFFFFE0, v26  }
0x5b: {  	v3 =	vor.u32 v3, v4  }
0x5c: {  	v4 =	vperm.xlane v3, v0;
	_ =	sdelay $0x1  }
0x5d: {  	v4 =	vadd.s32 v1, v4;
	_ =	sdelay $0x1  }
0x5e: {  	v3 =	vperm.xlane v3, v2;
	_ =	sdelay $0x1  }
0x5f: {  	s22 =	simm.s32 $0x8680;
	v3 =	vadd.s32 v1, v3  }
0x60: {  	[tilespmem:s22], [sflag:$0x1] =	stream.indirect_vreg.gather [hbm4b:s2+s3], $0x80, v4, vm0, $0xb8;
	[tilespmem:$0x1C680] =	vst v63  }
0x61: {  	s23 =	simm.s32 $0x8E80  }
0x62: {  	[tilespmem:s23], [sflag:$0x1] =	stream.indirect_vreg.gather [hbm4b:s4+s3], $0x80, v4, vm0, $0xb8;
	[tilespmem:$0x1C680] =	vst v63  }
0x63: {  	s24 =	simm.s32 $0x9680  }
0x64: {  	[tilespmem:s24], [sflag:$0x1] =	stream.indirect_vreg.gather [hbm4b:s2+s3], $0x80, v3, vm0, $0xb8;
	[tilespmem:$0x1C680] =	vst v63  }
0x65: {  	s25 =	simm.s32 $0x9E80  }
0x66: {  	[tilespmem:s25], [sflag:$0x1] =	stream.indirect_vreg.gather [hbm4b:s4+s3], $0x80, v3, vm0, $0xb8;
	[tilespmem:$0x1C680] =	vst v63  }
0x67: {  	v3 =	vld [tilespmem:$0x50];
	_ =	sdelay $0x4  }
0x68: {  	v27 =	vshll.u32 v3, $0x2  }
0x69: {  	v3 =	vand.u32 $0x7, v3;
	v4 =	vand.u32 $0xFFFFFFE0, v27  }
0x6a: {  	v3 =	vor.u32 v3, v4  }
0x6b: {  	v4 =	vperm.xlane v3, v0;
	_ =	sdelay $0x1  }
0x6c: {  	v4 =	vadd.s32 v1, v4;
	_ =	sdelay $0x1  }
0x6d: {  	v3 =	vperm.xlane v3, v2;
	_ =	sdelay $0x1  }
0x6e: {  	s26 =	simm.s32 $0xA680;
	v3 =	vadd.s32 v1, v3  }
0x6f: {  	[tilespmem:s26], [sflag:$0x1] =	stream.indirect_vreg.gather [hbm4b:s2+s3], $0x80, v4, vm0, $0xb8;
	[tilespmem:$0x1C680] =	vst v63  }
0x70: {  	s28 =	simm.s32 $0xAE80  }
0x71: {  	[tilespmem:s28], [sflag:$0x1] =	stream.indirect_vreg.gather [hbm4b:s4+s3], $0x80, v4, vm0, $0xb8;
	[tilespmem:$0x1C680] =	vst v63  }
0x72: {  	s29 =	simm.s32 $0xB680  }
0x73: {  	[tilespmem:s29], [sflag:$0x1] =	stream.indirect_vreg.gather [hbm4b:s2+s3], $0x80, v3, vm0, $0xb8;
	[tilespmem:$0x1C680] =	vst v63  }
0x74: {  	s30 =	simm.s32 $0xBE80  }
0x75: {  	[tilespmem:s30], [sflag:$0x1] =	stream.indirect_vreg.gather [hbm4b:s4+s3], $0x80, v3, vm0, $0xb8;
	[tilespmem:$0x1C680] =	vst v63  }
0x76: {  	v3 =	vld [tilespmem:$0x60];
	_ =	sdelay $0x4  }
0x77: {  	v28 =	vshll.u32 v3, $0x2  }
0x78: {  	v3 =	vand.u32 $0x7, v3;
	v4 =	vand.u32 $0xFFFFFFE0, v28  }
0x79: {  	v3 =	vor.u32 v3, v4  }
0x7a: {  	v4 =	vperm.xlane v3, v0;
	_ =	sdelay $0x1  }
0x7b: {  	v4 =	vadd.s32 v1, v4;
	_ =	sdelay $0x1  }
0x7c: {  	v3 =	vperm.xlane v3, v2;
	_ =	sdelay $0x1  }
0x7d: {  	s31 =	simm.s32 $0xC680;
	v3 =	vadd.s32 v1, v3  }
0x7e: {  	[tilespmem:s31], [sflag:$0x1] =	stream.indirect_vreg.gather [hbm4b:s2+s3], $0x80, v4, vm0, $0xb8;
	[tilespmem:$0x1C680] =	vst v63  }
0x7f: {  	s1 =	simm.s32 $0xCE80  }
0x80: {  	[tilespmem:s1], [sflag:$0x1] =	stream.indirect_vreg.gather [hbm4b:s4+s3], $0x80, v4, vm0, $0xb8;
	[tilespmem:$0x1C680] =	vst v63  }
0x81: {  	s16 =	simm.s32 $0xD680  }
0x82: {  	[tilespmem:s16], [sflag:$0x1] =	stream.indirect_vreg.gather [hbm4b:s2+s3], $0x80, v3, vm0, $0xb8;
	[tilespmem:$0x1C680] =	vst v63  }
0x83: {  	s18 =	simm.s32 $0xDE80  }
0x84: {  	[tilespmem:s18], [sflag:$0x1] =	stream.indirect_vreg.gather [hbm4b:s4+s3], $0x80, v3, vm0, $0xb8;
	[tilespmem:$0x1C680] =	vst v63  }
0x85: {  	v3 =	vld [tilespmem:$0x70];
	_ =	sdelay $0x4  }
0x86: {  	v29 =	vshll.u32 v3, $0x2  }
0x87: {  	v3 =	vand.u32 $0x7, v3;
	v4 =	vand.u32 $0xFFFFFFE0, v29  }
0x88: {  	v3 =	vor.u32 v3, v4  }
0x89: {  	v4 =	vperm.xlane v3, v0;
	_ =	sdelay $0x1  }
0x8a: {  	v4 =	vadd.s32 v1, v4;
	_ =	sdelay $0x1  }
0x8b: {  	v3 =	vperm.xlane v3, v2;
	_ =	sdelay $0x1  }
0x8c: {  	v3 =	vadd.s32 v1, v3  }
0x8d: {  	[tilespmem:s10], [sflag:$0x2] =	stream.indirect_vreg.gather [hbm4b:s2+s3], $0x80, v4, vm0, $0xb8;
	[tilespmem:$0x1C680] =	vst v63  }
0x8e: {  	s19 =	simm.s32 $0xEE80  }
0x8f: {  	[tilespmem:s19], [sflag:$0x2] =	stream.indirect_vreg.gather [hbm4b:s4+s3], $0x80, v4, vm0, $0xb8;
	[tilespmem:$0x1C680] =	vst v63  }
0x90: {  	s20 =	simm.s32 $0xF680  }
0x91: {  	[tilespmem:s20], [sflag:$0x2] =	stream.indirect_vreg.gather [hbm4b:s2+s3], $0x80, v3, vm0, $0xb8;
	[tilespmem:$0x1C680] =	vst v63  }
0x92: {  	s21 =	simm.s32 $0xFE80  }
0x93: {  	[tilespmem:s21], [sflag:$0x2] =	stream.indirect_vreg.gather [hbm4b:s4+s3], $0x80, v3, vm0, $0xb8;
	[tilespmem:$0x1C680] =	vst v63  }
0x94: {  	v3 =	vld [tilespmem:$0x80];
	_ =	sdelay $0x4  }
0x95: {  	v30 =	vshll.u32 v3, $0x2  }
0x96: {  	v3 =	vand.u32 $0x7, v3;
	v4 =	vand.u32 $0xFFFFFFE0, v30  }
0x97: {  	v3 =	vor.u32 v3, v4  }
0x98: {  	v4 =	vperm.xlane v3, v0;
	_ =	sdelay $0x1  }
0x99: {  	v4 =	vadd.s32 v1, v4;
	_ =	sdelay $0x1  }
0x9a: {  	v3 =	vperm.xlane v3, v2;
	_ =	sdelay $0x1  }
0x9b: {  	s22 =	simm.s32 $0x10680;
	v3 =	vadd.s32 v1, v3  }
0x9c: {  	[tilespmem:s22], [sflag:$0x2] =	stream.indirect_vreg.gather [hbm4b:s2+s3], $0x80, v4, vm0, $0xb8;
	[tilespmem:$0x1C680] =	vst v63  }
0x9d: {  	s23 =	simm.s32 $0x10E80  }
0x9e: {  	[tilespmem:s23], [sflag:$0x2] =	stream.indirect_vreg.gather [hbm4b:s4+s3], $0x80, v4, vm0, $0xb8;
	[tilespmem:$0x1C680] =	vst v63  }
0x9f: {  	s24 =	simm.s32 $0x11680  }
0xa0: {  	[tilespmem:s24], [sflag:$0x2] =	stream.indirect_vreg.gather [hbm4b:s2+s3], $0x80, v3, vm0, $0xb8;
	[tilespmem:$0x1C680] =	vst v63  }
0xa1: {  	s25 =	simm.s32 $0x11E80  }
0xa2: {  	[tilespmem:s25], [sflag:$0x2] =	stream.indirect_vreg.gather [hbm4b:s4+s3], $0x80, v3, vm0, $0xb8;
	[tilespmem:$0x1C680] =	vst v63  }
0xa3: {  	v3 =	vld [tilespmem:$0x90];
	_ =	sdelay $0x4  }
0xa4: {  	v31 =	vshll.u32 v3, $0x2  }
0xa5: {  	v3 =	vand.u32 $0x7, v3;
	v4 =	vand.u32 $0xFFFFFFE0, v31  }
0xa6: {  	v3 =	vor.u32 v3, v4  }
0xa7: {  	v4 =	vperm.xlane v3, v0;
	_ =	sdelay $0x1  }
0xa8: {  	v4 =	vadd.s32 v1, v4;
	_ =	sdelay $0x1  }
0xa9: {  	v3 =	vperm.xlane v3, v2;
	_ =	sdelay $0x1  }
0xaa: {  	s26 =	simm.s32 $0x12680;
	v3 =	vadd.s32 v1, v3  }
0xab: {  	[tilespmem:s26], [sflag:$0x2] =	stream.indirect_vreg.gather [hbm4b:s2+s3], $0x80, v4, vm0, $0xb8;
	[tilespmem:$0x1C680] =	vst v63  }
0xac: {  	s28 =	simm.s32 $0x12E80  }
0xad: {  	[tilespmem:s28], [sflag:$0x2] =	stream.indirect_vreg.gather [hbm4b:s4+s3], $0x80, v4, vm0, $0xb8;
	[tilespmem:$0x1C680] =	vst v63  }
0xae: {  	s29 =	simm.s32 $0x13680  }
0xaf: {  	[tilespmem:s29], [sflag:$0x2] =	stream.indirect_vreg.gather [hbm4b:s2+s3], $0x80, v3, vm0, $0xb8;
	[tilespmem:$0x1C680] =	vst v63  }
0xb0: {  	s30 =	simm.s32 $0x13E80  }
0xb1: {  	[tilespmem:s30], [sflag:$0x2] =	stream.indirect_vreg.gather [hbm4b:s4+s3], $0x80, v3, vm0, $0xb8;
	[tilespmem:$0x1C680] =	vst v63  }
0xb2: {  	v3 =	vld [tilespmem:$0xA0];
	_ =	sdelay $0x4  }
0xb3: {  	v32 =	vshll.u32 v3, $0x2  }
0xb4: {  	v3 =	vand.u32 $0x7, v3;
	v4 =	vand.u32 $0xFFFFFFE0, v32  }
0xb5: {  	v3 =	vor.u32 v3, v4  }
0xb6: {  	v4 =	vperm.xlane v3, v0;
	_ =	sdelay $0x1  }
0xb7: {  	v4 =	vadd.s32 v1, v4;
	_ =	sdelay $0x1  }
0xb8: {  	v3 =	vperm.xlane v3, v2;
	_ =	sdelay $0x1  }
0xb9: {  	s31 =	simm.s32 $0x14680;
	v3 =	vadd.s32 v1, v3  }
0xba: {  	[tilespmem:s31], [sflag:$0x2] =	stream.indirect_vreg.gather [hbm4b:s2+s3], $0x80, v4, vm0, $0xb8;
	[tilespmem:$0x1C680] =	vst v63  }
0xbb: {  	s0 =	simm.s32 $0x14E80  }
0xbc: {  	[tilespmem:s0], [sflag:$0x2] =	stream.indirect_vreg.gather [hbm4b:s4+s3], $0x80, v4, vm0, $0xb8;
	[tilespmem:$0x1C680] =	vst v63  }
0xbd: {  	s1 =	simm.s32 $0x15680  }
0xbe: {  	[tilespmem:s1], [sflag:$0x2] =	stream.indirect_vreg.gather [hbm4b:s2+s3], $0x80, v3, vm0, $0xb8;
	[tilespmem:$0x1C680] =	vst v63  }
0xbf: {  	s19 =	simm.s32 $0x15E80  }
0xc0: {  	[tilespmem:s19], [sflag:$0x2] =	stream.indirect_vreg.gather [hbm4b:s4+s3], $0x80, v3, vm0, $0xb8;
	[tilespmem:$0x1C680] =	vst v63  }
0xc1: {  	v3 =	vld [tilespmem:$0xB0];
	_ =	sdelay $0x4  }
0xc2: {  	v33 =	vshll.u32 v3, $0x2  }
0xc3: {  	v3 =	vand.u32 $0x7, v3;
	v4 =	vand.u32 $0xFFFFFFE0, v33  }
0xc4: {  	v3 =	vor.u32 v3, v4  }
0xc5: {  	v4 =	vperm.xlane v3, v0;
	_ =	sdelay $0x1  }
0xc6: {  	v4 =	vadd.s32 v1, v4;
	_ =	sdelay $0x1  }
0xc7: {  	v3 =	vperm.xlane v3, v2;
	_ =	sdelay $0x1  }
0xc8: {  	s20 =	simm.s32 $0x16680;
	v3 =	vadd.s32 v1, v3  }
0xc9: {  	[tilespmem:s20], [sflag:$0x2] =	stream.indirect_vreg.gather [hbm4b:s2+s3], $0x80, v4, vm0, $0xb8;
	[tilespmem:$0x1C680] =	vst v63  }
0xca: {  	s21 =	simm.s32 $0x16E80  }
0xcb: {  	[tilespmem:s21], [sflag:$0x2] =	stream.indirect_vreg.gather [hbm4b:s4+s3], $0x80, v4, vm0, $0xb8;
	[tilespmem:$0x1C680] =	vst v63  }
0xcc: {  	s22 =	simm.s32 $0x17680  }
0xcd: {  	[tilespmem:s22], [sflag:$0x2] =	stream.indirect_vreg.gather [hbm4b:s2+s3], $0x80, v3, vm0, $0xb8;
	[tilespmem:$0x1C680] =	vst v63  }
0xce: {  	s23 =	simm.s32 $0x17E80  }
0xcf: {  	[tilespmem:s23], [sflag:$0x2] =	stream.indirect_vreg.gather [hbm4b:s4+s3], $0x80, v3, vm0, $0xb8;
	[tilespmem:$0x1C680] =	vst v63  }
0xd0: {  	v3 =	vld [tilespmem:$0xC0];
	_ =	sdelay $0x4  }
0xd1: {  	v34 =	vshll.u32 v3, $0x2  }
0xd2: {  	v3 =	vand.u32 $0x7, v3;
	v4 =	vand.u32 $0xFFFFFFE0, v34  }
0xd3: {  	v3 =	vor.u32 v3, v4  }
0xd4: {  	v4 =	vperm.xlane v3, v0;
	_ =	sdelay $0x1  }
0xd5: {  	v4 =	vadd.s32 v1, v4;
	_ =	sdelay $0x1  }
0xd6: {  	v3 =	vperm.xlane v3, v2;
	_ =	sdelay $0x1  }
0xd7: {  	s24 =	simm.s32 $0x18680;
	v3 =	vadd.s32 v1, v3  }
0xd8: {  	[tilespmem:s24], [sflag:$0x2] =	stream.indirect_vreg.gather [hbm4b:s2+s3], $0x80, v4, vm0, $0xb8;
	[tilespmem:$0x1C680] =	vst v63  }
0xd9: {  	s25 =	simm.s32 $0x18E80  }
0xda: {  	[tilespmem:s25], [sflag:$0x2] =	stream.indirect_vreg.gather [hbm4b:s4+s3], $0x80, v4, vm0, $0xb8;
	[tilespmem:$0x1C680] =	vst v63  }
0xdb: {  	s26 =	simm.s32 $0x19680  }
0xdc: {  	[tilespmem:s26], [sflag:$0x2] =	stream.indirect_vreg.gather [hbm4b:s2+s3], $0x80, v3, vm0, $0xb8;
	[tilespmem:$0x1C680] =	vst v63  }
0xdd: {  	s28 =	simm.s32 $0x19E80  }
0xde: {  	[tilespmem:s28], [sflag:$0x2] =	stream.indirect_vreg.gather [hbm4b:s4+s3], $0x80, v3, vm0, $0xb8;
	[tilespmem:$0x1C680] =	vst v63  }
0xdf: {  	v3 =	vld [tilespmem:$0xD0];
	_ =	sdelay $0x4  }
0xe0: {  	v35 =	vshll.u32 v3, $0x2  }
0xe1: {  	v3 =	vand.u32 $0x7, v3;
	v4 =	vand.u32 $0xFFFFFFE0, v35  }
0xe2: {  	v3 =	vor.u32 v3, v4  }
0xe3: {  	v4 =	vperm.xlane v3, v0;
	_ =	sdelay $0x1  }
0xe4: {  	v4 =	vadd.s32 v1, v4;
	_ =	sdelay $0x1  }
0xe5: {  	v3 =	vperm.xlane v3, v2;
	_ =	sdelay $0x1  }
0xe6: {  	s29 =	simm.s32 $0x1A680;
	v3 =	vadd.s32 v1, v3  }
0xe7: {  	[tilespmem:s29], [sflag:$0x2] =	stream.indirect_vreg.gather [hbm4b:s2+s3], $0x80, v4, vm0, $0xb8;
	[tilespmem:$0x1C680] =	vst v63  }
0xe8: {  	s30 =	simm.s32 $0x1AE80  }
0xe9: {  	[tilespmem:s30], [sflag:$0x2] =	stream.indirect_vreg.gather [hbm4b:s4+s3], $0x80, v4, vm0, $0xb8;
	[tilespmem:$0x1C680] =	vst v63  }
0xea: {  	s31 =	simm.s32 $0x1B680  }
0xeb: {  	[tilespmem:s31], [sflag:$0x2] =	stream.indirect_vreg.gather [hbm4b:s2+s3], $0x80, v3, vm0, $0xb8;
	[tilespmem:$0x1C680] =	vst v63  }
0xec: {  	s0 =	simm.s32 $0x1BE80  }
0xed: {  	[tilespmem:s0], [sflag:$0x2] =	stream.indirect_vreg.gather [hbm4b:s4+s3], $0x80, v3, vm0, $0xb8;
	[tilespmem:$0x1C680] =	vst v63  }
0xee: {  	_ =	swait.ge [sflag:s14], $0xE000  }
0xef: {  	[sflag:s14] =	ssyncset.done $0x0  }
0xf0: {  	s1 =	rddreg [dreg:$0x4];
	[sflag:s14] =	ssyncadd.s32 $0xFFFF2000  }
0xf1: {  	[hbm4b:s1+s3] =	stream.linear.scatter [tilespmem:s17], [sflag:$0x3], $0xE000, $0x38;
	[tilespmem:$0x1C680] =	vst v63  }
0xf2: {  	_ =	swait.ge [sflag:s6], $0xE000  }
0xf3: {  	[sflag:s6] =	ssyncset.done $0x0  }
0xf4: {  	[sflag:s6] =	ssyncadd.s32 $0xFFFF2000  }
0xf5: {  	v3 =	vld [tilespmem:$0xE0];
	_ =	sdelay $0x4  }
0xf6: {  	v36 =	vshll.u32 v3, $0x2  }
0xf7: {  	v3 =	vand.u32 $0x7, v3;
	v4 =	vand.u32 $0xFFFFFFE0, v36  }
0xf8: {  	v3 =	vor.u32 v3, v4  }
0xf9: {  	v4 =	vperm.xlane v3, v0;
	_ =	sdelay $0x1  }
0xfa: {  	v4 =	vadd.s32 v1, v4;
	_ =	sdelay $0x1  }
0xfb: {  	v3 =	vperm.xlane v3, v2;
	_ =	sdelay $0x1  }
0xfc: {  	v3 =	vadd.s32 v1, v3  }
0xfd: {  	[tilespmem:s17], [sflag:$0x1] =	stream.indirect_vreg.gather [hbm4b:s2+s3], $0x80, v4, vm0, $0xb8;
	[tilespmem:$0x1C680] =	vst v63  }
0xfe: {  	s0 =	simm.s32 $0xE80  }
0xff: {  	[tilespmem:s0], [sflag:$0x1] =	stream.indirect_vreg.gather [hbm4b:s4+s3], $0x80, v4, vm0, $0xb8;
	[tilespmem:$0x1C680] =	vst v63  }
0x100: {  	s1 =	simm.s32 $0x1680  }
0x101: {  	[tilespmem:s1], [sflag:$0x1] =	stream.indirect_vreg.gather [hbm4b:s2+s3], $0x80, v3, vm0, $0xb8;
	[tilespmem:$0x1C680] =	vst v63  }
0x102: {  	s7 =	simm.s32 $0x1E80  }
0x103: {  	[tilespmem:s7], [sflag:$0x1] =	stream.indirect_vreg.gather [hbm4b:s4+s3], $0x80, v3, vm0, $0xb8;
	[tilespmem:$0x1C680] =	vst v63  }
0x104: {  	v3 =	vld [tilespmem:$0xF0];
	_ =	sdelay $0x4  }
0x105: {  	v37 =	vshll.u32 v3, $0x2  }
0x106: {  	v3 =	vand.u32 $0x7, v3;
	v4 =	vand.u32 $0xFFFFFFE0, v37  }
0x107: {  	v3 =	vor.u32 v3, v4  }
0x108: {  	v4 =	vperm.xlane v3, v0;
	_ =	sdelay $0x1  }
0x109: {  	v4 =	vadd.s32 v1, v4;
	_ =	sdelay $0x1  }
0x10a: {  	v3 =	vperm.xlane v3, v2;
	_ =	sdelay $0x1  }
0x10b: {  	s7 =	simm.s32 $0x2680;
	v3 =	vadd.s32 v1, v3  }
0x10c: {  	[tilespmem:s7], [sflag:$0x1] =	stream.indirect_vreg.gather [hbm4b:s2+s3], $0x80, v4, vm0, $0xb8;
	[tilespmem:$0x1C680] =	vst v63  }
0x10d: {  	s19 =	simm.s32 $0x2E80  }
0x10e: {  	[tilespmem:s19], [sflag:$0x1] =	stream.indirect_vreg.gather [hbm4b:s4+s3], $0x80, v4, vm0, $0xb8;
	[tilespmem:$0x1C680] =	vst v63  }
0x10f: {  	s20 =	simm.s32 $0x3680  }
0x110: {  	[tilespmem:s20], [sflag:$0x1] =	stream.indirect_vreg.gather [hbm4b:s2+s3], $0x80, v3, vm0, $0xb8;
	[tilespmem:$0x1C680] =	vst v63  }
0x111: {  	s8 =	simm.s32 $0x3E80  }
0x112: {  	[tilespmem:s8], [sflag:$0x1] =	stream.indirect_vreg.gather [hbm4b:s4+s3], $0x80, v3, vm0, $0xb8;
	[tilespmem:$0x1C680] =	vst v63  }
0x113: {  	v3 =	vld [tilespmem:$0x100];
	_ =	sdelay $0x4  }
0x114: {  	v38 =	vshll.u32 v3, $0x2  }
0x115: {  	v3 =	vand.u32 $0x7, v3;
	v4 =	vand.u32 $0xFFFFFFE0, v38  }
0x116: {  	v3 =	vor.u32 v3, v4  }
0x117: {  	v4 =	vperm.xlane v3, v0;
	_ =	sdelay $0x1  }
0x118: {  	v4 =	vadd.s32 v1, v4;
	_ =	sdelay $0x1  }
0x119: {  	v3 =	vperm.xlane v3, v2;
	_ =	sdelay $0x1  }
0x11a: {  	s21 =	simm.s32 $0x4680;
	v3 =	vadd.s32 v1, v3  }
0x11b: {  	[tilespmem:s21], [sflag:$0x1] =	stream.indirect_vreg.gather [hbm4b:s2+s3], $0x80, v4, vm0, $0xb8;
	[tilespmem:$0x1C680] =	vst v63  }
0x11c: {  	s22 =	simm.s32 $0x4E80  }
0x11d: {  	[tilespmem:s22], [sflag:$0x1] =	stream.indirect_vreg.gather [hbm4b:s4+s3], $0x80, v4, vm0, $0xb8;
	[tilespmem:$0x1C680] =	vst v63  }
0x11e: {  	s23 =	simm.s32 $0x5680  }
0x11f: {  	[tilespmem:s23], [sflag:$0x1] =	stream.indirect_vreg.gather [hbm4b:s2+s3], $0x80, v3, vm0, $0xb8;
	[tilespmem:$0x1C680] =	vst v63  }
0x120: {  	s9 =	simm.s32 $0x5E80  }
0x121: {  	[tilespmem:s9], [sflag:$0x1] =	stream.indirect_vreg.gather [hbm4b:s4+s3], $0x80, v3, vm0, $0xb8;
	[tilespmem:$0x1C680] =	vst v63  }
0x122: {  	v3 =	vld [tilespmem:$0x110];
	_ =	sdelay $0x4  }
0x123: {  	v39 =	vshll.u32 v3, $0x2  }
0x124: {  	v3 =	vand.u32 $0x7, v3;
	v4 =	vand.u32 $0xFFFFFFE0, v39  }
0x125: {  	v3 =	vor.u32 v3, v4  }
0x126: {  	v4 =	vperm.xlane v3, v0;
	_ =	sdelay $0x1  }
0x127: {  	v4 =	vadd.s32 v1, v4;
	_ =	sdelay $0x1  }
0x128: {  	v3 =	vperm.xlane v3, v2;
	_ =	sdelay $0x1  }
0x129: {  	s24 =	simm.s32 $0x6680;
	v3 =	vadd.s32 v1, v3  }
0x12a: {  	[tilespmem:s24], [sflag:$0x1] =	stream.indirect_vreg.gather [hbm4b:s2+s3], $0x80, v4, vm0, $0xb8;
	[tilespmem:$0x1C680] =	vst v63  }
0x12b: {  	s25 =	simm.s32 $0x6E80  }
0x12c: {  	[tilespmem:s25], [sflag:$0x1] =	stream.indirect_vreg.gather [hbm4b:s4+s3], $0x80, v4, vm0, $0xb8;
	[tilespmem:$0x1C680] =	vst v63  }
0x12d: {  	s26 =	simm.s32 $0x7680  }
0x12e: {  	[tilespmem:s26], [sflag:$0x1] =	stream.indirect_vreg.gather [hbm4b:s2+s3], $0x80, v3, vm0, $0xb8;
	[tilespmem:$0x1C680] =	vst v63  }
0x12f: {  	s11 =	simm.s32 $0x7E80  }
0x130: {  	[tilespmem:s11], [sflag:$0x1] =	stream.indirect_vreg.gather [hbm4b:s4+s3], $0x80, v3, vm0, $0xb8;
	[tilespmem:$0x1C680] =	vst v63  }
0x131: {  	v3 =	vld [tilespmem:$0x120];
	_ =	sdelay $0x4  }
0x132: {  	v40 =	vshll.u32 v3, $0x2  }
0x133: {  	v3 =	vand.u32 $0x7, v3;
	v4 =	vand.u32 $0xFFFFFFE0, v40  }
0x134: {  	v3 =	vor.u32 v3, v4  }
0x135: {  	v4 =	vperm.xlane v3, v0;
	_ =	sdelay $0x1  }
0x136: {  	v4 =	vadd.s32 v1, v4;
	_ =	sdelay $0x1  }
0x137: {  	v3 =	vperm.xlane v3, v2;
	_ =	sdelay $0x1  }
0x138: {  	s28 =	simm.s32 $0x8680;
	v3 =	vadd.s32 v1, v3  }
0x139: {  	[tilespmem:s28], [sflag:$0x1] =	stream.indirect_vreg.gather [hbm4b:s2+s3], $0x80, v4, vm0, $0xb8;
	[tilespmem:$0x1C680] =	vst v63  }
0x13a: {  	s29 =	simm.s32 $0x8E80  }
0x13b: {  	[tilespmem:s29], [sflag:$0x1] =	stream.indirect_vreg.gather [hbm4b:s4+s3], $0x80, v4, vm0, $0xb8;
	[tilespmem:$0x1C680] =	vst v63  }
0x13c: {  	s30 =	simm.s32 $0x9680  }
0x13d: {  	[tilespmem:s30], [sflag:$0x1] =	stream.indirect_vreg.gather [hbm4b:s2+s3], $0x80, v3, vm0, $0xb8;
	[tilespmem:$0x1C680] =	vst v63  }
0x13e: {  	s12 =	simm.s32 $0x9E80  }
0x13f: {  	[tilespmem:s12], [sflag:$0x1] =	stream.indirect_vreg.gather [hbm4b:s4+s3], $0x80, v3, vm0, $0xb8;
	[tilespmem:$0x1C680] =	vst v63  }
0x140: {  	v3 =	vld [tilespmem:$0x130];
	_ =	sdelay $0x4  }
0x141: {  	v41 =	vshll.u32 v3, $0x2  }
0x142: {  	v3 =	vand.u32 $0x7, v3;
	v4 =	vand.u32 $0xFFFFFFE0, v41  }
0x143: {  	v3 =	vor.u32 v3, v4  }
0x144: {  	v4 =	vperm.xlane v3, v0;
	_ =	sdelay $0x1  }
0x145: {  	v4 =	vadd.s32 v1, v4;
	_ =	sdelay $0x1  }
0x146: {  	v3 =	vperm.xlane v3, v2;
	_ =	sdelay $0x1  }
0x147: {  	s31 =	simm.s32 $0xA680;
	v3 =	vadd.s32 v1, v3  }
0x148: {  	[tilespmem:s31], [sflag:$0x1] =	stream.indirect_vreg.gather [hbm4b:s2+s3], $0x80, v4, vm0, $0xb8;
	[tilespmem:$0x1C680] =	vst v63  }
0x149: {  	s8 =	simm.s32 $0xAE80  }
0x14a: {  	[tilespmem:s8], [sflag:$0x1] =	stream.indirect_vreg.gather [hbm4b:s4+s3], $0x80, v4, vm0, $0xb8;
	[tilespmem:$0x1C680] =	vst v63  }
0x14b: {  	s9 =	simm.s32 $0xB680  }
0x14c: {  	[tilespmem:s9], [sflag:$0x1] =	stream.indirect_vreg.gather [hbm4b:s2+s3], $0x80, v3, vm0, $0xb8;
	[tilespmem:$0x1C680] =	vst v63  }
0x14d: {  	s13 =	simm.s32 $0xBE80  }
0x14e: {  	[tilespmem:s13], [sflag:$0x1] =	stream.indirect_vreg.gather [hbm4b:s4+s3], $0x80, v3, vm0, $0xb8;
	[tilespmem:$0x1C680] =	vst v63  }
0x14f: {  	v3 =	vld [tilespmem:$0x140];
	_ =	sdelay $0x4  }
0x150: {  	v42 =	vshll.u32 v3, $0x2  }
0x151: {  	v3 =	vand.u32 $0x7, v3;
	v4 =	vand.u32 $0xFFFFFFE0, v42  }
0x152: {  	v3 =	vor.u32 v3, v4  }
0x153: {  	v4 =	vperm.xlane v3, v0;
	_ =	sdelay $0x1  }
0x154: {  	v4 =	vadd.s32 v1, v4;
	_ =	sdelay $0x1  }
0x155: {  	v3 =	vperm.xlane v3, v2;
	_ =	sdelay $0x1  }
0x156: {  	s11 =	simm.s32 $0xC680;
	v3 =	vadd.s32 v1, v3  }
0x157: {  	[tilespmem:s11], [sflag:$0x1] =	stream.indirect_vreg.gather [hbm4b:s2+s3], $0x80, v4, vm0, $0xb8;
	[tilespmem:$0x1C680] =	vst v63  }
0x158: {  	s12 =	simm.s32 $0xCE80  }
0x159: {  	[tilespmem:s12], [sflag:$0x1] =	stream.indirect_vreg.gather [hbm4b:s4+s3], $0x80, v4, vm0, $0xb8;
	[tilespmem:$0x1C680] =	vst v63  }
0x15a: {  	s13 =	simm.s32 $0xD680  }
0x15b: {  	[tilespmem:s13], [sflag:$0x1] =	stream.indirect_vreg.gather [hbm4b:s2+s3], $0x80, v3, vm0, $0xb8;
	[tilespmem:$0x1C680] =	vst v63  }
0x15c: {  	s18 =	simm.s32 $0xDE80  }
0x15d: {  	[tilespmem:s18], [sflag:$0x1] =	stream.indirect_vreg.gather [hbm4b:s4+s3], $0x80, v3, vm0, $0xb8;
	[tilespmem:$0x1C680] =	vst v63  }
0x15e: {  	_ =	swait.ge [sflag:s15], $0xE000  }
0x15f: {  	[sflag:s15] =	ssyncset.done $0x0  }
0x160: {  	s18 =	rddreg [dreg:$0x5];
	[sflag:s15] =	ssyncadd.s32 $0xFFFF2000  }
0x161: {  	[hbm4b:s18+s3] =	stream.linear.scatter [tilespmem:s10], [sflag:$0x3], $0xE000, $0x38;
	[tilespmem:$0x1C680] =	vst v63  }
0x162: {  	_ =	swait.ge [sflag:s6], $0xE000  }
0x163: {  	[sflag:s6] =	ssyncset.done $0x0  }
0x164: {  	[sflag:s6] =	ssyncadd.s32 $0xFFFF2000  }
0x165: {  	v3 =	vld [tilespmem:$0x150];
	_ =	sdelay $0x4  }
0x166: {  	v43 =	vshll.u32 v3, $0x2  }
0x167: {  	v3 =	vand.u32 $0x7, v3;
	v4 =	vand.u32 $0xFFFFFFE0, v43  }
0x168: {  	v3 =	vor.u32 v3, v4  }
0x169: {  	v4 =	vperm.xlane v3, v0;
	_ =	sdelay $0x1  }
0x16a: {  	v4 =	vadd.s32 v1, v4;
	_ =	sdelay $0x1  }
0x16b: {  	v3 =	vperm.xlane v3, v2;
	_ =	sdelay $0x1  }
0x16c: {  	v3 =	vadd.s32 v1, v3  }
0x16d: {  	[tilespmem:s10], [sflag:$0x2] =	stream.indirect_vreg.gather [hbm4b:s2+s3], $0x80, v4, vm0, $0xb8;
	[tilespmem:$0x1C680] =	vst v63  }
0x16e: {  	s18 =	simm.s32 $0xEE80  }
0x16f: {  	[tilespmem:s18], [sflag:$0x2] =	stream.indirect_vreg.gather [hbm4b:s4+s3], $0x80, v4, vm0, $0xb8;
	[tilespmem:$0x1C680] =	vst v63  }
0x170: {  	s16 =	simm.s32 $0xF680  }
0x171: {  	[tilespmem:s16], [sflag:$0x2] =	stream.indirect_vreg.gather [hbm4b:s2+s3], $0x80, v3, vm0, $0xb8;
	[tilespmem:$0x1C680] =	vst v63  }
0x172: {  	s16 =	simm.s32 $0xFE80  }
0x173: {  	[tilespmem:s16], [sflag:$0x2] =	stream.indirect_vreg.gather [hbm4b:s4+s3], $0x80, v3, vm0, $0xb8;
	[tilespmem:$0x1C680] =	vst v63  }
0x174: {  	v3 =	vld [tilespmem:$0x160];
	_ =	sdelay $0x4  }
0x175: {  	v44 =	vshll.u32 v3, $0x2  }
0x176: {  	v3 =	vand.u32 $0x7, v3;
	v4 =	vand.u32 $0xFFFFFFE0, v44  }
0x177: {  	v3 =	vor.u32 v3, v4  }
0x178: {  	v4 =	vperm.xlane v3, v0;
	_ =	sdelay $0x1  }
0x179: {  	v4 =	vadd.s32 v1, v4;
	_ =	sdelay $0x1  }
0x17a: {  	v3 =	vperm.xlane v3, v2;
	_ =	sdelay $0x1  }
0x17b: {  	s16 =	simm.s32 $0x10680;
	v3 =	vadd.s32 v1, v3  }
0x17c: {  	[tilespmem:s16], [sflag:$0x2] =	stream.indirect_vreg.gather [hbm4b:s2+s3], $0x80, v4, vm0, $0xb8;
	[tilespmem:$0x1C680] =	vst v63  }
0x17d: {  	s16 =	simm.s32 $0x10E80  }
0x17e: {  	[tilespmem:s16], [sflag:$0x2] =	stream.indirect_vreg.gather [hbm4b:s4+s3], $0x80, v4, vm0, $0xb8;
	[tilespmem:$0x1C680] =	vst v63  }
0x17f: {  	s16 =	simm.s32 $0x11680  }
0x180: {  	[tilespmem:s16], [sflag:$0x2] =	stream.indirect_vreg.gather [hbm4b:s2+s3], $0x80, v3, vm0, $0xb8;
	[tilespmem:$0x1C680] =	vst v63  }
0x181: {  	s16 =	simm.s32 $0x11E80  }
0x182: {  	[tilespmem:s16], [sflag:$0x2] =	stream.indirect_vreg.gather [hbm4b:s4+s3], $0x80, v3, vm0, $0xb8;
	[tilespmem:$0x1C680] =	vst v63  }
0x183: {  	v3 =	vld [tilespmem:$0x170];
	_ =	sdelay $0x4  }
0x184: {  	v45 =	vshll.u32 v3, $0x2  }
0x185: {  	v3 =	vand.u32 $0x7, v3;
	v4 =	vand.u32 $0xFFFFFFE0, v45  }
0x186: {  	v3 =	vor.u32 v3, v4  }
0x187: {  	v4 =	vperm.xlane v3, v0;
	_ =	sdelay $0x1  }
0x188: {  	v4 =	vadd.s32 v1, v4;
	_ =	sdelay $0x1  }
0x189: {  	v3 =	vperm.xlane v3, v2;
	_ =	sdelay $0x1  }
0x18a: {  	s16 =	simm.s32 $0x12680;
	v3 =	vadd.s32 v1, v3  }
0x18b: {  	[tilespmem:s16], [sflag:$0x2] =	stream.indirect_vreg.gather [hbm4b:s2+s3], $0x80, v4, vm0, $0xb8;
	[tilespmem:$0x1C680] =	vst v63  }
0x18c: {  	s16 =	simm.s32 $0x12E80  }
0x18d: {  	[tilespmem:s16], [sflag:$0x2] =	stream.indirect_vreg.gather [hbm4b:s4+s3], $0x80, v4, vm0, $0xb8;
	[tilespmem:$0x1C680] =	vst v63  }
0x18e: {  	s16 =	simm.s32 $0x13680  }
0x18f: {  	[tilespmem:s16], [sflag:$0x2] =	stream.indirect_vreg.gather [hbm4b:s2+s3], $0x80, v3, vm0, $0xb8;
	[tilespmem:$0x1C680] =	vst v63  }
0x190: {  	s16 =	simm.s32 $0x13E80  }
0x191: {  	[tilespmem:s16], [sflag:$0x2] =	stream.indirect_vreg.gather [hbm4b:s4+s3], $0x80, v3, vm0, $0xb8;
	[tilespmem:$0x1C680] =	vst v63  }
0x192: {  	v3 =	vld [tilespmem:$0x180];
	_ =	sdelay $0x4  }
0x193: {  	v46 =	vshll.u32 v3, $0x2  }
0x194: {  	v3 =	vand.u32 $0x7, v3;
	v4 =	vand.u32 $0xFFFFFFE0, v46  }
0x195: {  	v3 =	vor.u32 v3, v4  }
0x196: {  	v4 =	vperm.xlane v3, v0;
	_ =	sdelay $0x1  }
0x197: {  	v4 =	vadd.s32 v1, v4;
	_ =	sdelay $0x1  }
0x198: {  	v3 =	vperm.xlane v3, v2;
	_ =	sdelay $0x1  }
0x199: {  	s16 =	simm.s32 $0x14680;
	v3 =	vadd.s32 v1, v3  }
0x19a: {  	[tilespmem:s16], [sflag:$0x2] =	stream.indirect_vreg.gather [hbm4b:s2+s3], $0x80, v4, vm0, $0xb8;
	[tilespmem:$0x1C680] =	vst v63  }
0x19b: {  	s16 =	simm.s32 $0x14E80  }
0x19c: {  	[tilespmem:s16], [sflag:$0x2] =	stream.indirect_vreg.gather [hbm4b:s4+s3], $0x80, v4, vm0, $0xb8;
	[tilespmem:$0x1C680] =	vst v63  }
0x19d: {  	s16 =	simm.s32 $0x15680  }
0x19e: {  	[tilespmem:s16], [sflag:$0x2] =	stream.indirect_vreg.gather [hbm4b:s2+s3], $0x80, v3, vm0, $0xb8;
	[tilespmem:$0x1C680] =	vst v63  }
0x19f: {  	s16 =	simm.s32 $0x15E80  }
0x1a0: {  	[tilespmem:s16], [sflag:$0x2] =	stream.indirect_vreg.gather [hbm4b:s4+s3], $0x80, v3, vm0, $0xb8;
	[tilespmem:$0x1C680] =	vst v63  }
0x1a1: {  	v3 =	vld [tilespmem:$0x190];
	_ =	sdelay $0x4  }
0x1a2: {  	v47 =	vshll.u32 v3, $0x2  }
0x1a3: {  	v3 =	vand.u32 $0x7, v3;
	v4 =	vand.u32 $0xFFFFFFE0, v47  }
0x1a4: {  	v3 =	vor.u32 v3, v4  }
0x1a5: {  	v4 =	vperm.xlane v3, v0;
	_ =	sdelay $0x1  }
0x1a6: {  	v4 =	vadd.s32 v1, v4;
	_ =	sdelay $0x1  }
0x1a7: {  	v3 =	vperm.xlane v3, v2;
	_ =	sdelay $0x1  }
0x1a8: {  	s16 =	simm.s32 $0x16680;
	v3 =	vadd.s32 v1, v3  }
0x1a9: {  	[tilespmem:s16], [sflag:$0x2] =	stream.indirect_vreg.gather [hbm4b:s2+s3], $0x80, v4, vm0, $0xb8;
	[tilespmem:$0x1C680] =	vst v63  }
0x1aa: {  	s16 =	simm.s32 $0x16E80  }
0x1ab: {  	[tilespmem:s16], [sflag:$0x2] =	stream.indirect_vreg.gather [hbm4b:s4+s3], $0x80, v4, vm0, $0xb8;
	[tilespmem:$0x1C680] =	vst v63  }
0x1ac: {  	s16 =	simm.s32 $0x17680  }
0x1ad: {  	[tilespmem:s16], [sflag:$0x2] =	stream.indirect_vreg.gather [hbm4b:s2+s3], $0x80, v3, vm0, $0xb8;
	[tilespmem:$0x1C680] =	vst v63  }
0x1ae: {  	s16 =	simm.s32 $0x17E80  }
0x1af: {  	[tilespmem:s16], [sflag:$0x2] =	stream.indirect_vreg.gather [hbm4b:s4+s3], $0x80, v3, vm0, $0xb8;
	[tilespmem:$0x1C680] =	vst v63  }
0x1b0: {  	v3 =	vld [tilespmem:$0x1A0];
	_ =	sdelay $0x4  }
0x1b1: {  	v48 =	vshll.u32 v3, $0x2  }
0x1b2: {  	v3 =	vand.u32 $0x7, v3;
	v4 =	vand.u32 $0xFFFFFFE0, v48  }
0x1b3: {  	v3 =	vor.u32 v3, v4  }
0x1b4: {  	v4 =	vperm.xlane v3, v0;
	_ =	sdelay $0x1  }
0x1b5: {  	v4 =	vadd.s32 v1, v4;
	_ =	sdelay $0x1  }
0x1b6: {  	v3 =	vperm.xlane v3, v2;
	_ =	sdelay $0x1  }
0x1b7: {  	s16 =	simm.s32 $0x18680;
	v3 =	vadd.s32 v1, v3  }
0x1b8: {  	[tilespmem:s16], [sflag:$0x2] =	stream.indirect_vreg.gather [hbm4b:s2+s3], $0x80, v4, vm0, $0xb8;
	[tilespmem:$0x1C680] =	vst v63  }
0x1b9: {  	s16 =	simm.s32 $0x18E80  }
0x1ba: {  	[tilespmem:s16], [sflag:$0x2] =	stream.indirect_vreg.gather [hbm4b:s4+s3], $0x80, v4, vm0, $0xb8;
	[tilespmem:$0x1C680] =	vst v63  }
0x1bb: {  	s16 =	simm.s32 $0x19680  }
0x1bc: {  	[tilespmem:s16], [sflag:$0x2] =	stream.indirect_vreg.gather [hbm4b:s2+s3], $0x80, v3, vm0, $0xb8;
	[tilespmem:$0x1C680] =	vst v63  }
0x1bd: {  	s16 =	simm.s32 $0x19E80  }
0x1be: {  	[tilespmem:s16], [sflag:$0x2] =	stream.indirect_vreg.gather [hbm4b:s4+s3], $0x80, v3, vm0, $0xb8;
	[tilespmem:$0x1C680] =	vst v63  }
0x1bf: {  	v3 =	vld [tilespmem:$0x1B0];
	_ =	sdelay $0x4  }
0x1c0: {  	v49 =	vshll.u32 v3, $0x2  }
0x1c1: {  	v3 =	vand.u32 $0x7, v3;
	v4 =	vand.u32 $0xFFFFFFE0, v49  }
0x1c2: {  	v3 =	vor.u32 v3, v4  }
0x1c3: {  	v4 =	vperm.xlane v3, v0;
	_ =	sdelay $0x1  }
0x1c4: {  	v4 =	vadd.s32 v1, v4;
	_ =	sdelay $0x1  }
0x1c5: {  	v3 =	vperm.xlane v3, v2;
	_ =	sdelay $0x1  }
0x1c6: {  	s16 =	simm.s32 $0x1A680;
	v3 =	vadd.s32 v1, v3  }
0x1c7: {  	[tilespmem:s16], [sflag:$0x2] =	stream.indirect_vreg.gather [hbm4b:s2+s3], $0x80, v4, vm0, $0xb8;
	[tilespmem:$0x1C680] =	vst v63  }
0x1c8: {  	s16 =	simm.s32 $0x1AE80  }
0x1c9: {  	[tilespmem:s16], [sflag:$0x2] =	stream.indirect_vreg.gather [hbm4b:s4+s3], $0x80, v4, vm0, $0xb8;
	[tilespmem:$0x1C680] =	vst v63  }
0x1ca: {  	s16 =	simm.s32 $0x1B680  }
0x1cb: {  	[tilespmem:s16], [sflag:$0x2] =	stream.indirect_vreg.gather [hbm4b:s2+s3], $0x80, v3, vm0, $0xb8;
	[tilespmem:$0x1C680] =	vst v63  }
0x1cc: {  	s16 =	simm.s32 $0x1BE80  }
0x1cd: {  	[tilespmem:s16], [sflag:$0x2] =	stream.indirect_vreg.gather [hbm4b:s4+s3], $0x80, v3, vm0, $0xb8;
	[tilespmem:$0x1C680] =	vst v63  }
0x1ce: {  	_ =	swait.ge [sflag:s14], $0xE000  }
0x1cf: {  	[sflag:s14] =	ssyncset.done $0x0  }
0x1d0: {  	s16 =	rddreg [dreg:$0x6];
	[sflag:s14] =	ssyncadd.s32 $0xFFFF2000  }
0x1d1: {  	[hbm4b:s16+s3] =	stream.linear.scatter [tilespmem:s17], [sflag:$0x3], $0xE000, $0x38;
	[tilespmem:$0x1C680] =	vst v63  }
0x1d2: {  	_ =	swait.ge [sflag:s6], $0xE000  }
0x1d3: {  	[sflag:s6] =	ssyncset.done $0x0  }
0x1d4: {  	[sflag:s6] =	ssyncadd.s32 $0xFFFF2000  }
0x1d5: {  	v3 =	vld [tilespmem:$0x1C0];
	_ =	sdelay $0x4  }
0x1d6: {  	v50 =	vshll.u32 v3, $0x2  }
0x1d7: {  	v3 =	vand.u32 $0x7, v3;
	v4 =	vand.u32 $0xFFFFFFE0, v50  }
0x1d8: {  	v3 =	vor.u32 v3, v4  }
0x1d9: {  	v4 =	vperm.xlane v3, v0;
	_ =	sdelay $0x1  }
0x1da: {  	v4 =	vadd.s32 v1, v4;
	_ =	sdelay $0x1  }
0x1db: {  	v3 =	vperm.xlane v3, v2;
	_ =	sdelay $0x1  }
0x1dc: {  	v3 =	vadd.s32 v1, v3  }
0x1dd: {  	[tilespmem:s17], [sflag:$0x1] =	stream.indirect_vreg.gather [hbm4b:s2+s3], $0x80, v4, vm0, $0xb8;
	[tilespmem:$0x1C680] =	vst v63  }
0x1de: {  	_ = 	snop  }
0x1df: {  	[tilespmem:s0], [sflag:$0x1] =	stream.indirect_vreg.gather [hbm4b:s4+s3], $0x80, v4, vm0, $0xb8;
	[tilespmem:$0x1C680] =	vst v63  }
0x1e0: {  	_ = 	snop  }
0x1e1: {  	[tilespmem:s1], [sflag:$0x1] =	stream.indirect_vreg.gather [hbm4b:s2+s3], $0x80, v3, vm0, $0xb8;
	[tilespmem:$0x1C680] =	vst v63  }
0x1e2: {  	s16 =	simm.s32 $0x1E80  }
0x1e3: {  	[tilespmem:s16], [sflag:$0x1] =	stream.indirect_vreg.gather [hbm4b:s4+s3], $0x80, v3, vm0, $0xb8;
	[tilespmem:$0x1C680] =	vst v63  }
0x1e4: {  	v3 =	vld [tilespmem:$0x1D0];
	_ =	sdelay $0x4  }
0x1e5: {  	v51 =	vshll.u32 v3, $0x2  }
0x1e6: {  	v3 =	vand.u32 $0x7, v3;
	v4 =	vand.u32 $0xFFFFFFE0, v51  }
0x1e7: {  	v3 =	vor.u32 v3, v4  }
0x1e8: {  	v4 =	vperm.xlane v3, v0;
	_ =	sdelay $0x1  }
0x1e9: {  	v4 =	vadd.s32 v1, v4;
	_ =	sdelay $0x1  }
0x1ea: {  	v3 =	vperm.xlane v3, v2;
	_ =	sdelay $0x1  }
0x1eb: {  	v3 =	vadd.s32 v1, v3  }
0x1ec: {  	[tilespmem:s7], [sflag:$0x1] =	stream.indirect_vreg.gather [hbm4b:s2+s3], $0x80, v4, vm0, $0xb8;
	[tilespmem:$0x1C680] =	vst v63  }
0x1ed: {  	_ = 	snop  }
0x1ee: {  	[tilespmem:s19], [sflag:$0x1] =	stream.indirect_vreg.gather [hbm4b:s4+s3], $0x80, v4, vm0, $0xb8;
	[tilespmem:$0x1C680] =	vst v63  }
0x1ef: {  	_ = 	snop  }
0x1f0: {  	[tilespmem:s20], [sflag:$0x1] =	stream.indirect_vreg.gather [hbm4b:s2+s3], $0x80, v3, vm0, $0xb8;
	[tilespmem:$0x1C680] =	vst v63  }
0x1f1: {  	s16 =	simm.s32 $0x3E80  }
0x1f2: {  	[tilespmem:s16], [sflag:$0x1] =	stream.indirect_vreg.gather [hbm4b:s4+s3], $0x80, v3, vm0, $0xb8;
	[tilespmem:$0x1C680] =	vst v63  }
0x1f3: {  	v3 =	vld [tilespmem:$0x1E0];
	_ =	sdelay $0x4  }
0x1f4: {  	v52 =	vshll.u32 v3, $0x2  }
0x1f5: {  	v3 =	vand.u32 $0x7, v3;
	v4 =	vand.u32 $0xFFFFFFE0, v52  }
0x1f6: {  	v3 =	vor.u32 v3, v4  }
0x1f7: {  	v4 =	vperm.xlane v3, v0;
	_ =	sdelay $0x1  }
0x1f8: {  	v4 =	vadd.s32 v1, v4;
	_ =	sdelay $0x1  }
0x1f9: {  	v3 =	vperm.xlane v3, v2;
	_ =	sdelay $0x1  }
0x1fa: {  	v3 =	vadd.s32 v1, v3  }
0x1fb: {  	[tilespmem:s21], [sflag:$0x1] =	stream.indirect_vreg.gather [hbm4b:s2+s3], $0x80, v4, vm0, $0xb8;
	[tilespmem:$0x1C680] =	vst v63  }
0x1fc: {  	_ = 	snop  }
0x1fd: {  	[tilespmem:s22], [sflag:$0x1] =	stream.indirect_vreg.gather [hbm4b:s4+s3], $0x80, v4, vm0, $0xb8;
	[tilespmem:$0x1C680] =	vst v63  }
0x1fe: {  	_ = 	snop  }
0x1ff: {  	[tilespmem:s23], [sflag:$0x1] =	stream.indirect_vreg.gather [hbm4b:s2+s3], $0x80, v3, vm0, $0xb8;
	[tilespmem:$0x1C680] =	vst v63  }
0x200: {  	s16 =	simm.s32 $0x5E80  }
0x201: {  	[tilespmem:s16], [sflag:$0x1] =	stream.indirect_vreg.gather [hbm4b:s4+s3], $0x80, v3, vm0, $0xb8;
	[tilespmem:$0x1C680] =	vst v63  }
0x202: {  	v3 =	vld [tilespmem:$0x1F0];
	_ =	sdelay $0x4  }
0x203: {  	v53 =	vshll.u32 v3, $0x2  }
0x204: {  	v3 =	vand.u32 $0x7, v3;
	v4 =	vand.u32 $0xFFFFFFE0, v53  }
0x205: {  	v3 =	vor.u32 v3, v4  }
0x206: {  	v4 =	vperm.xlane v3, v0;
	_ =	sdelay $0x1  }
0x207: {  	v4 =	vadd.s32 v1, v4;
	_ =	sdelay $0x1  }
0x208: {  	v3 =	vperm.xlane v3, v2;
	_ =	sdelay $0x1  }
0x209: {  	v3 =	vadd.s32 v1, v3  }
0x20a: {  	[tilespmem:s24], [sflag:$0x1] =	stream.indirect_vreg.gather [hbm4b:s2+s3], $0x80, v4, vm0, $0xb8;
	[tilespmem:$0x1C680] =	vst v63  }
0x20b: {  	_ = 	snop  }
0x20c: {  	[tilespmem:s25], [sflag:$0x1] =	stream.indirect_vreg.gather [hbm4b:s4+s3], $0x80, v4, vm0, $0xb8;
	[tilespmem:$0x1C680] =	vst v63  }
0x20d: {  	_ = 	snop  }
0x20e: {  	[tilespmem:s26], [sflag:$0x1] =	stream.indirect_vreg.gather [hbm4b:s2+s3], $0x80, v3, vm0, $0xb8;
	[tilespmem:$0x1C680] =	vst v63  }
0x20f: {  	s16 =	simm.s32 $0x7E80  }
0x210: {  	[tilespmem:s16], [sflag:$0x1] =	stream.indirect_vreg.gather [hbm4b:s4+s3], $0x80, v3, vm0, $0xb8;
	[tilespmem:$0x1C680] =	vst v63  }
0x211: {  	v3 =	vld [tilespmem:$0x200];
	_ =	sdelay $0x4  }
0x212: {  	v54 =	vshll.u32 v3, $0x2  }
0x213: {  	v3 =	vand.u32 $0x7, v3;
	v4 =	vand.u32 $0xFFFFFFE0, v54  }
0x214: {  	v3 =	vor.u32 v3, v4  }
0x215: {  	v4 =	vperm.xlane v3, v0;
	_ =	sdelay $0x1  }
0x216: {  	v4 =	vadd.s32 v1, v4;
	_ =	sdelay $0x1  }
0x217: {  	v3 =	vperm.xlane v3, v2;
	_ =	sdelay $0x1  }
0x218: {  	v3 =	vadd.s32 v1, v3  }
0x219: {  	[tilespmem:s28], [sflag:$0x1] =	stream.indirect_vreg.gather [hbm4b:s2+s3], $0x80, v4, vm0, $0xb8;
	[tilespmem:$0x1C680] =	vst v63  }
0x21a: {  	_ = 	snop  }
0x21b: {  	[tilespmem:s29], [sflag:$0x1] =	stream.indirect_vreg.gather [hbm4b:s4+s3], $0x80, v4, vm0, $0xb8;
	[tilespmem:$0x1C680] =	vst v63  }
0x21c: {  	_ = 	snop  }
0x21d: {  	[tilespmem:s30], [sflag:$0x1] =	stream.indirect_vreg.gather [hbm4b:s2+s3], $0x80, v3, vm0, $0xb8;
	[tilespmem:$0x1C680] =	vst v63  }
0x21e: {  	s16 =	simm.s32 $0x9E80  }
0x21f: {  	[tilespmem:s16], [sflag:$0x1] =	stream.indirect_vreg.gather [hbm4b:s4+s3], $0x80, v3, vm0, $0xb8;
	[tilespmem:$0x1C680] =	vst v63  }
0x220: {  	v3 =	vld [tilespmem:$0x210];
	_ =	sdelay $0x4  }
0x221: {  	v55 =	vshll.u32 v3, $0x2  }
0x222: {  	v3 =	vand.u32 $0x7, v3;
	v4 =	vand.u32 $0xFFFFFFE0, v55  }
0x223: {  	v3 =	vor.u32 v3, v4  }
0x224: {  	v4 =	vperm.xlane v3, v0;
	_ =	sdelay $0x1  }
0x225: {  	v4 =	vadd.s32 v1, v4;
	_ =	sdelay $0x1  }
0x226: {  	v3 =	vperm.xlane v3, v2;
	_ =	sdelay $0x1  }
0x227: {  	v3 =	vadd.s32 v1, v3  }
0x228: {  	[tilespmem:s31], [sflag:$0x1] =	stream.indirect_vreg.gather [hbm4b:s2+s3], $0x80, v4, vm0, $0xb8;
	[tilespmem:$0x1C680] =	vst v63  }
0x229: {  	_ = 	snop  }
0x22a: {  	[tilespmem:s8], [sflag:$0x1] =	stream.indirect_vreg.gather [hbm4b:s4+s3], $0x80, v4, vm0, $0xb8;
	[tilespmem:$0x1C680] =	vst v63  }
0x22b: {  	_ = 	snop  }
0x22c: {  	[tilespmem:s9], [sflag:$0x1] =	stream.indirect_vreg.gather [hbm4b:s2+s3], $0x80, v3, vm0, $0xb8;
	[tilespmem:$0x1C680] =	vst v63  }
0x22d: {  	s16 =	simm.s32 $0xBE80  }
0x22e: {  	[tilespmem:s16], [sflag:$0x1] =	stream.indirect_vreg.gather [hbm4b:s4+s3], $0x80, v3, vm0, $0xb8;
	[tilespmem:$0x1C680] =	vst v63  }
0x22f: {  	v3 =	vld [tilespmem:$0x220];
	_ =	sdelay $0x4  }
0x230: {  	v56 =	vshll.u32 v3, $0x2  }
0x231: {  	v3 =	vand.u32 $0x7, v3;
	v4 =	vand.u32 $0xFFFFFFE0, v56  }
0x232: {  	v3 =	vor.u32 v3, v4  }
0x233: {  	v4 =	vperm.xlane v3, v0;
	_ =	sdelay $0x1  }
0x234: {  	v4 =	vadd.s32 v1, v4;
	_ =	sdelay $0x1  }
0x235: {  	v3 =	vperm.xlane v3, v2;
	_ =	sdelay $0x1  }
0x236: {  	v3 =	vadd.s32 v1, v3  }
0x237: {  	[tilespmem:s11], [sflag:$0x1] =	stream.indirect_vreg.gather [hbm4b:s2+s3], $0x80, v4, vm0, $0xb8;
	[tilespmem:$0x1C680] =	vst v63  }
0x238: {  	_ = 	snop  }
0x239: {  	[tilespmem:s12], [sflag:$0x1] =	stream.indirect_vreg.gather [hbm4b:s4+s3], $0x80, v4, vm0, $0xb8;
	[tilespmem:$0x1C680] =	vst v63  }
0x23a: {  	_ = 	snop  }
0x23b: {  	[tilespmem:s13], [sflag:$0x1] =	stream.indirect_vreg.gather [hbm4b:s2+s3], $0x80, v3, vm0, $0xb8;
	[tilespmem:$0x1C680] =	vst v63  }
0x23c: {  	s16 =	simm.s32 $0xDE80  }
0x23d: {  	[tilespmem:s16], [sflag:$0x1] =	stream.indirect_vreg.gather [hbm4b:s4+s3], $0x80, v3, vm0, $0xb8;
	[tilespmem:$0x1C680] =	vst v63  }
0x23e: {  	_ =	swait.ge [sflag:s15], $0xE000  }
0x23f: {  	[sflag:s15] =	ssyncset.done $0x0  }
0x240: {  	s16 =	rddreg [dreg:$0x7];
	[sflag:s15] =	ssyncadd.s32 $0xFFFF2000  }
0x241: {  	[hbm4b:s16+s3] =	stream.linear.scatter [tilespmem:s10], [sflag:$0x3], $0xE000, $0x38;
	[tilespmem:$0x1C680] =	vst v63  }
0x242: {  	_ =	swait.ge [sflag:s6], $0xE000  }
0x243: {  	[sflag:s6] =	ssyncset.done $0x0  }
0x244: {  	[sflag:s6] =	ssyncadd.s32 $0xFFFF2000  }
0x245: {  	v3 =	vld [tilespmem:$0x230];
	_ =	sdelay $0x4  }
0x246: {  	v57 =	vshll.u32 v3, $0x2  }
0x247: {  	v3 =	vand.u32 $0x7, v3;
	v4 =	vand.u32 $0xFFFFFFE0, v57  }
0x248: {  	v3 =	vor.u32 v3, v4  }
0x249: {  	v4 =	vperm.xlane v3, v0;
	_ =	sdelay $0x1  }
0x24a: {  	v4 =	vadd.s32 v1, v4;
	_ =	sdelay $0x1  }
0x24b: {  	v3 =	vperm.xlane v3, v2;
	_ =	sdelay $0x1  }
0x24c: {  	v3 =	vadd.s32 v1, v3  }
0x24d: {  	[tilespmem:s10], [sflag:$0x2] =	stream.indirect_vreg.gather [hbm4b:s2+s3], $0x80, v4, vm0, $0xb8;
	[tilespmem:$0x1C680] =	vst v63  }
0x24e: {  	s18 =	simm.s32 $0xEE80  }
0x24f: {  	[tilespmem:s18], [sflag:$0x2] =	stream.indirect_vreg.gather [hbm4b:s4+s3], $0x80, v4, vm0, $0xb8;
	[tilespmem:$0x1C680] =	vst v63  }
0x250: {  	s16 =	simm.s32 $0xF680  }
0x251: {  	[tilespmem:s16], [sflag:$0x2] =	stream.indirect_vreg.gather [hbm4b:s2+s3], $0x80, v3, vm0, $0xb8;
	[tilespmem:$0x1C680] =	vst v63  }
0x252: {  	s16 =	simm.s32 $0xFE80  }
0x253: {  	[tilespmem:s16], [sflag:$0x2] =	stream.indirect_vreg.gather [hbm4b:s4+s3], $0x80, v3, vm0, $0xb8;
	[tilespmem:$0x1C680] =	vst v63  }
0x254: {  	v3 =	vld [tilespmem:$0x240];
	_ =	sdelay $0x4  }
0x255: {  	v58 =	vshll.u32 v3, $0x2  }
0x256: {  	v3 =	vand.u32 $0x7, v3;
	v4 =	vand.u32 $0xFFFFFFE0, v58  }
0x257: {  	v3 =	vor.u32 v3, v4  }
0x258: {  	v4 =	vperm.xlane v3, v0;
	_ =	sdelay $0x1  }
0x259: {  	v4 =	vadd.s32 v1, v4;
	_ =	sdelay $0x1  }
0x25a: {  	v3 =	vperm.xlane v3, v2;
	_ =	sdelay $0x1  }
0x25b: {  	s16 =	simm.s32 $0x10680;
	v3 =	vadd.s32 v1, v3  }
0x25c: {  	[tilespmem:s16], [sflag:$0x2] =	stream.indirect_vreg.gather [hbm4b:s2+s3], $0x80, v4, vm0, $0xb8;
	[tilespmem:$0x1C680] =	vst v63  }
0x25d: {  	s16 =	simm.s32 $0x10E80  }
0x25e: {  	[tilespmem:s16], [sflag:$0x2] =	stream.indirect_vreg.gather [hbm4b:s4+s3], $0x80, v4, vm0, $0xb8;
	[tilespmem:$0x1C680] =	vst v63  }
0x25f: {  	s16 =	simm.s32 $0x11680  }
0x260: {  	[tilespmem:s16], [sflag:$0x2] =	stream.indirect_vreg.gather [hbm4b:s2+s3], $0x80, v3, vm0, $0xb8;
	[tilespmem:$0x1C680] =	vst v63  }
0x261: {  	s16 =	simm.s32 $0x11E80  }
0x262: {  	[tilespmem:s16], [sflag:$0x2] =	stream.indirect_vreg.gather [hbm4b:s4+s3], $0x80, v3, vm0, $0xb8;
	[tilespmem:$0x1C680] =	vst v63  }
0x263: {  	v3 =	vld [tilespmem:$0x250];
	_ =	sdelay $0x4  }
0x264: {  	v59 =	vshll.u32 v3, $0x2  }
0x265: {  	v3 =	vand.u32 $0x7, v3;
	v4 =	vand.u32 $0xFFFFFFE0, v59  }
0x266: {  	v3 =	vor.u32 v3, v4  }
0x267: {  	v4 =	vperm.xlane v3, v0;
	_ =	sdelay $0x1  }
0x268: {  	v4 =	vadd.s32 v1, v4;
	_ =	sdelay $0x1  }
0x269: {  	v3 =	vperm.xlane v3, v2;
	_ =	sdelay $0x1  }
0x26a: {  	s16 =	simm.s32 $0x12680;
	v3 =	vadd.s32 v1, v3  }
0x26b: {  	[tilespmem:s16], [sflag:$0x2] =	stream.indirect_vreg.gather [hbm4b:s2+s3], $0x80, v4, vm0, $0xb8;
	[tilespmem:$0x1C680] =	vst v63  }
0x26c: {  	s16 =	simm.s32 $0x12E80  }
0x26d: {  	[tilespmem:s16], [sflag:$0x2] =	stream.indirect_vreg.gather [hbm4b:s4+s3], $0x80, v4, vm0, $0xb8;
	[tilespmem:$0x1C680] =	vst v63  }
0x26e: {  	s16 =	simm.s32 $0x13680  }
0x26f: {  	[tilespmem:s16], [sflag:$0x2] =	stream.indirect_vreg.gather [hbm4b:s2+s3], $0x80, v3, vm0, $0xb8;
	[tilespmem:$0x1C680] =	vst v63  }
0x270: {  	s16 =	simm.s32 $0x13E80  }
0x271: {  	[tilespmem:s16], [sflag:$0x2] =	stream.indirect_vreg.gather [hbm4b:s4+s3], $0x80, v3, vm0, $0xb8;
	[tilespmem:$0x1C680] =	vst v63  }
0x272: {  	v3 =	vld [tilespmem:$0x260];
	_ =	sdelay $0x4  }
0x273: {  	v60 =	vshll.u32 v3, $0x2  }
0x274: {  	v3 =	vand.u32 $0x7, v3;
	v4 =	vand.u32 $0xFFFFFFE0, v60  }
0x275: {  	v3 =	vor.u32 v3, v4  }
0x276: {  	v4 =	vperm.xlane v3, v0;
	_ =	sdelay $0x1  }
0x277: {  	v4 =	vadd.s32 v1, v4;
	_ =	sdelay $0x1  }
0x278: {  	v3 =	vperm.xlane v3, v2;
	_ =	sdelay $0x1  }
0x279: {  	s16 =	simm.s32 $0x14680;
	v3 =	vadd.s32 v1, v3  }
0x27a: {  	[tilespmem:s16], [sflag:$0x2] =	stream.indirect_vreg.gather [hbm4b:s2+s3], $0x80, v4, vm0, $0xb8;
	[tilespmem:$0x1C680] =	vst v63  }
0x27b: {  	s16 =	simm.s32 $0x14E80  }
0x27c: {  	[tilespmem:s16], [sflag:$0x2] =	stream.indirect_vreg.gather [hbm4b:s4+s3], $0x80, v4, vm0, $0xb8;
	[tilespmem:$0x1C680] =	vst v63  }
0x27d: {  	s16 =	simm.s32 $0x15680  }
0x27e: {  	[tilespmem:s16], [sflag:$0x2] =	stream.indirect_vreg.gather [hbm4b:s2+s3], $0x80, v3, vm0, $0xb8;
	[tilespmem:$0x1C680] =	vst v63  }
0x27f: {  	s16 =	simm.s32 $0x15E80  }
0x280: {  	[tilespmem:s16], [sflag:$0x2] =	stream.indirect_vreg.gather [hbm4b:s4+s3], $0x80, v3, vm0, $0xb8;
	[tilespmem:$0x1C680] =	vst v63  }
0x281: {  	v3 =	vld [tilespmem:$0x270];
	_ =	sdelay $0x4  }
0x282: {  	v61 =	vshll.u32 v3, $0x2  }
0x283: {  	v3 =	vand.u32 $0x7, v3;
	v4 =	vand.u32 $0xFFFFFFE0, v61  }
0x284: {  	v3 =	vor.u32 v3, v4  }
0x285: {  	v4 =	vperm.xlane v3, v0;
	_ =	sdelay $0x1  }
0x286: {  	v4 =	vadd.s32 v1, v4;
	_ =	sdelay $0x1  }
0x287: {  	v3 =	vperm.xlane v3, v2;
	_ =	sdelay $0x1  }
0x288: {  	s16 =	simm.s32 $0x16680;
	v3 =	vadd.s32 v1, v3  }
0x289: {  	[tilespmem:s16], [sflag:$0x2] =	stream.indirect_vreg.gather [hbm4b:s2+s3], $0x80, v4, vm0, $0xb8;
	[tilespmem:$0x1C680] =	vst v63  }
0x28a: {  	s16 =	simm.s32 $0x16E80  }
0x28b: {  	[tilespmem:s16], [sflag:$0x2] =	stream.indirect_vreg.gather [hbm4b:s4+s3], $0x80, v4, vm0, $0xb8;
	[tilespmem:$0x1C680] =	vst v63  }
0x28c: {  	s16 =	simm.s32 $0x17680  }
0x28d: {  	[tilespmem:s16], [sflag:$0x2] =	stream.indirect_vreg.gather [hbm4b:s2+s3], $0x80, v3, vm0, $0xb8;
	[tilespmem:$0x1C680] =	vst v63  }
0x28e: {  	s16 =	simm.s32 $0x17E80  }
0x28f: {  	[tilespmem:s16], [sflag:$0x2] =	stream.indirect_vreg.gather [hbm4b:s4+s3], $0x80, v3, vm0, $0xb8;
	[tilespmem:$0x1C680] =	vst v63  }
0x290: {  	v3 =	vld [tilespmem:$0x280];
	_ =	sdelay $0x4  }
0x291: {  	v62 =	vshll.u32 v3, $0x2  }
0x292: {  	v3 =	vand.u32 $0x7, v3;
	v4 =	vand.u32 $0xFFFFFFE0, v62  }
0x293: {  	v3 =	vor.u32 v3, v4  }
0x294: {  	v4 =	vperm.xlane v3, v0;
	_ =	sdelay $0x1  }
0x295: {  	v4 =	vadd.s32 v1, v4;
	_ =	sdelay $0x1  }
0x296: {  	v3 =	vperm.xlane v3, v2;
	_ =	sdelay $0x1  }
0x297: {  	s16 =	simm.s32 $0x18680;
	v3 =	vadd.s32 v1, v3  }
0x298: {  	[tilespmem:s16], [sflag:$0x2] =	stream.indirect_vreg.gather [hbm4b:s2+s3], $0x80, v4, vm0, $0xb8;
	[tilespmem:$0x1C680] =	vst v63  }
0x299: {  	s16 =	simm.s32 $0x18E80  }
0x29a: {  	[tilespmem:s16], [sflag:$0x2] =	stream.indirect_vreg.gather [hbm4b:s4+s3], $0x80, v4, vm0, $0xb8;
	[tilespmem:$0x1C680] =	vst v63  }
0x29b: {  	s16 =	simm.s32 $0x19680  }
0x29c: {  	[tilespmem:s16], [sflag:$0x2] =	stream.indirect_vreg.gather [hbm4b:s2+s3], $0x80, v3, vm0, $0xb8;
	[tilespmem:$0x1C680] =	vst v63  }
0x29d: {  	s16 =	simm.s32 $0x19E80  }
0x29e: {  	[tilespmem:s16], [sflag:$0x2] =	stream.indirect_vreg.gather [hbm4b:s4+s3], $0x80, v3, vm0, $0xb8;
	[tilespmem:$0x1C680] =	vst v63  }
0x29f: {  	v3 =	vld [tilespmem:$0x290];
	_ =	sdelay $0x4  }
0x2a0: {  	v63 =	vshll.u32 v3, $0x2  }
0x2a1: {  	v3 =	vand.u32 $0x7, v3;
	v4 =	vand.u32 $0xFFFFFFE0, v63  }
0x2a2: {  	v3 =	vor.u32 v3, v4  }
0x2a3: {  	v4 =	vperm.xlane v3, v0;
	_ =	sdelay $0x1  }
0x2a4: {  	v4 =	vadd.s32 v1, v4;
	_ =	sdelay $0x1  }
0x2a5: {  	v3 =	vperm.xlane v3, v2;
	_ =	sdelay $0x1  }
0x2a6: {  	s16 =	simm.s32 $0x1A680;
	v3 =	vadd.s32 v1, v3  }
0x2a7: {  	[tilespmem:s16], [sflag:$0x2] =	stream.indirect_vreg.gather [hbm4b:s2+s3], $0x80, v4, vm0, $0xb8;
	[tilespmem:$0x1C680] =	vst v63  }
0x2a8: {  	s16 =	simm.s32 $0x1AE80  }
0x2a9: {  	[tilespmem:s16], [sflag:$0x2] =	stream.indirect_vreg.gather [hbm4b:s4+s3], $0x80, v4, vm0, $0xb8;
	[tilespmem:$0x1C680] =	vst v63  }
0x2aa: {  	s16 =	simm.s32 $0x1B680  }
0x2ab: {  	[tilespmem:s16], [sflag:$0x2] =	stream.indirect_vreg.gather [hbm4b:s2+s3], $0x80, v3, vm0, $0xb8;
	[tilespmem:$0x1C680] =	vst v63  }
0x2ac: {  	s16 =	simm.s32 $0x1BE80  }
0x2ad: {  	[tilespmem:s16], [sflag:$0x2] =	stream.indirect_vreg.gather [hbm4b:s4+s3], $0x80, v3, vm0, $0xb8;
	[tilespmem:$0x1C680] =	vst v63  }
0x2ae: {  	_ =	swait.ge [sflag:s14], $0xE000  }
0x2af: {  	[sflag:s14] =	ssyncset.done $0x0  }
0x2b0: {  	s16 =	rddreg [dreg:$0x8];
	[sflag:s14] =	ssyncadd.s32 $0xFFFF2000  }
0x2b1: {  	[hbm4b:s16+s3] =	stream.linear.scatter [tilespmem:s17], [sflag:$0x3], $0xE000, $0x38;
	[tilespmem:$0x1C680] =	vst v63  }
0x2b2: {  	_ =	swait.ge [sflag:s6], $0xE000  }
0x2b3: {  	[sflag:s6] =	ssyncset.done $0x0  }
0x2b4: {  	[sflag:s6] =	ssyncadd.s32 $0xFFFF2000  }
0x2b5: {  	v3 =	vld [tilespmem:$0x2A0];
	_ =	sdelay $0x4  }
0x2b6: {  	v8 =	vshll.u32 v3, $0x2  }
0x2b7: {  	v3 =	vand.u32 $0x7, v3;
	v4 =	vand.u32 $0xFFFFFFE0, v8  }
0x2b8: {  	v3 =	vor.u32 v3, v4  }
0x2b9: {  	v4 =	vperm.xlane v3, v0;
	_ =	sdelay $0x1  }
0x2ba: {  	v4 =	vadd.s32 v1, v4;
	_ =	sdelay $0x1  }
0x2bb: {  	v3 =	vperm.xlane v3, v2;
	_ =	sdelay $0x1  }
0x2bc: {  	v3 =	vadd.s32 v1, v3  }
0x2bd: {  	[tilespmem:s17], [sflag:$0x1] =	stream.indirect_vreg.gather [hbm4b:s2+s3], $0x80, v4, vm0, $0xb8;
	[tilespmem:$0x1C680] =	vst v63  }
0x2be: {  	s0 =	simm.s32 $0xE80  }
0x2bf: {  	[tilespmem:s0], [sflag:$0x1] =	stream.indirect_vreg.gather [hbm4b:s4+s3], $0x80, v4, vm0, $0xb8;
	[tilespmem:$0x1C680] =	vst v63  }
0x2c0: {  	s1 =	simm.s32 $0x1680  }
0x2c1: {  	[tilespmem:s1], [sflag:$0x1] =	stream.indirect_vreg.gather [hbm4b:s2+s3], $0x80, v3, vm0, $0xb8;
	[tilespmem:$0x1C680] =	vst v63  }
0x2c2: {  	s16 =	simm.s32 $0x1E80  }
0x2c3: {  	[tilespmem:s16], [sflag:$0x1] =	stream.indirect_vreg.gather [hbm4b:s4+s3], $0x80, v3, vm0, $0xb8;
	[tilespmem:$0x1C680] =	vst v63  }
0x2c4: {  	v3 =	vld [tilespmem:$0x2B0];
	_ =	sdelay $0x4  }
0x2c5: {  	v9 =	vshll.u32 v3, $0x2  }
0x2c6: {  	v3 =	vand.u32 $0x7, v3;
	v4 =	vand.u32 $0xFFFFFFE0, v9  }
0x2c7: {  	v3 =	vor.u32 v3, v4  }
0x2c8: {  	v4 =	vperm.xlane v3, v0;
	_ =	sdelay $0x1  }
0x2c9: {  	v4 =	vadd.s32 v1, v4;
	_ =	sdelay $0x1  }
0x2ca: {  	v3 =	vperm.xlane v3, v2;
	_ =	sdelay $0x1  }
0x2cb: {  	s7 =	simm.s32 $0x2680;
	v3 =	vadd.s32 v1, v3  }
0x2cc: {  	[tilespmem:s7], [sflag:$0x1] =	stream.indirect_vreg.gather [hbm4b:s2+s3], $0x80, v4, vm0, $0xb8;
	[tilespmem:$0x1C680] =	vst v63  }
0x2cd: {  	s19 =	simm.s32 $0x2E80  }
0x2ce: {  	[tilespmem:s19], [sflag:$0x1] =	stream.indirect_vreg.gather [hbm4b:s4+s3], $0x80, v4, vm0, $0xb8;
	[tilespmem:$0x1C680] =	vst v63  }
0x2cf: {  	s20 =	simm.s32 $0x3680  }
0x2d0: {  	[tilespmem:s20], [sflag:$0x1] =	stream.indirect_vreg.gather [hbm4b:s2+s3], $0x80, v3, vm0, $0xb8;
	[tilespmem:$0x1C680] =	vst v63  }
0x2d1: {  	s19 =	simm.s32 $0x3E80  }
0x2d2: {  	[tilespmem:s19], [sflag:$0x1] =	stream.indirect_vreg.gather [hbm4b:s4+s3], $0x80, v3, vm0, $0xb8;
	[tilespmem:$0x1C680] =	vst v63  }
0x2d3: {  	v3 =	vld [tilespmem:$0x2C0];
	_ =	sdelay $0x4  }
0x2d4: {  	v10 =	vshll.u32 v3, $0x2  }
0x2d5: {  	v3 =	vand.u32 $0x7, v3;
	v4 =	vand.u32 $0xFFFFFFE0, v10  }
0x2d6: {  	v3 =	vor.u32 v3, v4  }
0x2d7: {  	v4 =	vperm.xlane v3, v0;
	_ =	sdelay $0x1  }
0x2d8: {  	v4 =	vadd.s32 v1, v4;
	_ =	sdelay $0x1  }
0x2d9: {  	v3 =	vperm.xlane v3, v2;
	_ =	sdelay $0x1  }
0x2da: {  	s21 =	simm.s32 $0x4680;
	v3 =	vadd.s32 v1, v3  }
0x2db: {  	[tilespmem:s21], [sflag:$0x1] =	stream.indirect_vreg.gather [hbm4b:s2+s3], $0x80, v4, vm0, $0xb8;
	[tilespmem:$0x1C680] =	vst v63  }
0x2dc: {  	s22 =	simm.s32 $0x4E80  }
0x2dd: {  	[tilespmem:s22], [sflag:$0x1] =	stream.indirect_vreg.gather [hbm4b:s4+s3], $0x80, v4, vm0, $0xb8;
	[tilespmem:$0x1C680] =	vst v63  }
0x2de: {  	s23 =	simm.s32 $0x5680  }
0x2df: {  	[tilespmem:s23], [sflag:$0x1] =	stream.indirect_vreg.gather [hbm4b:s2+s3], $0x80, v3, vm0, $0xb8;
	[tilespmem:$0x1C680] =	vst v63  }
0x2e0: {  	s19 =	simm.s32 $0x5E80  }
0x2e1: {  	[tilespmem:s19], [sflag:$0x1] =	stream.indirect_vreg.gather [hbm4b:s4+s3], $0x80, v3, vm0, $0xb8;
	[tilespmem:$0x1C680] =	vst v63  }
0x2e2: {  	v3 =	vld [tilespmem:$0x2D0];
	_ =	sdelay $0x4  }
0x2e3: {  	v11 =	vshll.u32 v3, $0x2  }
0x2e4: {  	v3 =	vand.u32 $0x7, v3;
	v4 =	vand.u32 $0xFFFFFFE0, v11  }
0x2e5: {  	v3 =	vor.u32 v3, v4  }
0x2e6: {  	v4 =	vperm.xlane v3, v0;
	_ =	sdelay $0x1  }
0x2e7: {  	v4 =	vadd.s32 v1, v4;
	_ =	sdelay $0x1  }
0x2e8: {  	v3 =	vperm.xlane v3, v2;
	_ =	sdelay $0x1  }
0x2e9: {  	s24 =	simm.s32 $0x6680;
	v3 =	vadd.s32 v1, v3  }
0x2ea: {  	[tilespmem:s24], [sflag:$0x1] =	stream.indirect_vreg.gather [hbm4b:s2+s3], $0x80, v4, vm0, $0xb8;
	[tilespmem:$0x1C680] =	vst v63  }
0x2eb: {  	s25 =	simm.s32 $0x6E80  }
0x2ec: {  	[tilespmem:s25], [sflag:$0x1] =	stream.indirect_vreg.gather [hbm4b:s4+s3], $0x80, v4, vm0, $0xb8;
	[tilespmem:$0x1C680] =	vst v63  }
0x2ed: {  	s26 =	simm.s32 $0x7680  }
0x2ee: {  	[tilespmem:s26], [sflag:$0x1] =	stream.indirect_vreg.gather [hbm4b:s2+s3], $0x80, v3, vm0, $0xb8;
	[tilespmem:$0x1C680] =	vst v63  }
0x2ef: {  	s19 =	simm.s32 $0x7E80  }
0x2f0: {  	[tilespmem:s19], [sflag:$0x1] =	stream.indirect_vreg.gather [hbm4b:s4+s3], $0x80, v3, vm0, $0xb8;
	[tilespmem:$0x1C680] =	vst v63  }
0x2f1: {  	v3 =	vld [tilespmem:$0x2E0];
	_ =	sdelay $0x4  }
0x2f2: {  	v12 =	vshll.u32 v3, $0x2  }
0x2f3: {  	v3 =	vand.u32 $0x7, v3;
	v4 =	vand.u32 $0xFFFFFFE0, v12  }
0x2f4: {  	v3 =	vor.u32 v3, v4  }
0x2f5: {  	v4 =	vperm.xlane v3, v0;
	_ =	sdelay $0x1  }
0x2f6: {  	v4 =	vadd.s32 v1, v4;
	_ =	sdelay $0x1  }
0x2f7: {  	v3 =	vperm.xlane v3, v2;
	_ =	sdelay $0x1  }
0x2f8: {  	s28 =	simm.s32 $0x8680;
	v3 =	vadd.s32 v1, v3  }
0x2f9: {  	[tilespmem:s28], [sflag:$0x1] =	stream.indirect_vreg.gather [hbm4b:s2+s3], $0x80, v4, vm0, $0xb8;
	[tilespmem:$0x1C680] =	vst v63  }
0x2fa: {  	s29 =	simm.s32 $0x8E80  }
0x2fb: {  	[tilespmem:s29], [sflag:$0x1] =	stream.indirect_vreg.gather [hbm4b:s4+s3], $0x80, v4, vm0, $0xb8;
	[tilespmem:$0x1C680] =	vst v63  }
0x2fc: {  	s30 =	simm.s32 $0x9680  }
0x2fd: {  	[tilespmem:s30], [sflag:$0x1] =	stream.indirect_vreg.gather [hbm4b:s2+s3], $0x80, v3, vm0, $0xb8;
	[tilespmem:$0x1C680] =	vst v63  }
0x2fe: {  	s19 =	simm.s32 $0x9E80  }
0x2ff: {  	[tilespmem:s19], [sflag:$0x1] =	stream.indirect_vreg.gather [hbm4b:s4+s3], $0x80, v3, vm0, $0xb8;
	[tilespmem:$0x1C680] =	vst v63  }
0x300: {  	v3 =	vld [tilespmem:$0x2F0];
	_ =	sdelay $0x4  }
0x301: {  	v13 =	vshll.u32 v3, $0x2  }
0x302: {  	v3 =	vand.u32 $0x7, v3;
	v4 =	vand.u32 $0xFFFFFFE0, v13  }
0x303: {  	v3 =	vor.u32 v3, v4  }
0x304: {  	v4 =	vperm.xlane v3, v0;
	_ =	sdelay $0x1  }
0x305: {  	v4 =	vadd.s32 v1, v4;
	_ =	sdelay $0x1  }
0x306: {  	v3 =	vperm.xlane v3, v2;
	_ =	sdelay $0x1  }
0x307: {  	s31 =	simm.s32 $0xA680;
	v3 =	vadd.s32 v1, v3  }
0x308: {  	[tilespmem:s31], [sflag:$0x1] =	stream.indirect_vreg.gather [hbm4b:s2+s3], $0x80, v4, vm0, $0xb8;
	[tilespmem:$0x1C680] =	vst v63  }
0x309: {  	s8 =	simm.s32 $0xAE80  }
0x30a: {  	[tilespmem:s8], [sflag:$0x1] =	stream.indirect_vreg.gather [hbm4b:s4+s3], $0x80, v4, vm0, $0xb8;
	[tilespmem:$0x1C680] =	vst v63  }
0x30b: {  	s9 =	simm.s32 $0xB680  }
0x30c: {  	[tilespmem:s9], [sflag:$0x1] =	stream.indirect_vreg.gather [hbm4b:s2+s3], $0x80, v3, vm0, $0xb8;
	[tilespmem:$0x1C680] =	vst v63  }
0x30d: {  	s16 =	simm.s32 $0xBE80  }
0x30e: {  	[tilespmem:s16], [sflag:$0x1] =	stream.indirect_vreg.gather [hbm4b:s4+s3], $0x80, v3, vm0, $0xb8;
	[tilespmem:$0x1C680] =	vst v63  }
0x30f: {  	v3 =	vld [tilespmem:$0x300];
	_ =	sdelay $0x4  }
0x310: {  	v14 =	vshll.u32 v3, $0x2  }
0x311: {  	v3 =	vand.u32 $0x7, v3;
	v4 =	vand.u32 $0xFFFFFFE0, v14  }
0x312: {  	v3 =	vor.u32 v3, v4  }
0x313: {  	v4 =	vperm.xlane v3, v0;
	_ =	sdelay $0x1  }
0x314: {  	v4 =	vadd.s32 v1, v4;
	_ =	sdelay $0x1  }
0x315: {  	v3 =	vperm.xlane v3, v2;
	_ =	sdelay $0x1  }
0x316: {  	s11 =	simm.s32 $0xC680;
	v3 =	vadd.s32 v1, v3  }
0x317: {  	[tilespmem:s11], [sflag:$0x1] =	stream.indirect_vreg.gather [hbm4b:s2+s3], $0x80, v4, vm0, $0xb8;
	[tilespmem:$0x1C680] =	vst v63  }
0x318: {  	s12 =	simm.s32 $0xCE80  }
0x319: {  	[tilespmem:s12], [sflag:$0x1] =	stream.indirect_vreg.gather [hbm4b:s4+s3], $0x80, v4, vm0, $0xb8;
	[tilespmem:$0x1C680] =	vst v63  }
0x31a: {  	s13 =	simm.s32 $0xD680  }
0x31b: {  	[tilespmem:s13], [sflag:$0x1] =	stream.indirect_vreg.gather [hbm4b:s2+s3], $0x80, v3, vm0, $0xb8;
	[tilespmem:$0x1C680] =	vst v63  }
0x31c: {  	s16 =	simm.s32 $0xDE80  }
0x31d: {  	[tilespmem:s16], [sflag:$0x1] =	stream.indirect_vreg.gather [hbm4b:s4+s3], $0x80, v3, vm0, $0xb8;
	[tilespmem:$0x1C680] =	vst v63  }
0x31e: {  	_ =	swait.ge [sflag:s15], $0xE000  }
0x31f: {  	[sflag:s15] =	ssyncset.done $0x0  }
0x320: {  	s13 =	rddreg [dreg:$0x9];
	[sflag:s15] =	ssyncadd.s32 $0xFFFF2000  }
0x321: {  	[hbm4b:s13+s3] =	stream.linear.scatter [tilespmem:s10], [sflag:$0x3], $0xE000, $0x38;
	[tilespmem:$0x1C680] =	vst v63  }
0x322: {  	_ =	swait.ge [sflag:s6], $0xE000  }
0x323: {  	[sflag:s6] =	ssyncset.done $0x0  }
0x324: {  	[sflag:s6] =	ssyncadd.s32 $0xFFFF2000  }
0x325: {  	v3 =	vld [tilespmem:$0x310];
	_ =	sdelay $0x4  }
0x326: {  	v15 =	vshll.u32 v3, $0x2  }
0x327: {  	v3 =	vand.u32 $0x7, v3;
	v4 =	vand.u32 $0xFFFFFFE0, v15  }
0x328: {  	v3 =	vor.u32 v3, v4  }
0x329: {  	v4 =	vperm.xlane v3, v0;
	_ =	sdelay $0x1  }
0x32a: {  	v4 =	vadd.s32 v1, v4;
	_ =	sdelay $0x1  }
0x32b: {  	v3 =	vperm.xlane v3, v2;
	_ =	sdelay $0x1  }
0x32c: {  	v3 =	vadd.s32 v1, v3  }
0x32d: {  	[tilespmem:s10], [sflag:$0x2] =	stream.indirect_vreg.gather [hbm4b:s2+s3], $0x80, v4, vm0, $0xb8;
	[tilespmem:$0x1C680] =	vst v63  }
0x32e: {  	s18 =	simm.s32 $0xEE80  }
0x32f: {  	[tilespmem:s18], [sflag:$0x2] =	stream.indirect_vreg.gather [hbm4b:s4+s3], $0x80, v4, vm0, $0xb8;
	[tilespmem:$0x1C680] =	vst v63  }
0x330: {  	s18 =	simm.s32 $0xF680  }
0x331: {  	[tilespmem:s18], [sflag:$0x2] =	stream.indirect_vreg.gather [hbm4b:s2+s3], $0x80, v3, vm0, $0xb8;
	[tilespmem:$0x1C680] =	vst v63  }
0x332: {  	s16 =	simm.s32 $0xFE80  }
0x333: {  	[tilespmem:s16], [sflag:$0x2] =	stream.indirect_vreg.gather [hbm4b:s4+s3], $0x80, v3, vm0, $0xb8;
	[tilespmem:$0x1C680] =	vst v63  }
0x334: {  	v3 =	vld [tilespmem:$0x320];
	_ =	sdelay $0x4  }
0x335: {  	v16 =	vshll.u32 v3, $0x2  }
0x336: {  	v3 =	vand.u32 $0x7, v3;
	v4 =	vand.u32 $0xFFFFFFE0, v16  }
0x337: {  	v3 =	vor.u32 v3, v4  }
0x338: {  	v4 =	vperm.xlane v3, v0;
	_ =	sdelay $0x1  }
0x339: {  	v4 =	vadd.s32 v1, v4;
	_ =	sdelay $0x1  }
0x33a: {  	v3 =	vperm.xlane v3, v2;
	_ =	sdelay $0x1  }
0x33b: {  	s16 =	simm.s32 $0x10680;
	v3 =	vadd.s32 v1, v3  }
0x33c: {  	[tilespmem:s16], [sflag:$0x2] =	stream.indirect_vreg.gather [hbm4b:s2+s3], $0x80, v4, vm0, $0xb8;
	[tilespmem:$0x1C680] =	vst v63  }
0x33d: {  	s16 =	simm.s32 $0x10E80  }
0x33e: {  	[tilespmem:s16], [sflag:$0x2] =	stream.indirect_vreg.gather [hbm4b:s4+s3], $0x80, v4, vm0, $0xb8;
	[tilespmem:$0x1C680] =	vst v63  }
0x33f: {  	s16 =	simm.s32 $0x11680  }
0x340: {  	[tilespmem:s16], [sflag:$0x2] =	stream.indirect_vreg.gather [hbm4b:s2+s3], $0x80, v3, vm0, $0xb8;
	[tilespmem:$0x1C680] =	vst v63  }
0x341: {  	s16 =	simm.s32 $0x11E80  }
0x342: {  	[tilespmem:s16], [sflag:$0x2] =	stream.indirect_vreg.gather [hbm4b:s4+s3], $0x80, v3, vm0, $0xb8;
	[tilespmem:$0x1C680] =	vst v63  }
0x343: {  	v3 =	vld [tilespmem:$0x330];
	_ =	sdelay $0x4  }
0x344: {  	v17 =	vshll.u32 v3, $0x2  }
0x345: {  	v3 =	vand.u32 $0x7, v3;
	v4 =	vand.u32 $0xFFFFFFE0, v17  }
0x346: {  	v3 =	vor.u32 v3, v4  }
0x347: {  	v4 =	vperm.xlane v3, v0;
	_ =	sdelay $0x1  }
0x348: {  	v4 =	vadd.s32 v1, v4;
	_ =	sdelay $0x1  }
0x349: {  	v3 =	vperm.xlane v3, v2;
	_ =	sdelay $0x1  }
0x34a: {  	s16 =	simm.s32 $0x12680;
	v3 =	vadd.s32 v1, v3  }
0x34b: {  	[tilespmem:s16], [sflag:$0x2] =	stream.indirect_vreg.gather [hbm4b:s2+s3], $0x80, v4, vm0, $0xb8;
	[tilespmem:$0x1C680] =	vst v63  }
0x34c: {  	s16 =	simm.s32 $0x12E80  }
0x34d: {  	[tilespmem:s16], [sflag:$0x2] =	stream.indirect_vreg.gather [hbm4b:s4+s3], $0x80, v4, vm0, $0xb8;
	[tilespmem:$0x1C680] =	vst v63  }
0x34e: {  	s16 =	simm.s32 $0x13680  }
0x34f: {  	[tilespmem:s16], [sflag:$0x2] =	stream.indirect_vreg.gather [hbm4b:s2+s3], $0x80, v3, vm0, $0xb8;
	[tilespmem:$0x1C680] =	vst v63  }
0x350: {  	s16 =	simm.s32 $0x13E80  }
0x351: {  	[tilespmem:s16], [sflag:$0x2] =	stream.indirect_vreg.gather [hbm4b:s4+s3], $0x80, v3, vm0, $0xb8;
	[tilespmem:$0x1C680] =	vst v63  }
0x352: {  	v3 =	vld [tilespmem:$0x340];
	_ =	sdelay $0x4  }
0x353: {  	v18 =	vshll.u32 v3, $0x2  }
0x354: {  	v3 =	vand.u32 $0x7, v3;
	v4 =	vand.u32 $0xFFFFFFE0, v18  }
0x355: {  	v3 =	vor.u32 v3, v4  }
0x356: {  	v4 =	vperm.xlane v3, v0;
	_ =	sdelay $0x1  }
0x357: {  	v4 =	vadd.s32 v1, v4;
	_ =	sdelay $0x1  }
0x358: {  	v3 =	vperm.xlane v3, v2;
	_ =	sdelay $0x1  }
0x359: {  	s16 =	simm.s32 $0x14680;
	v3 =	vadd.s32 v1, v3  }
0x35a: {  	[tilespmem:s16], [sflag:$0x2] =	stream.indirect_vreg.gather [hbm4b:s2+s3], $0x80, v4, vm0, $0xb8;
	[tilespmem:$0x1C680] =	vst v63  }
0x35b: {  	s16 =	simm.s32 $0x14E80  }
0x35c: {  	[tilespmem:s16], [sflag:$0x2] =	stream.indirect_vreg.gather [hbm4b:s4+s3], $0x80, v4, vm0, $0xb8;
	[tilespmem:$0x1C680] =	vst v63  }
0x35d: {  	s16 =	simm.s32 $0x15680  }
0x35e: {  	[tilespmem:s16], [sflag:$0x2] =	stream.indirect_vreg.gather [hbm4b:s2+s3], $0x80, v3, vm0, $0xb8;
	[tilespmem:$0x1C680] =	vst v63  }
0x35f: {  	s16 =	simm.s32 $0x15E80  }
0x360: {  	[tilespmem:s16], [sflag:$0x2] =	stream.indirect_vreg.gather [hbm4b:s4+s3], $0x80, v3, vm0, $0xb8;
	[tilespmem:$0x1C680] =	vst v63  }
0x361: {  	v3 =	vld [tilespmem:$0x350];
	_ =	sdelay $0x4  }
0x362: {  	v19 =	vshll.u32 v3, $0x2  }
0x363: {  	v3 =	vand.u32 $0x7, v3;
	v4 =	vand.u32 $0xFFFFFFE0, v19  }
0x364: {  	v3 =	vor.u32 v3, v4  }
0x365: {  	v4 =	vperm.xlane v3, v0;
	_ =	sdelay $0x1  }
0x366: {  	v4 =	vadd.s32 v1, v4;
	_ =	sdelay $0x1  }
0x367: {  	v3 =	vperm.xlane v3, v2;
	_ =	sdelay $0x1  }
0x368: {  	s16 =	simm.s32 $0x16680;
	v3 =	vadd.s32 v1, v3  }
0x369: {  	[tilespmem:s16], [sflag:$0x2] =	stream.indirect_vreg.gather [hbm4b:s2+s3], $0x80, v4, vm0, $0xb8;
	[tilespmem:$0x1C680] =	vst v63  }
0x36a: {  	s16 =	simm.s32 $0x16E80  }
0x36b: {  	[tilespmem:s16], [sflag:$0x2] =	stream.indirect_vreg.gather [hbm4b:s4+s3], $0x80, v4, vm0, $0xb8;
	[tilespmem:$0x1C680] =	vst v63  }
0x36c: {  	s16 =	simm.s32 $0x17680  }
0x36d: {  	[tilespmem:s16], [sflag:$0x2] =	stream.indirect_vreg.gather [hbm4b:s2+s3], $0x80, v3, vm0, $0xb8;
	[tilespmem:$0x1C680] =	vst v63  }
0x36e: {  	s16 =	simm.s32 $0x17E80  }
0x36f: {  	[tilespmem:s16], [sflag:$0x2] =	stream.indirect_vreg.gather [hbm4b:s4+s3], $0x80, v3, vm0, $0xb8;
	[tilespmem:$0x1C680] =	vst v63  }
0x370: {  	v3 =	vld [tilespmem:$0x360];
	_ =	sdelay $0x4  }
0x371: {  	v20 =	vshll.u32 v3, $0x2  }
0x372: {  	v3 =	vand.u32 $0x7, v3;
	v4 =	vand.u32 $0xFFFFFFE0, v20  }
0x373: {  	v3 =	vor.u32 v3, v4  }
0x374: {  	v4 =	vperm.xlane v3, v0;
	_ =	sdelay $0x1  }
0x375: {  	v4 =	vadd.s32 v1, v4;
	_ =	sdelay $0x1  }
0x376: {  	v3 =	vperm.xlane v3, v2;
	_ =	sdelay $0x1  }
0x377: {  	s16 =	simm.s32 $0x18680;
	v3 =	vadd.s32 v1, v3  }
0x378: {  	[tilespmem:s16], [sflag:$0x2] =	stream.indirect_vreg.gather [hbm4b:s2+s3], $0x80, v4, vm0, $0xb8;
	[tilespmem:$0x1C680] =	vst v63  }
0x379: {  	s16 =	simm.s32 $0x18E80  }
0x37a: {  	[tilespmem:s16], [sflag:$0x2] =	stream.indirect_vreg.gather [hbm4b:s4+s3], $0x80, v4, vm0, $0xb8;
	[tilespmem:$0x1C680] =	vst v63  }
0x37b: {  	s16 =	simm.s32 $0x19680  }
0x37c: {  	[tilespmem:s16], [sflag:$0x2] =	stream.indirect_vreg.gather [hbm4b:s2+s3], $0x80, v3, vm0, $0xb8;
	[tilespmem:$0x1C680] =	vst v63  }
0x37d: {  	s16 =	simm.s32 $0x19E80  }
0x37e: {  	[tilespmem:s16], [sflag:$0x2] =	stream.indirect_vreg.gather [hbm4b:s4+s3], $0x80, v3, vm0, $0xb8;
	[tilespmem:$0x1C680] =	vst v63  }
0x37f: {  	v3 =	vld [tilespmem:$0x370];
	_ =	sdelay $0x4  }
0x380: {  	v21 =	vshll.u32 v3, $0x2  }
0x381: {  	v3 =	vand.u32 $0x7, v3;
	v4 =	vand.u32 $0xFFFFFFE0, v21  }
0x382: {  	v3 =	vor.u32 v3, v4  }
0x383: {  	v4 =	vperm.xlane v3, v0;
	_ =	sdelay $0x1  }
0x384: {  	v4 =	vadd.s32 v1, v4;
	_ =	sdelay $0x1  }
0x385: {  	v3 =	vperm.xlane v3, v2;
	_ =	sdelay $0x1  }
0x386: {  	s16 =	simm.s32 $0x1A680;
	v3 =	vadd.s32 v1, v3  }
0x387: {  	[tilespmem:s16], [sflag:$0x2] =	stream.indirect_vreg.gather [hbm4b:s2+s3], $0x80, v4, vm0, $0xb8;
	[tilespmem:$0x1C680] =	vst v63  }
0x388: {  	s16 =	simm.s32 $0x1AE80  }
0x389: {  	[tilespmem:s16], [sflag:$0x2] =	stream.indirect_vreg.gather [hbm4b:s4+s3], $0x80, v4, vm0, $0xb8;
	[tilespmem:$0x1C680] =	vst v63  }
0x38a: {  	s16 =	simm.s32 $0x1B680  }
0x38b: {  	[tilespmem:s16], [sflag:$0x2] =	stream.indirect_vreg.gather [hbm4b:s2+s3], $0x80, v3, vm0, $0xb8;
	[tilespmem:$0x1C680] =	vst v63  }
0x38c: {  	s16 =	simm.s32 $0x1BE80  }
0x38d: {  	[tilespmem:s16], [sflag:$0x2] =	stream.indirect_vreg.gather [hbm4b:s4+s3], $0x80, v3, vm0, $0xb8;
	[tilespmem:$0x1C680] =	vst v63  }
0x38e: {  	_ =	swait.ge [sflag:s14], $0xE000  }
0x38f: {  	[sflag:s14] =	ssyncset.done $0x0  }
0x390: {  	s16 =	rddreg [dreg:$0xa];
	[sflag:s14] =	ssyncadd.s32 $0xFFFF2000  }
0x391: {  	[hbm4b:s16+s3] =	stream.linear.scatter [tilespmem:s17], [sflag:$0x3], $0xE000, $0x38;
	[tilespmem:$0x1C680] =	vst v63  }
0x392: {  	_ =	swait.ge [sflag:s6], $0xE000  }
0x393: {  	[sflag:s6] =	ssyncset.done $0x0  }
0x394: {  	[sflag:s6] =	ssyncadd.s32 $0xFFFF2000  }
0x395: {  	v3 =	vld [tilespmem:$0x380];
	_ =	sdelay $0x4  }
0x396: {  	v22 =	vshll.u32 v3, $0x2  }
0x397: {  	v3 =	vand.u32 $0x7, v3;
	v4 =	vand.u32 $0xFFFFFFE0, v22  }
0x398: {  	v3 =	vor.u32 v3, v4  }
0x399: {  	v4 =	vperm.xlane v3, v0;
	_ =	sdelay $0x1  }
0x39a: {  	v4 =	vadd.s32 v1, v4;
	_ =	sdelay $0x1  }
0x39b: {  	v3 =	vperm.xlane v3, v2;
	_ =	sdelay $0x1  }
0x39c: {  	v3 =	vadd.s32 v1, v3  }
0x39d: {  	[tilespmem:s17], [sflag:$0x1] =	stream.indirect_vreg.gather [hbm4b:s2+s3], $0x80, v4, vm0, $0xb8;
	[tilespmem:$0x1C680] =	vst v63  }
0x39e: {  	s16 =	simm.s32 $0xE80  }
0x39f: {  	[tilespmem:s16], [sflag:$0x1] =	stream.indirect_vreg.gather [hbm4b:s4+s3], $0x80, v4, vm0, $0xb8;
	[tilespmem:$0x1C680] =	vst v63  }
0x3a0: {  	s1 =	simm.s32 $0x1680  }
0x3a1: {  	[tilespmem:s1], [sflag:$0x1] =	stream.indirect_vreg.gather [hbm4b:s2+s3], $0x80, v3, vm0, $0xb8;
	[tilespmem:$0x1C680] =	vst v63  }
0x3a2: {  	s16 =	simm.s32 $0x1E80  }
0x3a3: {  	[tilespmem:s16], [sflag:$0x1] =	stream.indirect_vreg.gather [hbm4b:s4+s3], $0x80, v3, vm0, $0xb8;
	[tilespmem:$0x1C680] =	vst v63  }
0x3a4: {  	v3 =	vld [tilespmem:$0x390];
	_ =	sdelay $0x4  }
0x3a5: {  	v23 =	vshll.u32 v3, $0x2  }
0x3a6: {  	v3 =	vand.u32 $0x7, v3;
	v4 =	vand.u32 $0xFFFFFFE0, v23  }
0x3a7: {  	v3 =	vor.u32 v3, v4  }
0x3a8: {  	v4 =	vperm.xlane v3, v0;
	_ =	sdelay $0x1  }
0x3a9: {  	v4 =	vadd.s32 v1, v4;
	_ =	sdelay $0x1  }
0x3aa: {  	v3 =	vperm.xlane v3, v2;
	_ =	sdelay $0x1  }
0x3ab: {  	s7 =	simm.s32 $0x2680;
	v3 =	vadd.s32 v1, v3  }
0x3ac: {  	[tilespmem:s7], [sflag:$0x1] =	stream.indirect_vreg.gather [hbm4b:s2+s3], $0x80, v4, vm0, $0xb8;
	[tilespmem:$0x1C680] =	vst v63  }
0x3ad: {  	s0 =	simm.s32 $0x2E80  }
0x3ae: {  	[tilespmem:s0], [sflag:$0x1] =	stream.indirect_vreg.gather [hbm4b:s4+s3], $0x80, v4, vm0, $0xb8;
	[tilespmem:$0x1C680] =	vst v63  }
0x3af: {  	s20 =	simm.s32 $0x3680  }
0x3b0: {  	[tilespmem:s20], [sflag:$0x1] =	stream.indirect_vreg.gather [hbm4b:s2+s3], $0x80, v3, vm0, $0xb8;
	[tilespmem:$0x1C680] =	vst v63  }
0x3b1: {  	s20 =	simm.s32 $0x3E80  }
0x3b2: {  	[tilespmem:s20], [sflag:$0x1] =	stream.indirect_vreg.gather [hbm4b:s4+s3], $0x80, v3, vm0, $0xb8;
	[tilespmem:$0x1C680] =	vst v63  }
0x3b3: {  	v3 =	vld [tilespmem:$0x3A0];
	_ =	sdelay $0x4  }
0x3b4: {  	v24 =	vshll.u32 v3, $0x2  }
0x3b5: {  	v3 =	vand.u32 $0x7, v3;
	v4 =	vand.u32 $0xFFFFFFE0, v24  }
0x3b6: {  	v3 =	vor.u32 v3, v4  }
0x3b7: {  	v4 =	vperm.xlane v3, v0;
	_ =	sdelay $0x1  }
0x3b8: {  	v4 =	vadd.s32 v1, v4;
	_ =	sdelay $0x1  }
0x3b9: {  	v3 =	vperm.xlane v3, v2;
	_ =	sdelay $0x1  }
0x3ba: {  	s21 =	simm.s32 $0x4680;
	v3 =	vadd.s32 v1, v3  }
0x3bb: {  	[tilespmem:s21], [sflag:$0x1] =	stream.indirect_vreg.gather [hbm4b:s2+s3], $0x80, v4, vm0, $0xb8;
	[tilespmem:$0x1C680] =	vst v63  }
0x3bc: {  	s22 =	simm.s32 $0x4E80  }
0x3bd: {  	[tilespmem:s22], [sflag:$0x1] =	stream.indirect_vreg.gather [hbm4b:s4+s3], $0x80, v4, vm0, $0xb8;
	[tilespmem:$0x1C680] =	vst v63  }
0x3be: {  	s23 =	simm.s32 $0x5680  }
0x3bf: {  	[tilespmem:s23], [sflag:$0x1] =	stream.indirect_vreg.gather [hbm4b:s2+s3], $0x80, v3, vm0, $0xb8;
	[tilespmem:$0x1C680] =	vst v63  }
0x3c0: {  	s23 =	simm.s32 $0x5E80  }
0x3c1: {  	[tilespmem:s23], [sflag:$0x1] =	stream.indirect_vreg.gather [hbm4b:s4+s3], $0x80, v3, vm0, $0xb8;
	[tilespmem:$0x1C680] =	vst v63  }
0x3c2: {  	v3 =	vld [tilespmem:$0x3B0];
	_ =	sdelay $0x4  }
0x3c3: {  	v25 =	vshll.u32 v3, $0x2  }
0x3c4: {  	v3 =	vand.u32 $0x7, v3;
	v4 =	vand.u32 $0xFFFFFFE0, v25  }
0x3c5: {  	v3 =	vor.u32 v3, v4  }
0x3c6: {  	v4 =	vperm.xlane v3, v0;
	_ =	sdelay $0x1  }
0x3c7: {  	v4 =	vadd.s32 v1, v4;
	_ =	sdelay $0x1  }
0x3c8: {  	v3 =	vperm.xlane v3, v2;
	_ =	sdelay $0x1  }
0x3c9: {  	s24 =	simm.s32 $0x6680;
	v3 =	vadd.s32 v1, v3  }
0x3ca: {  	[tilespmem:s24], [sflag:$0x1] =	stream.indirect_vreg.gather [hbm4b:s2+s3], $0x80, v4, vm0, $0xb8;
	[tilespmem:$0x1C680] =	vst v63  }
0x3cb: {  	s25 =	simm.s32 $0x6E80  }
0x3cc: {  	[tilespmem:s25], [sflag:$0x1] =	stream.indirect_vreg.gather [hbm4b:s4+s3], $0x80, v4, vm0, $0xb8;
	[tilespmem:$0x1C680] =	vst v63  }
0x3cd: {  	s26 =	simm.s32 $0x7680  }
0x3ce: {  	[tilespmem:s26], [sflag:$0x1] =	stream.indirect_vreg.gather [hbm4b:s2+s3], $0x80, v3, vm0, $0xb8;
	[tilespmem:$0x1C680] =	vst v63  }
0x3cf: {  	s26 =	simm.s32 $0x7E80  }
0x3d0: {  	[tilespmem:s26], [sflag:$0x1] =	stream.indirect_vreg.gather [hbm4b:s4+s3], $0x80, v3, vm0, $0xb8;
	[tilespmem:$0x1C680] =	vst v63  }
0x3d1: {  	v3 =	vld [tilespmem:$0x3C0];
	_ =	sdelay $0x4  }
0x3d2: {  	v26 =	vshll.u32 v3, $0x2  }
0x3d3: {  	v3 =	vand.u32 $0x7, v3;
	v4 =	vand.u32 $0xFFFFFFE0, v26  }
0x3d4: {  	v3 =	vor.u32 v3, v4  }
0x3d5: {  	v4 =	vperm.xlane v3, v0;
	_ =	sdelay $0x1  }
0x3d6: {  	v4 =	vadd.s32 v1, v4;
	_ =	sdelay $0x1  }
0x3d7: {  	v3 =	vperm.xlane v3, v2;
	_ =	sdelay $0x1  }
0x3d8: {  	s28 =	simm.s32 $0x8680;
	v3 =	vadd.s32 v1, v3  }
0x3d9: {  	[tilespmem:s28], [sflag:$0x1] =	stream.indirect_vreg.gather [hbm4b:s2+s3], $0x80, v4, vm0, $0xb8;
	[tilespmem:$0x1C680] =	vst v63  }
0x3da: {  	s29 =	simm.s32 $0x8E80  }
0x3db: {  	[tilespmem:s29], [sflag:$0x1] =	stream.indirect_vreg.gather [hbm4b:s4+s3], $0x80, v4, vm0, $0xb8;
	[tilespmem:$0x1C680] =	vst v63  }
0x3dc: {  	s30 =	simm.s32 $0x9680  }
0x3dd: {  	[tilespmem:s30], [sflag:$0x1] =	stream.indirect_vreg.gather [hbm4b:s2+s3], $0x80, v3, vm0, $0xb8;
	[tilespmem:$0x1C680] =	vst v63  }
0x3de: {  	s30 =	simm.s32 $0x9E80  }
0x3df: {  	[tilespmem:s30], [sflag:$0x1] =	stream.indirect_vreg.gather [hbm4b:s4+s3], $0x80, v3, vm0, $0xb8;
	[tilespmem:$0x1C680] =	vst v63  }
0x3e0: {  	v3 =	vld [tilespmem:$0x3D0];
	_ =	sdelay $0x4  }
0x3e1: {  	v27 =	vshll.u32 v3, $0x2  }
0x3e2: {  	v3 =	vand.u32 $0x7, v3;
	v4 =	vand.u32 $0xFFFFFFE0, v27  }
0x3e3: {  	v3 =	vor.u32 v3, v4  }
0x3e4: {  	v4 =	vperm.xlane v3, v0;
	_ =	sdelay $0x1  }
0x3e5: {  	v4 =	vadd.s32 v1, v4;
	_ =	sdelay $0x1  }
0x3e6: {  	v3 =	vperm.xlane v3, v2;
	_ =	sdelay $0x1  }
0x3e7: {  	s31 =	simm.s32 $0xA680;
	v3 =	vadd.s32 v1, v3  }
0x3e8: {  	[tilespmem:s31], [sflag:$0x1] =	stream.indirect_vreg.gather [hbm4b:s2+s3], $0x80, v4, vm0, $0xb8;
	[tilespmem:$0x1C680] =	vst v63  }
0x3e9: {  	s19 =	simm.s32 $0xAE80  }
0x3ea: {  	[tilespmem:s19], [sflag:$0x1] =	stream.indirect_vreg.gather [hbm4b:s4+s3], $0x80, v4, vm0, $0xb8;
	[tilespmem:$0x1C680] =	vst v63  }
0x3eb: {  	s8 =	simm.s32 $0xB680  }
0x3ec: {  	[tilespmem:s8], [sflag:$0x1] =	stream.indirect_vreg.gather [hbm4b:s2+s3], $0x80, v3, vm0, $0xb8;
	[tilespmem:$0x1C680] =	vst v63  }
0x3ed: {  	s7 =	simm.s32 $0xBE80  }
0x3ee: {  	[tilespmem:s7], [sflag:$0x1] =	stream.indirect_vreg.gather [hbm4b:s4+s3], $0x80, v3, vm0, $0xb8;
	[tilespmem:$0x1C680] =	vst v63  }
0x3ef: {  	v3 =	vld [tilespmem:$0x3E0];
	_ =	sdelay $0x4  }
0x3f0: {  	v28 =	vshll.u32 v3, $0x2  }
0x3f1: {  	v3 =	vand.u32 $0x7, v3;
	v4 =	vand.u32 $0xFFFFFFE0, v28  }
0x3f2: {  	v3 =	vor.u32 v3, v4  }
0x3f3: {  	v4 =	vperm.xlane v3, v0;
	_ =	sdelay $0x1  }
0x3f4: {  	v4 =	vadd.s32 v1, v4;
	_ =	sdelay $0x1  }
0x3f5: {  	v3 =	vperm.xlane v3, v2;
	_ =	sdelay $0x1  }
0x3f6: {  	s9 =	simm.s32 $0xC680;
	v3 =	vadd.s32 v1, v3  }
0x3f7: {  	[tilespmem:s9], [sflag:$0x1] =	stream.indirect_vreg.gather [hbm4b:s2+s3], $0x80, v4, vm0, $0xb8;
	[tilespmem:$0x1C680] =	vst v63  }
0x3f8: {  	s11 =	simm.s32 $0xCE80  }
0x3f9: {  	[tilespmem:s11], [sflag:$0x1] =	stream.indirect_vreg.gather [hbm4b:s4+s3], $0x80, v4, vm0, $0xb8;
	[tilespmem:$0x1C680] =	vst v63  }
0x3fa: {  	s12 =	simm.s32 $0xD680  }
0x3fb: {  	[tilespmem:s12], [sflag:$0x1] =	stream.indirect_vreg.gather [hbm4b:s2+s3], $0x80, v3, vm0, $0xb8;
	[tilespmem:$0x1C680] =	vst v63  }
0x3fc: {  	s8 =	simm.s32 $0xDE80  }
0x3fd: {  	[tilespmem:s8], [sflag:$0x1] =	stream.indirect_vreg.gather [hbm4b:s4+s3], $0x80, v3, vm0, $0xb8;
	[tilespmem:$0x1C680] =	vst v63  }
0x3fe: {  	_ =	swait.ge [sflag:s15], $0xE000  }
0x3ff: {  	[sflag:s15] =	ssyncset.done $0x0  }
0x400: {  	s9 =	rddreg [dreg:$0xb];
	[sflag:s15] =	ssyncadd.s32 $0xFFFF2000  }
0x401: {  	[hbm4b:s9+s3] =	stream.linear.scatter [tilespmem:s10], [sflag:$0x3], $0xE000, $0x38;
	[tilespmem:$0x1C680] =	vst v63  }
0x402: {  	_ =	swait.ge [sflag:s6], $0xE000  }
0x403: {  	[sflag:s6] =	ssyncset.done $0x0  }
0x404: {  	[sflag:s6] =	ssyncadd.s32 $0xFFFF2000  }
0x405: {  	v3 =	vld [tilespmem:$0x3F0];
	_ =	sdelay $0x4  }
0x406: {  	v29 =	vshll.u32 v3, $0x2  }
0x407: {  	v3 =	vand.u32 $0x7, v3;
	v4 =	vand.u32 $0xFFFFFFE0, v29  }
0x408: {  	v3 =	vor.u32 v3, v4  }
0x409: {  	v4 =	vperm.xlane v3, v0;
	_ =	sdelay $0x1  }
0x40a: {  	v4 =	vadd.s32 v1, v4;
	_ =	sdelay $0x1  }
0x40b: {  	v3 =	vperm.xlane v3, v2;
	_ =	sdelay $0x1  }
0x40c: {  	v3 =	vadd.s32 v1, v3  }
0x40d: {  	[tilespmem:s10], [sflag:$0x2] =	stream.indirect_vreg.gather [hbm4b:s2+s3], $0x80, v4, vm0, $0xb8;
	[tilespmem:$0x1C680] =	vst v63  }
0x40e: {  	s13 =	simm.s32 $0xEE80  }
0x40f: {  	[tilespmem:s13], [sflag:$0x2] =	stream.indirect_vreg.gather [hbm4b:s4+s3], $0x80, v4, vm0, $0xb8;
	[tilespmem:$0x1C680] =	vst v63  }
0x410: {  	s18 =	simm.s32 $0xF680  }
0x411: {  	[tilespmem:s18], [sflag:$0x2] =	stream.indirect_vreg.gather [hbm4b:s2+s3], $0x80, v3, vm0, $0xb8;
	[tilespmem:$0x1C680] =	vst v63  }
0x412: {  	s16 =	simm.s32 $0xFE80  }
0x413: {  	[tilespmem:s16], [sflag:$0x2] =	stream.indirect_vreg.gather [hbm4b:s4+s3], $0x80, v3, vm0, $0xb8;
	[tilespmem:$0x1C680] =	vst v63  }
0x414: {  	v3 =	vld [tilespmem:$0x400];
	_ =	sdelay $0x4  }
0x415: {  	v30 =	vshll.u32 v3, $0x2  }
0x416: {  	v3 =	vand.u32 $0x7, v3;
	v4 =	vand.u32 $0xFFFFFFE0, v30  }
0x417: {  	v3 =	vor.u32 v3, v4  }
0x418: {  	v4 =	vperm.xlane v3, v0;
	_ =	sdelay $0x1  }
0x419: {  	v4 =	vadd.s32 v1, v4;
	_ =	sdelay $0x1  }
0x41a: {  	v3 =	vperm.xlane v3, v2;
	_ =	sdelay $0x1  }
0x41b: {  	s18 =	simm.s32 $0x10680;
	v3 =	vadd.s32 v1, v3  }
0x41c: {  	[tilespmem:s18], [sflag:$0x2] =	stream.indirect_vreg.gather [hbm4b:s2+s3], $0x80, v4, vm0, $0xb8;
	[tilespmem:$0x1C680] =	vst v63  }
0x41d: {  	s22 =	simm.s32 $0x10E80  }
0x41e: {  	[tilespmem:s22], [sflag:$0x2] =	stream.indirect_vreg.gather [hbm4b:s4+s3], $0x80, v4, vm0, $0xb8;
	[tilespmem:$0x1C680] =	vst v63  }
0x41f: {  	s23 =	simm.s32 $0x11680  }
0x420: {  	[tilespmem:s23], [sflag:$0x2] =	stream.indirect_vreg.gather [hbm4b:s2+s3], $0x80, v3, vm0, $0xb8;
	[tilespmem:$0x1C680] =	vst v63  }
0x421: {  	s24 =	simm.s32 $0x11E80  }
0x422: {  	[tilespmem:s24], [sflag:$0x2] =	stream.indirect_vreg.gather [hbm4b:s4+s3], $0x80, v3, vm0, $0xb8;
	[tilespmem:$0x1C680] =	vst v63  }
0x423: {  	v3 =	vld [tilespmem:$0x410];
	_ =	sdelay $0x4  }
0x424: {  	v31 =	vshll.u32 v3, $0x2  }
0x425: {  	v3 =	vand.u32 $0x7, v3;
	v4 =	vand.u32 $0xFFFFFFE0, v31  }
0x426: {  	v3 =	vor.u32 v3, v4  }
0x427: {  	v4 =	vperm.xlane v3, v0;
	_ =	sdelay $0x1  }
0x428: {  	v4 =	vadd.s32 v1, v4;
	_ =	sdelay $0x1  }
0x429: {  	v3 =	vperm.xlane v3, v2;
	_ =	sdelay $0x1  }
0x42a: {  	s25 =	simm.s32 $0x12680;
	v3 =	vadd.s32 v1, v3  }
0x42b: {  	[tilespmem:s25], [sflag:$0x2] =	stream.indirect_vreg.gather [hbm4b:s2+s3], $0x80, v4, vm0, $0xb8;
	[tilespmem:$0x1C680] =	vst v63  }
0x42c: {  	s26 =	simm.s32 $0x12E80  }
0x42d: {  	[tilespmem:s26], [sflag:$0x2] =	stream.indirect_vreg.gather [hbm4b:s4+s3], $0x80, v4, vm0, $0xb8;
	[tilespmem:$0x1C680] =	vst v63  }
0x42e: {  	s28 =	simm.s32 $0x13680  }
0x42f: {  	[tilespmem:s28], [sflag:$0x2] =	stream.indirect_vreg.gather [hbm4b:s2+s3], $0x80, v3, vm0, $0xb8;
	[tilespmem:$0x1C680] =	vst v63  }
0x430: {  	s29 =	simm.s32 $0x13E80  }
0x431: {  	[tilespmem:s29], [sflag:$0x2] =	stream.indirect_vreg.gather [hbm4b:s4+s3], $0x80, v3, vm0, $0xb8;
	[tilespmem:$0x1C680] =	vst v63  }
0x432: {  	v3 =	vld [tilespmem:$0x420];
	_ =	sdelay $0x4  }
0x433: {  	v32 =	vshll.u32 v3, $0x2  }
0x434: {  	v3 =	vand.u32 $0x7, v3;
	v4 =	vand.u32 $0xFFFFFFE0, v32  }
0x435: {  	v3 =	vor.u32 v3, v4  }
0x436: {  	v4 =	vperm.xlane v3, v0;
	_ =	sdelay $0x1  }
0x437: {  	v4 =	vadd.s32 v1, v4;
	_ =	sdelay $0x1  }
0x438: {  	v3 =	vperm.xlane v3, v2;
	_ =	sdelay $0x1  }
0x439: {  	s30 =	simm.s32 $0x14680;
	v3 =	vadd.s32 v1, v3  }
0x43a: {  	[tilespmem:s30], [sflag:$0x2] =	stream.indirect_vreg.gather [hbm4b:s2+s3], $0x80, v4, vm0, $0xb8;
	[tilespmem:$0x1C680] =	vst v63  }
0x43b: {  	s31 =	simm.s32 $0x14E80  }
0x43c: {  	[tilespmem:s31], [sflag:$0x2] =	stream.indirect_vreg.gather [hbm4b:s4+s3], $0x80, v4, vm0, $0xb8;
	[tilespmem:$0x1C680] =	vst v63  }
0x43d: {  	s7 =	simm.s32 $0x15680  }
0x43e: {  	[tilespmem:s7], [sflag:$0x2] =	stream.indirect_vreg.gather [hbm4b:s2+s3], $0x80, v3, vm0, $0xb8;
	[tilespmem:$0x1C680] =	vst v63  }
0x43f: {  	s8 =	simm.s32 $0x15E80  }
0x440: {  	[tilespmem:s8], [sflag:$0x2] =	stream.indirect_vreg.gather [hbm4b:s4+s3], $0x80, v3, vm0, $0xb8;
	[tilespmem:$0x1C680] =	vst v63  }
0x441: {  	v3 =	vld [tilespmem:$0x430];
	_ =	sdelay $0x4  }
0x442: {  	v33 =	vshll.u32 v3, $0x2  }
0x443: {  	v3 =	vand.u32 $0x7, v3;
	v4 =	vand.u32 $0xFFFFFFE0, v33  }
0x444: {  	v3 =	vor.u32 v3, v4  }
0x445: {  	v4 =	vperm.xlane v3, v0;
	_ =	sdelay $0x1  }
0x446: {  	v4 =	vadd.s32 v1, v4;
	_ =	sdelay $0x1  }
0x447: {  	v3 =	vperm.xlane v3, v2;
	_ =	sdelay $0x1  }
0x448: {  	s9 =	simm.s32 $0x16680;
	v3 =	vadd.s32 v1, v3  }
0x449: {  	[tilespmem:s9], [sflag:$0x2] =	stream.indirect_vreg.gather [hbm4b:s2+s3], $0x80, v4, vm0, $0xb8;
	[tilespmem:$0x1C680] =	vst v63  }
0x44a: {  	s16 =	simm.s32 $0x16E80  }
0x44b: {  	[tilespmem:s16], [sflag:$0x2] =	stream.indirect_vreg.gather [hbm4b:s4+s3], $0x80, v4, vm0, $0xb8;
	[tilespmem:$0x1C680] =	vst v63  }
0x44c: {  	s18 =	simm.s32 $0x17680  }
0x44d: {  	[tilespmem:s18], [sflag:$0x2] =	stream.indirect_vreg.gather [hbm4b:s2+s3], $0x80, v3, vm0, $0xb8;
	[tilespmem:$0x1C680] =	vst v63  }
0x44e: {  	s22 =	simm.s32 $0x17E80  }
0x44f: {  	[tilespmem:s22], [sflag:$0x2] =	stream.indirect_vreg.gather [hbm4b:s4+s3], $0x80, v3, vm0, $0xb8;
	[tilespmem:$0x1C680] =	vst v63  }
0x450: {  	v3 =	vld [tilespmem:$0x440];
	_ =	sdelay $0x4  }
0x451: {  	v34 =	vshll.u32 v3, $0x2  }
0x452: {  	v3 =	vand.u32 $0x7, v3;
	v4 =	vand.u32 $0xFFFFFFE0, v34  }
0x453: {  	v3 =	vor.u32 v3, v4  }
0x454: {  	v4 =	vperm.xlane v3, v0;
	_ =	sdelay $0x1  }
0x455: {  	v4 =	vadd.s32 v1, v4;
	_ =	sdelay $0x1  }
0x456: {  	v3 =	vperm.xlane v3, v2;
	_ =	sdelay $0x1  }
0x457: {  	s23 =	simm.s32 $0x18680;
	v3 =	vadd.s32 v1, v3  }
0x458: {  	[tilespmem:s23], [sflag:$0x2] =	stream.indirect_vreg.gather [hbm4b:s2+s3], $0x80, v4, vm0, $0xb8;
	[tilespmem:$0x1C680] =	vst v63  }
0x459: {  	s24 =	simm.s32 $0x18E80  }
0x45a: {  	[tilespmem:s24], [sflag:$0x2] =	stream.indirect_vreg.gather [hbm4b:s4+s3], $0x80, v4, vm0, $0xb8;
	[tilespmem:$0x1C680] =	vst v63  }
0x45b: {  	s25 =	simm.s32 $0x19680  }
0x45c: {  	[tilespmem:s25], [sflag:$0x2] =	stream.indirect_vreg.gather [hbm4b:s2+s3], $0x80, v3, vm0, $0xb8;
	[tilespmem:$0x1C680] =	vst v63  }
0x45d: {  	s26 =	simm.s32 $0x19E80  }
0x45e: {  	[tilespmem:s26], [sflag:$0x2] =	stream.indirect_vreg.gather [hbm4b:s4+s3], $0x80, v3, vm0, $0xb8;
	[tilespmem:$0x1C680] =	vst v63  }
0x45f: {  	v3 =	vld [tilespmem:$0x450];
	_ =	sdelay $0x4  }
0x460: {  	v35 =	vshll.u32 v3, $0x2  }
0x461: {  	v3 =	vand.u32 $0x7, v3;
	v4 =	vand.u32 $0xFFFFFFE0, v35  }
0x462: {  	v3 =	vor.u32 v3, v4  }
0x463: {  	v4 =	vperm.xlane v3, v0;
	_ =	sdelay $0x1  }
0x464: {  	v4 =	vadd.s32 v1, v4;
	_ =	sdelay $0x1  }
0x465: {  	v3 =	vperm.xlane v3, v2;
	_ =	sdelay $0x1  }
0x466: {  	s28 =	simm.s32 $0x1A680;
	v3 =	vadd.s32 v1, v3  }
0x467: {  	[tilespmem:s28], [sflag:$0x2] =	stream.indirect_vreg.gather [hbm4b:s2+s3], $0x80, v4, vm0, $0xb8;
	[tilespmem:$0x1C680] =	vst v63  }
0x468: {  	s29 =	simm.s32 $0x1AE80  }
0x469: {  	[tilespmem:s29], [sflag:$0x2] =	stream.indirect_vreg.gather [hbm4b:s4+s3], $0x80, v4, vm0, $0xb8;
	[tilespmem:$0x1C680] =	vst v63  }
0x46a: {  	s30 =	simm.s32 $0x1B680  }
0x46b: {  	[tilespmem:s30], [sflag:$0x2] =	stream.indirect_vreg.gather [hbm4b:s2+s3], $0x80, v3, vm0, $0xb8;
	[tilespmem:$0x1C680] =	vst v63  }
0x46c: {  	s31 =	simm.s32 $0x1BE80  }
0x46d: {  	[tilespmem:s31], [sflag:$0x2] =	stream.indirect_vreg.gather [hbm4b:s4+s3], $0x80, v3, vm0, $0xb8;
	[tilespmem:$0x1C680] =	vst v63  }
0x46e: {  	_ =	swait.ge [sflag:s14], $0xE000  }
0x46f: {  	[sflag:s14] =	ssyncset.done $0x0  }
0x470: {  	s7 =	rddreg [dreg:$0xc];
	[sflag:s14] =	ssyncadd.s32 $0xFFFF2000  }
0x471: {  	[hbm4b:s7+s3] =	stream.linear.scatter [tilespmem:s17], [sflag:$0x3], $0xE000, $0x38;
	[tilespmem:$0x1C680] =	vst v63  }
0x472: {  	_ =	swait.ge [sflag:s6], $0xE000  }
0x473: {  	[sflag:s6] =	ssyncset.done $0x0  }
0x474: {  	[sflag:s6] =	ssyncadd.s32 $0xFFFF2000  }
0x475: {  	v3 =	vld [tilespmem:$0x460];
	_ =	sdelay $0x4  }
0x476: {  	v36 =	vshll.u32 v3, $0x2  }
0x477: {  	v3 =	vand.u32 $0x7, v3;
	v4 =	vand.u32 $0xFFFFFFE0, v36  }
0x478: {  	v3 =	vor.u32 v3, v4  }
0x479: {  	v4 =	vperm.xlane v3, v0;
	_ =	sdelay $0x1  }
0x47a: {  	v4 =	vadd.s32 v1, v4;
	_ =	sdelay $0x1  }
0x47b: {  	v3 =	vperm.xlane v3, v2;
	_ =	sdelay $0x1  }
0x47c: {  	v3 =	vadd.s32 v1, v3  }
0x47d: {  	[tilespmem:s17], [sflag:$0x1] =	stream.indirect_vreg.gather [hbm4b:s2+s3], $0x80, v4, vm0, $0xb8;
	[tilespmem:$0x1C680] =	vst v63  }
0x47e: {  	s8 =	simm.s32 $0xE80  }
0x47f: {  	[tilespmem:s8], [sflag:$0x1] =	stream.indirect_vreg.gather [hbm4b:s4+s3], $0x80, v4, vm0, $0xb8;
	[tilespmem:$0x1C680] =	vst v63  }
0x480: {  	s9 =	simm.s32 $0x1680  }
0x481: {  	[tilespmem:s9], [sflag:$0x1] =	stream.indirect_vreg.gather [hbm4b:s2+s3], $0x80, v3, vm0, $0xb8;
	[tilespmem:$0x1C680] =	vst v63  }
0x482: {  	s16 =	simm.s32 $0x1E80  }
0x483: {  	[tilespmem:s16], [sflag:$0x1] =	stream.indirect_vreg.gather [hbm4b:s4+s3], $0x80, v3, vm0, $0xb8;
	[tilespmem:$0x1C680] =	vst v63  }
0x484: {  	v3 =	vld [tilespmem:$0x470];
	_ =	sdelay $0x4  }
0x485: {  	v37 =	vshll.u32 v3, $0x2  }
0x486: {  	v3 =	vand.u32 $0x7, v3;
	v4 =	vand.u32 $0xFFFFFFE0, v37  }
0x487: {  	v3 =	vor.u32 v3, v4  }
0x488: {  	v4 =	vperm.xlane v3, v0;
	_ =	sdelay $0x1  }
0x489: {  	v4 =	vadd.s32 v1, v4;
	_ =	sdelay $0x1  }
0x48a: {  	v3 =	vperm.xlane v3, v2;
	_ =	sdelay $0x1  }
0x48b: {  	s18 =	simm.s32 $0x2680;
	v3 =	vadd.s32 v1, v3  }
0x48c: {  	[tilespmem:s18], [sflag:$0x1] =	stream.indirect_vreg.gather [hbm4b:s2+s3], $0x80, v4, vm0, $0xb8;
	[tilespmem:$0x1C680] =	vst v63  }
0x48d: {  	s1 =	simm.s32 $0x2E80  }
0x48e: {  	[tilespmem:s1], [sflag:$0x1] =	stream.indirect_vreg.gather [hbm4b:s4+s3], $0x80, v4, vm0, $0xb8;
	[tilespmem:$0x1C680] =	vst v63  }
0x48f: {  	s22 =	simm.s32 $0x3680  }
0x490: {  	[tilespmem:s22], [sflag:$0x1] =	stream.indirect_vreg.gather [hbm4b:s2+s3], $0x80, v3, vm0, $0xb8;
	[tilespmem:$0x1C680] =	vst v63  }
0x491: {  	s23 =	simm.s32 $0x3E80  }
0x492: {  	[tilespmem:s23], [sflag:$0x1] =	stream.indirect_vreg.gather [hbm4b:s4+s3], $0x80, v3, vm0, $0xb8;
	[tilespmem:$0x1C680] =	vst v63  }
0x493: {  	v3 =	vld [tilespmem:$0x480];
	_ =	sdelay $0x4  }
0x494: {  	v38 =	vshll.u32 v3, $0x2  }
0x495: {  	v3 =	vand.u32 $0x7, v3;
	v4 =	vand.u32 $0xFFFFFFE0, v38  }
0x496: {  	v3 =	vor.u32 v3, v4  }
0x497: {  	v4 =	vperm.xlane v3, v0;
	_ =	sdelay $0x1  }
0x498: {  	v4 =	vadd.s32 v1, v4;
	_ =	sdelay $0x1  }
0x499: {  	v3 =	vperm.xlane v3, v2;
	_ =	sdelay $0x1  }
0x49a: {  	s24 =	simm.s32 $0x4680;
	v3 =	vadd.s32 v1, v3  }
0x49b: {  	[tilespmem:s24], [sflag:$0x1] =	stream.indirect_vreg.gather [hbm4b:s2+s3], $0x80, v4, vm0, $0xb8;
	[tilespmem:$0x1C680] =	vst v63  }
0x49c: {  	s25 =	simm.s32 $0x4E80  }
0x49d: {  	[tilespmem:s25], [sflag:$0x1] =	stream.indirect_vreg.gather [hbm4b:s4+s3], $0x80, v4, vm0, $0xb8;
	[tilespmem:$0x1C680] =	vst v63  }
0x49e: {  	s26 =	simm.s32 $0x5680  }
0x49f: {  	[tilespmem:s26], [sflag:$0x1] =	stream.indirect_vreg.gather [hbm4b:s2+s3], $0x80, v3, vm0, $0xb8;
	[tilespmem:$0x1C680] =	vst v63  }
0x4a0: {  	s28 =	simm.s32 $0x5E80  }
0x4a1: {  	[tilespmem:s28], [sflag:$0x1] =	stream.indirect_vreg.gather [hbm4b:s4+s3], $0x80, v3, vm0, $0xb8;
	[tilespmem:$0x1C680] =	vst v63  }
0x4a2: {  	v3 =	vld [tilespmem:$0x490];
	_ =	sdelay $0x4  }
0x4a3: {  	v39 =	vshll.u32 v3, $0x2  }
0x4a4: {  	v3 =	vand.u32 $0x7, v3;
	v4 =	vand.u32 $0xFFFFFFE0, v39  }
0x4a5: {  	v3 =	vor.u32 v3, v4  }
0x4a6: {  	v4 =	vperm.xlane v3, v0;
	_ =	sdelay $0x1  }
0x4a7: {  	v4 =	vadd.s32 v1, v4;
	_ =	sdelay $0x1  }
0x4a8: {  	v3 =	vperm.xlane v3, v2;
	_ =	sdelay $0x1  }
0x4a9: {  	s29 =	simm.s32 $0x6680;
	v3 =	vadd.s32 v1, v3  }
0x4aa: {  	[tilespmem:s29], [sflag:$0x1] =	stream.indirect_vreg.gather [hbm4b:s2+s3], $0x80, v4, vm0, $0xb8;
	[tilespmem:$0x1C680] =	vst v63  }
0x4ab: {  	s30 =	simm.s32 $0x6E80  }
0x4ac: {  	[tilespmem:s30], [sflag:$0x1] =	stream.indirect_vreg.gather [hbm4b:s4+s3], $0x80, v4, vm0, $0xb8;
	[tilespmem:$0x1C680] =	vst v63  }
0x4ad: {  	s31 =	simm.s32 $0x7680  }
0x4ae: {  	[tilespmem:s31], [sflag:$0x1] =	stream.indirect_vreg.gather [hbm4b:s2+s3], $0x80, v3, vm0, $0xb8;
	[tilespmem:$0x1C680] =	vst v63  }
0x4af: {  	s16 =	simm.s32 $0x7E80  }
0x4b0: {  	[tilespmem:s16], [sflag:$0x1] =	stream.indirect_vreg.gather [hbm4b:s4+s3], $0x80, v3, vm0, $0xb8;
	[tilespmem:$0x1C680] =	vst v63  }
0x4b1: {  	v3 =	vld [tilespmem:$0x4A0];
	_ =	sdelay $0x4  }
0x4b2: {  	v40 =	vshll.u32 v3, $0x2  }
0x4b3: {  	v3 =	vand.u32 $0x7, v3;
	v4 =	vand.u32 $0xFFFFFFE0, v40  }
0x4b4: {  	v3 =	vor.u32 v3, v4  }
0x4b5: {  	v4 =	vperm.xlane v3, v0;
	_ =	sdelay $0x1  }
0x4b6: {  	v4 =	vadd.s32 v1, v4;
	_ =	sdelay $0x1  }
0x4b7: {  	v3 =	vperm.xlane v3, v2;
	_ =	sdelay $0x1  }
0x4b8: {  	s29 =	simm.s32 $0x8680;
	v3 =	vadd.s32 v1, v3  }
0x4b9: {  	[tilespmem:s29], [sflag:$0x1] =	stream.indirect_vreg.gather [hbm4b:s2+s3], $0x80, v4, vm0, $0xb8;
	[tilespmem:$0x1C680] =	vst v63  }
0x4ba: {  	s30 =	simm.s32 $0x8E80  }
0x4bb: {  	[tilespmem:s30], [sflag:$0x1] =	stream.indirect_vreg.gather [hbm4b:s4+s3], $0x80, v4, vm0, $0xb8;
	[tilespmem:$0x1C680] =	vst v63  }
0x4bc: {  	s31 =	simm.s32 $0x9680  }
0x4bd: {  	[tilespmem:s31], [sflag:$0x1] =	stream.indirect_vreg.gather [hbm4b:s2+s3], $0x80, v3, vm0, $0xb8;
	[tilespmem:$0x1C680] =	vst v63  }
0x4be: {  	s16 =	simm.s32 $0x9E80  }
0x4bf: {  	[tilespmem:s16], [sflag:$0x1] =	stream.indirect_vreg.gather [hbm4b:s4+s3], $0x80, v3, vm0, $0xb8;
	[tilespmem:$0x1C680] =	vst v63  }
0x4c0: {  	v3 =	vld [tilespmem:$0x4B0];
	_ =	sdelay $0x4  }
0x4c1: {  	v41 =	vshll.u32 v3, $0x2  }
0x4c2: {  	v3 =	vand.u32 $0x7, v3;
	v4 =	vand.u32 $0xFFFFFFE0, v41  }
0x4c3: {  	v3 =	vor.u32 v3, v4  }
0x4c4: {  	v4 =	vperm.xlane v3, v0;
	_ =	sdelay $0x1  }
0x4c5: {  	v4 =	vadd.s32 v1, v4;
	_ =	sdelay $0x1  }
0x4c6: {  	v3 =	vperm.xlane v3, v2;
	_ =	sdelay $0x1  }
0x4c7: {  	s16 =	simm.s32 $0xA680;
	v3 =	vadd.s32 v1, v3  }
0x4c8: {  	[tilespmem:s16], [sflag:$0x1] =	stream.indirect_vreg.gather [hbm4b:s2+s3], $0x80, v4, vm0, $0xb8;
	[tilespmem:$0x1C680] =	vst v63  }
0x4c9: {  	s21 =	simm.s32 $0xAE80  }
0x4ca: {  	[tilespmem:s21], [sflag:$0x1] =	stream.indirect_vreg.gather [hbm4b:s4+s3], $0x80, v4, vm0, $0xb8;
	[tilespmem:$0x1C680] =	vst v63  }
0x4cb: {  	s19 =	simm.s32 $0xB680  }
0x4cc: {  	[tilespmem:s19], [sflag:$0x1] =	stream.indirect_vreg.gather [hbm4b:s2+s3], $0x80, v3, vm0, $0xb8;
	[tilespmem:$0x1C680] =	vst v63  }
0x4cd: {  	s19 =	simm.s32 $0xBE80  }
0x4ce: {  	[tilespmem:s19], [sflag:$0x1] =	stream.indirect_vreg.gather [hbm4b:s4+s3], $0x80, v3, vm0, $0xb8;
	[tilespmem:$0x1C680] =	vst v63  }
0x4cf: {  	v3 =	vld [tilespmem:$0x4C0];
	_ =	sdelay $0x4  }
0x4d0: {  	v42 =	vshll.u32 v3, $0x2  }
0x4d1: {  	v3 =	vand.u32 $0x7, v3;
	v4 =	vand.u32 $0xFFFFFFE0, v42  }
0x4d2: {  	v3 =	vor.u32 v3, v4  }
0x4d3: {  	v4 =	vperm.xlane v3, v0;
	_ =	sdelay $0x1  }
0x4d4: {  	v4 =	vadd.s32 v1, v4;
	_ =	sdelay $0x1  }
0x4d5: {  	v3 =	vperm.xlane v3, v2;
	_ =	sdelay $0x1  }
0x4d6: {  	s20 =	simm.s32 $0xC680;
	v3 =	vadd.s32 v1, v3  }
0x4d7: {  	[tilespmem:s20], [sflag:$0x1] =	stream.indirect_vreg.gather [hbm4b:s2+s3], $0x80, v4, vm0, $0xb8;
	[tilespmem:$0x1C680] =	vst v63  }
0x4d8: {  	s11 =	simm.s32 $0xCE80  }
0x4d9: {  	[tilespmem:s11], [sflag:$0x1] =	stream.indirect_vreg.gather [hbm4b:s4+s3], $0x80, v4, vm0, $0xb8;
	[tilespmem:$0x1C680] =	vst v63  }
0x4da: {  	s12 =	simm.s32 $0xD680  }
0x4db: {  	[tilespmem:s12], [sflag:$0x1] =	stream.indirect_vreg.gather [hbm4b:s2+s3], $0x80, v3, vm0, $0xb8;
	[tilespmem:$0x1C680] =	vst v63  }
0x4dc: {  	s16 =	simm.s32 $0xDE80  }
0x4dd: {  	[tilespmem:s16], [sflag:$0x1] =	stream.indirect_vreg.gather [hbm4b:s4+s3], $0x80, v3, vm0, $0xb8;
	[tilespmem:$0x1C680] =	vst v63  }
0x4de: {  	_ =	swait.ge [sflag:s15], $0xE000  }
0x4df: {  	[sflag:s15] =	ssyncset.done $0x0  }
0x4e0: {  	s12 =	rddreg [dreg:$0xd];
	[sflag:s15] =	ssyncadd.s32 $0xFFFF2000  }
0x4e1: {  	[hbm4b:s12+s3] =	stream.linear.scatter [tilespmem:s10], [sflag:$0x3], $0xE000, $0x38;
	[tilespmem:$0x1C680] =	vst v63  }
0x4e2: {  	_ =	swait.ge [sflag:s6], $0xE000  }
0x4e3: {  	[sflag:s6] =	ssyncset.done $0x0  }
0x4e4: {  	[sflag:s6] =	ssyncadd.s32 $0xFFFF2000  }
0x4e5: {  	v3 =	vld [tilespmem:$0x4D0];
	_ =	sdelay $0x4  }
0x4e6: {  	v43 =	vshll.u32 v3, $0x2  }
0x4e7: {  	v3 =	vand.u32 $0x7, v3;
	v4 =	vand.u32 $0xFFFFFFE0, v43  }
0x4e8: {  	v3 =	vor.u32 v3, v4  }
0x4e9: {  	v4 =	vperm.xlane v3, v0;
	_ =	sdelay $0x1  }
0x4ea: {  	v4 =	vadd.s32 v1, v4;
	_ =	sdelay $0x1  }
0x4eb: {  	v3 =	vperm.xlane v3, v2;
	_ =	sdelay $0x1  }
0x4ec: {  	v3 =	vadd.s32 v1, v3  }
0x4ed: {  	[tilespmem:s10], [sflag:$0x2] =	stream.indirect_vreg.gather [hbm4b:s2+s3], $0x80, v4, vm0, $0xb8;
	[tilespmem:$0x1C680] =	vst v63  }
0x4ee: {  	s13 =	simm.s32 $0xEE80  }
0x4ef: {  	[tilespmem:s13], [sflag:$0x2] =	stream.indirect_vreg.gather [hbm4b:s4+s3], $0x80, v4, vm0, $0xb8;
	[tilespmem:$0x1C680] =	vst v63  }
0x4f0: {  	s16 =	simm.s32 $0xF680  }
0x4f1: {  	[tilespmem:s16], [sflag:$0x2] =	stream.indirect_vreg.gather [hbm4b:s2+s3], $0x80, v3, vm0, $0xb8;
	[tilespmem:$0x1C680] =	vst v63  }
0x4f2: {  	s16 =	simm.s32 $0xFE80  }
0x4f3: {  	[tilespmem:s16], [sflag:$0x2] =	stream.indirect_vreg.gather [hbm4b:s4+s3], $0x80, v3, vm0, $0xb8;
	[tilespmem:$0x1C680] =	vst v63  }
0x4f4: {  	v3 =	vld [tilespmem:$0x4E0];
	_ =	sdelay $0x4  }
0x4f5: {  	v44 =	vshll.u32 v3, $0x2  }
0x4f6: {  	v3 =	vand.u32 $0x7, v3;
	v4 =	vand.u32 $0xFFFFFFE0, v44  }
0x4f7: {  	v3 =	vor.u32 v3, v4  }
0x4f8: {  	v4 =	vperm.xlane v3, v0;
	_ =	sdelay $0x1  }
0x4f9: {  	v4 =	vadd.s32 v1, v4;
	_ =	sdelay $0x1  }
0x4fa: {  	v3 =	vperm.xlane v3, v2;
	_ =	sdelay $0x1  }
0x4fb: {  	s16 =	simm.s32 $0x10680;
	v3 =	vadd.s32 v1, v3  }
0x4fc: {  	[tilespmem:s16], [sflag:$0x2] =	stream.indirect_vreg.gather [hbm4b:s2+s3], $0x80, v4, vm0, $0xb8;
	[tilespmem:$0x1C680] =	vst v63  }
0x4fd: {  	s16 =	simm.s32 $0x10E80  }
0x4fe: {  	[tilespmem:s16], [sflag:$0x2] =	stream.indirect_vreg.gather [hbm4b:s4+s3], $0x80, v4, vm0, $0xb8;
	[tilespmem:$0x1C680] =	vst v63  }
0x4ff: {  	s16 =	simm.s32 $0x11680  }
0x500: {  	[tilespmem:s16], [sflag:$0x2] =	stream.indirect_vreg.gather [hbm4b:s2+s3], $0x80, v3, vm0, $0xb8;
	[tilespmem:$0x1C680] =	vst v63  }
0x501: {  	s16 =	simm.s32 $0x11E80  }
0x502: {  	[tilespmem:s16], [sflag:$0x2] =	stream.indirect_vreg.gather [hbm4b:s4+s3], $0x80, v3, vm0, $0xb8;
	[tilespmem:$0x1C680] =	vst v63  }
0x503: {  	v3 =	vld [tilespmem:$0x4F0];
	_ =	sdelay $0x4  }
0x504: {  	v45 =	vshll.u32 v3, $0x2  }
0x505: {  	v3 =	vand.u32 $0x7, v3;
	v4 =	vand.u32 $0xFFFFFFE0, v45  }
0x506: {  	v3 =	vor.u32 v3, v4  }
0x507: {  	v4 =	vperm.xlane v3, v0;
	_ =	sdelay $0x1  }
0x508: {  	v4 =	vadd.s32 v1, v4;
	_ =	sdelay $0x1  }
0x509: {  	v3 =	vperm.xlane v3, v2;
	_ =	sdelay $0x1  }
0x50a: {  	s16 =	simm.s32 $0x12680;
	v3 =	vadd.s32 v1, v3  }
0x50b: {  	[tilespmem:s16], [sflag:$0x2] =	stream.indirect_vreg.gather [hbm4b:s2+s3], $0x80, v4, vm0, $0xb8;
	[tilespmem:$0x1C680] =	vst v63  }
0x50c: {  	s16 =	simm.s32 $0x12E80  }
0x50d: {  	[tilespmem:s16], [sflag:$0x2] =	stream.indirect_vreg.gather [hbm4b:s4+s3], $0x80, v4, vm0, $0xb8;
	[tilespmem:$0x1C680] =	vst v63  }
0x50e: {  	s16 =	simm.s32 $0x13680  }
0x50f: {  	[tilespmem:s16], [sflag:$0x2] =	stream.indirect_vreg.gather [hbm4b:s2+s3], $0x80, v3, vm0, $0xb8;
	[tilespmem:$0x1C680] =	vst v63  }
0x510: {  	s16 =	simm.s32 $0x13E80  }
0x511: {  	[tilespmem:s16], [sflag:$0x2] =	stream.indirect_vreg.gather [hbm4b:s4+s3], $0x80, v3, vm0, $0xb8;
	[tilespmem:$0x1C680] =	vst v63  }
0x512: {  	v3 =	vld [tilespmem:$0x500];
	_ =	sdelay $0x4  }
0x513: {  	v46 =	vshll.u32 v3, $0x2  }
0x514: {  	v3 =	vand.u32 $0x7, v3;
	v4 =	vand.u32 $0xFFFFFFE0, v46  }
0x515: {  	v3 =	vor.u32 v3, v4  }
0x516: {  	v4 =	vperm.xlane v3, v0;
	_ =	sdelay $0x1  }
0x517: {  	v4 =	vadd.s32 v1, v4;
	_ =	sdelay $0x1  }
0x518: {  	v3 =	vperm.xlane v3, v2;
	_ =	sdelay $0x1  }
0x519: {  	s16 =	simm.s32 $0x14680;
	v3 =	vadd.s32 v1, v3  }
0x51a: {  	[tilespmem:s16], [sflag:$0x2] =	stream.indirect_vreg.gather [hbm4b:s2+s3], $0x80, v4, vm0, $0xb8;
	[tilespmem:$0x1C680] =	vst v63  }
0x51b: {  	s16 =	simm.s32 $0x14E80  }
0x51c: {  	[tilespmem:s16], [sflag:$0x2] =	stream.indirect_vreg.gather [hbm4b:s4+s3], $0x80, v4, vm0, $0xb8;
	[tilespmem:$0x1C680] =	vst v63  }
0x51d: {  	s16 =	simm.s32 $0x15680  }
0x51e: {  	[tilespmem:s16], [sflag:$0x2] =	stream.indirect_vreg.gather [hbm4b:s2+s3], $0x80, v3, vm0, $0xb8;
	[tilespmem:$0x1C680] =	vst v63  }
0x51f: {  	s16 =	simm.s32 $0x15E80  }
0x520: {  	[tilespmem:s16], [sflag:$0x2] =	stream.indirect_vreg.gather [hbm4b:s4+s3], $0x80, v3, vm0, $0xb8;
	[tilespmem:$0x1C680] =	vst v63  }
0x521: {  	v3 =	vld [tilespmem:$0x510];
	_ =	sdelay $0x4  }
0x522: {  	v47 =	vshll.u32 v3, $0x2  }
0x523: {  	v3 =	vand.u32 $0x7, v3;
	v4 =	vand.u32 $0xFFFFFFE0, v47  }
0x524: {  	v3 =	vor.u32 v3, v4  }
0x525: {  	v4 =	vperm.xlane v3, v0;
	_ =	sdelay $0x1  }
0x526: {  	v4 =	vadd.s32 v1, v4;
	_ =	sdelay $0x1  }
0x527: {  	v3 =	vperm.xlane v3, v2;
	_ =	sdelay $0x1  }
0x528: {  	s16 =	simm.s32 $0x16680;
	v3 =	vadd.s32 v1, v3  }
0x529: {  	[tilespmem:s16], [sflag:$0x2] =	stream.indirect_vreg.gather [hbm4b:s2+s3], $0x80, v4, vm0, $0xb8;
	[tilespmem:$0x1C680] =	vst v63  }
0x52a: {  	s16 =	simm.s32 $0x16E80  }
0x52b: {  	[tilespmem:s16], [sflag:$0x2] =	stream.indirect_vreg.gather [hbm4b:s4+s3], $0x80, v4, vm0, $0xb8;
	[tilespmem:$0x1C680] =	vst v63  }
0x52c: {  	s16 =	simm.s32 $0x17680  }
0x52d: {  	[tilespmem:s16], [sflag:$0x2] =	stream.indirect_vreg.gather [hbm4b:s2+s3], $0x80, v3, vm0, $0xb8;
	[tilespmem:$0x1C680] =	vst v63  }
0x52e: {  	s16 =	simm.s32 $0x17E80  }
0x52f: {  	[tilespmem:s16], [sflag:$0x2] =	stream.indirect_vreg.gather [hbm4b:s4+s3], $0x80, v3, vm0, $0xb8;
	[tilespmem:$0x1C680] =	vst v63  }
0x530: {  	v3 =	vld [tilespmem:$0x520];
	_ =	sdelay $0x4  }
0x531: {  	v48 =	vshll.u32 v3, $0x2  }
0x532: {  	v3 =	vand.u32 $0x7, v3;
	v4 =	vand.u32 $0xFFFFFFE0, v48  }
0x533: {  	v3 =	vor.u32 v3, v4  }
0x534: {  	v4 =	vperm.xlane v3, v0;
	_ =	sdelay $0x1  }
0x535: {  	v4 =	vadd.s32 v1, v4;
	_ =	sdelay $0x1  }
0x536: {  	v3 =	vperm.xlane v3, v2;
	_ =	sdelay $0x1  }
0x537: {  	s16 =	simm.s32 $0x18680;
	v3 =	vadd.s32 v1, v3  }
0x538: {  	[tilespmem:s16], [sflag:$0x2] =	stream.indirect_vreg.gather [hbm4b:s2+s3], $0x80, v4, vm0, $0xb8;
	[tilespmem:$0x1C680] =	vst v63  }
0x539: {  	s16 =	simm.s32 $0x18E80  }
0x53a: {  	[tilespmem:s16], [sflag:$0x2] =	stream.indirect_vreg.gather [hbm4b:s4+s3], $0x80, v4, vm0, $0xb8;
	[tilespmem:$0x1C680] =	vst v63  }
0x53b: {  	s16 =	simm.s32 $0x19680  }
0x53c: {  	[tilespmem:s16], [sflag:$0x2] =	stream.indirect_vreg.gather [hbm4b:s2+s3], $0x80, v3, vm0, $0xb8;
	[tilespmem:$0x1C680] =	vst v63  }
0x53d: {  	s16 =	simm.s32 $0x19E80  }
0x53e: {  	[tilespmem:s16], [sflag:$0x2] =	stream.indirect_vreg.gather [hbm4b:s4+s3], $0x80, v3, vm0, $0xb8;
	[tilespmem:$0x1C680] =	vst v63  }
0x53f: {  	v3 =	vld [tilespmem:$0x530];
	_ =	sdelay $0x4  }
0x540: {  	v49 =	vshll.u32 v3, $0x2  }
0x541: {  	v3 =	vand.u32 $0x7, v3;
	v4 =	vand.u32 $0xFFFFFFE0, v49  }
0x542: {  	v3 =	vor.u32 v3, v4  }
0x543: {  	v4 =	vperm.xlane v3, v0;
	_ =	sdelay $0x1  }
0x544: {  	v4 =	vadd.s32 v1, v4;
	_ =	sdelay $0x1  }
0x545: {  	v3 =	vperm.xlane v3, v2;
	_ =	sdelay $0x1  }
0x546: {  	s16 =	simm.s32 $0x1A680;
	v3 =	vadd.s32 v1, v3  }
0x547: {  	[tilespmem:s16], [sflag:$0x2] =	stream.indirect_vreg.gather [hbm4b:s2+s3], $0x80, v4, vm0, $0xb8;
	[tilespmem:$0x1C680] =	vst v63  }
0x548: {  	s16 =	simm.s32 $0x1AE80  }
0x549: {  	[tilespmem:s16], [sflag:$0x2] =	stream.indirect_vreg.gather [hbm4b:s4+s3], $0x80, v4, vm0, $0xb8;
	[tilespmem:$0x1C680] =	vst v63  }
0x54a: {  	s16 =	simm.s32 $0x1B680  }
0x54b: {  	[tilespmem:s16], [sflag:$0x2] =	stream.indirect_vreg.gather [hbm4b:s2+s3], $0x80, v3, vm0, $0xb8;
	[tilespmem:$0x1C680] =	vst v63  }
0x54c: {  	s16 =	simm.s32 $0x1BE80  }
0x54d: {  	[tilespmem:s16], [sflag:$0x2] =	stream.indirect_vreg.gather [hbm4b:s4+s3], $0x80, v3, vm0, $0xb8;
	[tilespmem:$0x1C680] =	vst v63  }
0x54e: {  	_ =	swait.ge [sflag:s14], $0xE000  }
0x54f: {  	[sflag:s14] =	ssyncset.done $0x0  }
0x550: {  	s16 =	rddreg [dreg:$0xe];
	[sflag:s14] =	ssyncadd.s32 $0xFFFF2000  }
0x551: {  	[hbm4b:s16+s3] =	stream.linear.scatter [tilespmem:s17], [sflag:$0x3], $0xE000, $0x38;
	[tilespmem:$0x1C680] =	vst v63  }
0x552: {  	_ =	swait.ge [sflag:s6], $0xE000  }
0x553: {  	[sflag:s6] =	ssyncset.done $0x0  }
0x554: {  	[sflag:s6] =	ssyncadd.s32 $0xFFFF2000  }
0x555: {  	v3 =	vld [tilespmem:$0x540];
	_ =	sdelay $0x4  }
0x556: {  	v50 =	vshll.u32 v3, $0x2  }
0x557: {  	v3 =	vand.u32 $0x7, v3;
	v4 =	vand.u32 $0xFFFFFFE0, v50  }
0x558: {  	v3 =	vor.u32 v3, v4  }
0x559: {  	v4 =	vperm.xlane v3, v0;
	_ =	sdelay $0x1  }
0x55a: {  	v4 =	vadd.s32 v1, v4;
	_ =	sdelay $0x1  }
0x55b: {  	v3 =	vperm.xlane v3, v2;
	_ =	sdelay $0x1  }
0x55c: {  	v3 =	vadd.s32 v1, v3  }
0x55d: {  	[tilespmem:s17], [sflag:$0x1] =	stream.indirect_vreg.gather [hbm4b:s2+s3], $0x80, v4, vm0, $0xb8;
	[tilespmem:$0x1C680] =	vst v63  }
0x55e: {  	s0 =	simm.s32 $0xE80  }
0x55f: {  	[tilespmem:s0], [sflag:$0x1] =	stream.indirect_vreg.gather [hbm4b:s4+s3], $0x80, v4, vm0, $0xb8;
	[tilespmem:$0x1C680] =	vst v63  }
0x560: {  	s7 =	simm.s32 $0x1680  }
0x561: {  	[tilespmem:s7], [sflag:$0x1] =	stream.indirect_vreg.gather [hbm4b:s2+s3], $0x80, v3, vm0, $0xb8;
	[tilespmem:$0x1C680] =	vst v63  }
0x562: {  	s16 =	simm.s32 $0x1E80  }
0x563: {  	[tilespmem:s16], [sflag:$0x1] =	stream.indirect_vreg.gather [hbm4b:s4+s3], $0x80, v3, vm0, $0xb8;
	[tilespmem:$0x1C680] =	vst v63  }
0x564: {  	v3 =	vld [tilespmem:$0x550];
	_ =	sdelay $0x4  }
0x565: {  	v51 =	vshll.u32 v3, $0x2  }
0x566: {  	v3 =	vand.u32 $0x7, v3;
	v4 =	vand.u32 $0xFFFFFFE0, v51  }
0x567: {  	v3 =	vor.u32 v3, v4  }
0x568: {  	v4 =	vperm.xlane v3, v0;
	_ =	sdelay $0x1  }
0x569: {  	v4 =	vadd.s32 v1, v4;
	_ =	sdelay $0x1  }
0x56a: {  	v3 =	vperm.xlane v3, v2;
	_ =	sdelay $0x1  }
0x56b: {  	s8 =	simm.s32 $0x2680;
	v3 =	vadd.s32 v1, v3  }
0x56c: {  	[tilespmem:s8], [sflag:$0x1] =	stream.indirect_vreg.gather [hbm4b:s2+s3], $0x80, v4, vm0, $0xb8;
	[tilespmem:$0x1C680] =	vst v63  }
0x56d: {  	s1 =	simm.s32 $0x2E80  }
0x56e: {  	[tilespmem:s1], [sflag:$0x1] =	stream.indirect_vreg.gather [hbm4b:s4+s3], $0x80, v4, vm0, $0xb8;
	[tilespmem:$0x1C680] =	vst v63  }
0x56f: {  	s18 =	simm.s32 $0x3680  }
0x570: {  	[tilespmem:s18], [sflag:$0x1] =	stream.indirect_vreg.gather [hbm4b:s2+s3], $0x80, v3, vm0, $0xb8;
	[tilespmem:$0x1C680] =	vst v63  }
0x571: {  	s1 =	simm.s32 $0x3E80  }
0x572: {  	[tilespmem:s1], [sflag:$0x1] =	stream.indirect_vreg.gather [hbm4b:s4+s3], $0x80, v3, vm0, $0xb8;
	[tilespmem:$0x1C680] =	vst v63  }
0x573: {  	v3 =	vld [tilespmem:$0x560];
	_ =	sdelay $0x4  }
0x574: {  	v52 =	vshll.u32 v3, $0x2  }
0x575: {  	v3 =	vand.u32 $0x7, v3;
	v4 =	vand.u32 $0xFFFFFFE0, v52  }
0x576: {  	v3 =	vor.u32 v3, v4  }
0x577: {  	v4 =	vperm.xlane v3, v0;
	_ =	sdelay $0x1  }
0x578: {  	v4 =	vadd.s32 v1, v4;
	_ =	sdelay $0x1  }
0x579: {  	v3 =	vperm.xlane v3, v2;
	_ =	sdelay $0x1  }
0x57a: {  	s22 =	simm.s32 $0x4680;
	v3 =	vadd.s32 v1, v3  }
0x57b: {  	[tilespmem:s22], [sflag:$0x1] =	stream.indirect_vreg.gather [hbm4b:s2+s3], $0x80, v4, vm0, $0xb8;
	[tilespmem:$0x1C680] =	vst v63  }
0x57c: {  	s23 =	simm.s32 $0x4E80  }
0x57d: {  	[tilespmem:s23], [sflag:$0x1] =	stream.indirect_vreg.gather [hbm4b:s4+s3], $0x80, v4, vm0, $0xb8;
	[tilespmem:$0x1C680] =	vst v63  }
0x57e: {  	s24 =	simm.s32 $0x5680  }
0x57f: {  	[tilespmem:s24], [sflag:$0x1] =	stream.indirect_vreg.gather [hbm4b:s2+s3], $0x80, v3, vm0, $0xb8;
	[tilespmem:$0x1C680] =	vst v63  }
0x580: {  	s7 =	simm.s32 $0x5E80  }
0x581: {  	[tilespmem:s7], [sflag:$0x1] =	stream.indirect_vreg.gather [hbm4b:s4+s3], $0x80, v3, vm0, $0xb8;
	[tilespmem:$0x1C680] =	vst v63  }
0x582: {  	v3 =	vld [tilespmem:$0x570];
	_ =	sdelay $0x4  }
0x583: {  	v53 =	vshll.u32 v3, $0x2  }
0x584: {  	v3 =	vand.u32 $0x7, v3;
	v4 =	vand.u32 $0xFFFFFFE0, v53  }
0x585: {  	v3 =	vor.u32 v3, v4  }
0x586: {  	v4 =	vperm.xlane v3, v0;
	_ =	sdelay $0x1  }
0x587: {  	v4 =	vadd.s32 v1, v4;
	_ =	sdelay $0x1  }
0x588: {  	v3 =	vperm.xlane v3, v2;
	_ =	sdelay $0x1  }
0x589: {  	s25 =	simm.s32 $0x6680;
	v3 =	vadd.s32 v1, v3  }
0x58a: {  	[tilespmem:s25], [sflag:$0x1] =	stream.indirect_vreg.gather [hbm4b:s2+s3], $0x80, v4, vm0, $0xb8;
	[tilespmem:$0x1C680] =	vst v63  }
0x58b: {  	s26 =	simm.s32 $0x6E80  }
0x58c: {  	[tilespmem:s26], [sflag:$0x1] =	stream.indirect_vreg.gather [hbm4b:s4+s3], $0x80, v4, vm0, $0xb8;
	[tilespmem:$0x1C680] =	vst v63  }
0x58d: {  	s28 =	simm.s32 $0x7680  }
0x58e: {  	[tilespmem:s28], [sflag:$0x1] =	stream.indirect_vreg.gather [hbm4b:s2+s3], $0x80, v3, vm0, $0xb8;
	[tilespmem:$0x1C680] =	vst v63  }
0x58f: {  	s8 =	simm.s32 $0x7E80  }
0x590: {  	[tilespmem:s8], [sflag:$0x1] =	stream.indirect_vreg.gather [hbm4b:s4+s3], $0x80, v3, vm0, $0xb8;
	[tilespmem:$0x1C680] =	vst v63  }
0x591: {  	v3 =	vld [tilespmem:$0x580];
	_ =	sdelay $0x4  }
0x592: {  	v54 =	vshll.u32 v3, $0x2  }
0x593: {  	v3 =	vand.u32 $0x7, v3;
	v4 =	vand.u32 $0xFFFFFFE0, v54  }
0x594: {  	v3 =	vor.u32 v3, v4  }
0x595: {  	v4 =	vperm.xlane v3, v0;
	_ =	sdelay $0x1  }
0x596: {  	v4 =	vadd.s32 v1, v4;
	_ =	sdelay $0x1  }
0x597: {  	v3 =	vperm.xlane v3, v2;
	_ =	sdelay $0x1  }
0x598: {  	s29 =	simm.s32 $0x8680;
	v3 =	vadd.s32 v1, v3  }
0x599: {  	[tilespmem:s29], [sflag:$0x1] =	stream.indirect_vreg.gather [hbm4b:s2+s3], $0x80, v4, vm0, $0xb8;
	[tilespmem:$0x1C680] =	vst v63  }
0x59a: {  	s30 =	simm.s32 $0x8E80  }
0x59b: {  	[tilespmem:s30], [sflag:$0x1] =	stream.indirect_vreg.gather [hbm4b:s4+s3], $0x80, v4, vm0, $0xb8;
	[tilespmem:$0x1C680] =	vst v63  }
0x59c: {  	s31 =	simm.s32 $0x9680  }
0x59d: {  	[tilespmem:s31], [sflag:$0x1] =	stream.indirect_vreg.gather [hbm4b:s2+s3], $0x80, v3, vm0, $0xb8;
	[tilespmem:$0x1C680] =	vst v63  }
0x59e: {  	s16 =	simm.s32 $0x9E80  }
0x59f: {  	[tilespmem:s16], [sflag:$0x1] =	stream.indirect_vreg.gather [hbm4b:s4+s3], $0x80, v3, vm0, $0xb8;
	[tilespmem:$0x1C680] =	vst v63  }
0x5a0: {  	v3 =	vld [tilespmem:$0x590];
	_ =	sdelay $0x4  }
0x5a1: {  	v55 =	vshll.u32 v3, $0x2  }
0x5a2: {  	v3 =	vand.u32 $0x7, v3;
	v4 =	vand.u32 $0xFFFFFFE0, v55  }
0x5a3: {  	v3 =	vor.u32 v3, v4  }
0x5a4: {  	v4 =	vperm.xlane v3, v0;
	_ =	sdelay $0x1  }
0x5a5: {  	v4 =	vadd.s32 v1, v4;
	_ =	sdelay $0x1  }
0x5a6: {  	v3 =	vperm.xlane v3, v2;
	_ =	sdelay $0x1  }
0x5a7: {  	s18 =	simm.s32 $0xA680;
	v3 =	vadd.s32 v1, v3  }
0x5a8: {  	[tilespmem:s18], [sflag:$0x1] =	stream.indirect_vreg.gather [hbm4b:s2+s3], $0x80, v4, vm0, $0xb8;
	[tilespmem:$0x1C680] =	vst v63  }
0x5a9: {  	s21 =	simm.s32 $0xAE80  }
0x5aa: {  	[tilespmem:s21], [sflag:$0x1] =	stream.indirect_vreg.gather [hbm4b:s4+s3], $0x80, v4, vm0, $0xb8;
	[tilespmem:$0x1C680] =	vst v63  }
0x5ab: {  	s9 =	simm.s32 $0xB680  }
0x5ac: {  	[tilespmem:s9], [sflag:$0x1] =	stream.indirect_vreg.gather [hbm4b:s2+s3], $0x80, v3, vm0, $0xb8;
	[tilespmem:$0x1C680] =	vst v63  }
0x5ad: {  	s22 =	simm.s32 $0xBE80  }
0x5ae: {  	[tilespmem:s22], [sflag:$0x1] =	stream.indirect_vreg.gather [hbm4b:s4+s3], $0x80, v3, vm0, $0xb8;
	[tilespmem:$0x1C680] =	vst v63  }
0x5af: {  	v3 =	vld [tilespmem:$0x5A0];
	_ =	sdelay $0x4  }
0x5b0: {  	v56 =	vshll.u32 v3, $0x2  }
0x5b1: {  	v3 =	vand.u32 $0x7, v3;
	v4 =	vand.u32 $0xFFFFFFE0, v56  }
0x5b2: {  	v3 =	vor.u32 v3, v4  }
0x5b3: {  	v4 =	vperm.xlane v3, v0;
	_ =	sdelay $0x1  }
0x5b4: {  	v4 =	vadd.s32 v1, v4;
	_ =	sdelay $0x1  }
0x5b5: {  	v3 =	vperm.xlane v3, v2;
	_ =	sdelay $0x1  }
0x5b6: {  	s19 =	simm.s32 $0xC680;
	v3 =	vadd.s32 v1, v3  }
0x5b7: {  	[tilespmem:s19], [sflag:$0x1] =	stream.indirect_vreg.gather [hbm4b:s2+s3], $0x80, v4, vm0, $0xb8;
	[tilespmem:$0x1C680] =	vst v63  }
0x5b8: {  	s20 =	simm.s32 $0xCE80  }
0x5b9: {  	[tilespmem:s20], [sflag:$0x1] =	stream.indirect_vreg.gather [hbm4b:s4+s3], $0x80, v4, vm0, $0xb8;
	[tilespmem:$0x1C680] =	vst v63  }
0x5ba: {  	s11 =	simm.s32 $0xD680  }
0x5bb: {  	[tilespmem:s11], [sflag:$0x1] =	stream.indirect_vreg.gather [hbm4b:s2+s3], $0x80, v3, vm0, $0xb8;
	[tilespmem:$0x1C680] =	vst v63  }
0x5bc: {  	s23 =	simm.s32 $0xDE80  }
0x5bd: {  	[tilespmem:s23], [sflag:$0x1] =	stream.indirect_vreg.gather [hbm4b:s4+s3], $0x80, v3, vm0, $0xb8;
	[tilespmem:$0x1C680] =	vst v63  }
0x5be: {  	_ =	swait.ge [sflag:s15], $0xE000  }
0x5bf: {  	[sflag:s15] =	ssyncset.done $0x0  }
0x5c0: {  	s24 =	rddreg [dreg:$0xf];
	[sflag:s15] =	ssyncadd.s32 $0xFFFF2000  }
0x5c1: {  	[hbm4b:s24+s3] =	stream.linear.scatter [tilespmem:s10], [sflag:$0x3], $0xE000, $0x38;
	[tilespmem:$0x1C680] =	vst v63  }
0x5c2: {  	_ =	swait.ge [sflag:s6], $0xE000  }
0x5c3: {  	[sflag:s6] =	ssyncset.done $0x0  }
0x5c4: {  	[sflag:s6] =	ssyncadd.s32 $0xFFFF2000  }
0x5c5: {  	v3 =	vld [tilespmem:$0x5B0];
	_ =	sdelay $0x4  }
0x5c6: {  	v57 =	vshll.u32 v3, $0x2  }
0x5c7: {  	v3 =	vand.u32 $0x7, v3;
	v4 =	vand.u32 $0xFFFFFFE0, v57  }
0x5c8: {  	v3 =	vor.u32 v3, v4  }
0x5c9: {  	v4 =	vperm.xlane v3, v0;
	_ =	sdelay $0x1  }
0x5ca: {  	v4 =	vadd.s32 v1, v4;
	_ =	sdelay $0x1  }
0x5cb: {  	v3 =	vperm.xlane v3, v2;
	_ =	sdelay $0x1  }
0x5cc: {  	v3 =	vadd.s32 v1, v3  }
0x5cd: {  	[tilespmem:s10], [sflag:$0x2] =	stream.indirect_vreg.gather [hbm4b:s2+s3], $0x80, v4, vm0, $0xb8;
	[tilespmem:$0x1C680] =	vst v63  }
0x5ce: {  	s12 =	simm.s32 $0xEE80  }
0x5cf: {  	[tilespmem:s12], [sflag:$0x2] =	stream.indirect_vreg.gather [hbm4b:s4+s3], $0x80, v4, vm0, $0xb8;
	[tilespmem:$0x1C680] =	vst v63  }
0x5d0: {  	s13 =	simm.s32 $0xF680  }
0x5d1: {  	[tilespmem:s13], [sflag:$0x2] =	stream.indirect_vreg.gather [hbm4b:s2+s3], $0x80, v3, vm0, $0xb8;
	[tilespmem:$0x1C680] =	vst v63  }
0x5d2: {  	s25 =	simm.s32 $0xFE80  }
0x5d3: {  	[tilespmem:s25], [sflag:$0x2] =	stream.indirect_vreg.gather [hbm4b:s4+s3], $0x80, v3, vm0, $0xb8;
	[tilespmem:$0x1C680] =	vst v63  }
0x5d4: {  	v3 =	vld [tilespmem:$0x5C0];
	_ =	sdelay $0x4  }
0x5d5: {  	v58 =	vshll.u32 v3, $0x2  }
0x5d6: {  	v3 =	vand.u32 $0x7, v3;
	v4 =	vand.u32 $0xFFFFFFE0, v58  }
0x5d7: {  	v3 =	vor.u32 v3, v4  }
0x5d8: {  	v4 =	vperm.xlane v3, v0;
	_ =	sdelay $0x1  }
0x5d9: {  	v4 =	vadd.s32 v1, v4;
	_ =	sdelay $0x1  }
0x5da: {  	v3 =	vperm.xlane v3, v2;
	_ =	sdelay $0x1  }
0x5db: {  	s26 =	simm.s32 $0x10680;
	v3 =	vadd.s32 v1, v3  }
0x5dc: {  	[tilespmem:s26], [sflag:$0x2] =	stream.indirect_vreg.gather [hbm4b:s2+s3], $0x80, v4, vm0, $0xb8;
	[tilespmem:$0x1C680] =	vst v63  }
0x5dd: {  	s28 =	simm.s32 $0x10E80  }
0x5de: {  	[tilespmem:s28], [sflag:$0x2] =	stream.indirect_vreg.gather [hbm4b:s4+s3], $0x80, v4, vm0, $0xb8;
	[tilespmem:$0x1C680] =	vst v63  }
0x5df: {  	s29 =	simm.s32 $0x11680  }
0x5e0: {  	[tilespmem:s29], [sflag:$0x2] =	stream.indirect_vreg.gather [hbm4b:s2+s3], $0x80, v3, vm0, $0xb8;
	[tilespmem:$0x1C680] =	vst v63  }
0x5e1: {  	s30 =	simm.s32 $0x11E80  }
0x5e2: {  	[tilespmem:s30], [sflag:$0x2] =	stream.indirect_vreg.gather [hbm4b:s4+s3], $0x80, v3, vm0, $0xb8;
	[tilespmem:$0x1C680] =	vst v63  }
0x5e3: {  	v3 =	vld [tilespmem:$0x5D0];
	_ =	sdelay $0x4  }
0x5e4: {  	v59 =	vshll.u32 v3, $0x2  }
0x5e5: {  	v3 =	vand.u32 $0x7, v3;
	v4 =	vand.u32 $0xFFFFFFE0, v59  }
0x5e6: {  	v3 =	vor.u32 v3, v4  }
0x5e7: {  	v4 =	vperm.xlane v3, v0;
	_ =	sdelay $0x1  }
0x5e8: {  	v4 =	vadd.s32 v1, v4;
	_ =	sdelay $0x1  }
0x5e9: {  	v3 =	vperm.xlane v3, v2;
	_ =	sdelay $0x1  }
0x5ea: {  	s31 =	simm.s32 $0x12680;
	v3 =	vadd.s32 v1, v3  }
0x5eb: {  	[tilespmem:s31], [sflag:$0x2] =	stream.indirect_vreg.gather [hbm4b:s2+s3], $0x80, v4, vm0, $0xb8;
	[tilespmem:$0x1C680] =	vst v63  }
0x5ec: {  	s1 =	simm.s32 $0x12E80  }
0x5ed: {  	[tilespmem:s1], [sflag:$0x2] =	stream.indirect_vreg.gather [hbm4b:s4+s3], $0x80, v4, vm0, $0xb8;
	[tilespmem:$0x1C680] =	vst v63  }
0x5ee: {  	s7 =	simm.s32 $0x13680  }
0x5ef: {  	[tilespmem:s7], [sflag:$0x2] =	stream.indirect_vreg.gather [hbm4b:s2+s3], $0x80, v3, vm0, $0xb8;
	[tilespmem:$0x1C680] =	vst v63  }
0x5f0: {  	s8 =	simm.s32 $0x13E80  }
0x5f1: {  	[tilespmem:s8], [sflag:$0x2] =	stream.indirect_vreg.gather [hbm4b:s4+s3], $0x80, v3, vm0, $0xb8;
	[tilespmem:$0x1C680] =	vst v63  }
0x5f2: {  	v3 =	vld [tilespmem:$0x5E0];
	_ =	sdelay $0x4  }
0x5f3: {  	v60 =	vshll.u32 v3, $0x2  }
0x5f4: {  	v3 =	vand.u32 $0x7, v3;
	v4 =	vand.u32 $0xFFFFFFE0, v60  }
0x5f5: {  	v3 =	vor.u32 v3, v4  }
0x5f6: {  	v4 =	vperm.xlane v3, v0;
	_ =	sdelay $0x1  }
0x5f7: {  	v4 =	vadd.s32 v1, v4;
	_ =	sdelay $0x1  }
0x5f8: {  	v3 =	vperm.xlane v3, v2;
	_ =	sdelay $0x1  }
0x5f9: {  	s9 =	simm.s32 $0x14680;
	v3 =	vadd.s32 v1, v3  }
0x5fa: {  	[tilespmem:s9], [sflag:$0x2] =	stream.indirect_vreg.gather [hbm4b:s2+s3], $0x80, v4, vm0, $0xb8;
	[tilespmem:$0x1C680] =	vst v63  }
0x5fb: {  	s11 =	simm.s32 $0x14E80  }
0x5fc: {  	[tilespmem:s11], [sflag:$0x2] =	stream.indirect_vreg.gather [hbm4b:s4+s3], $0x80, v4, vm0, $0xb8;
	[tilespmem:$0x1C680] =	vst v63  }
0x5fd: {  	s12 =	simm.s32 $0x15680  }
0x5fe: {  	[tilespmem:s12], [sflag:$0x2] =	stream.indirect_vreg.gather [hbm4b:s2+s3], $0x80, v3, vm0, $0xb8;
	[tilespmem:$0x1C680] =	vst v63  }
0x5ff: {  	s13 =	simm.s32 $0x15E80  }
0x600: {  	[tilespmem:s13], [sflag:$0x2] =	stream.indirect_vreg.gather [hbm4b:s4+s3], $0x80, v3, vm0, $0xb8;
	[tilespmem:$0x1C680] =	vst v63  }
0x601: {  	v3 =	vld [tilespmem:$0x5F0];
	_ =	sdelay $0x4  }
0x602: {  	v61 =	vshll.u32 v3, $0x2  }
0x603: {  	v3 =	vand.u32 $0x7, v3;
	v4 =	vand.u32 $0xFFFFFFE0, v61  }
0x604: {  	v3 =	vor.u32 v3, v4  }
0x605: {  	v4 =	vperm.xlane v3, v0;
	_ =	sdelay $0x1  }
0x606: {  	v4 =	vadd.s32 v1, v4;
	_ =	sdelay $0x1  }
0x607: {  	v3 =	vperm.xlane v3, v2;
	_ =	sdelay $0x1  }
0x608: {  	s16 =	simm.s32 $0x16680;
	v3 =	vadd.s32 v1, v3  }
0x609: {  	[tilespmem:s16], [sflag:$0x2] =	stream.indirect_vreg.gather [hbm4b:s2+s3], $0x80, v4, vm0, $0xb8;
	[tilespmem:$0x1C680] =	vst v63  }
0x60a: {  	s18 =	simm.s32 $0x16E80  }
0x60b: {  	[tilespmem:s18], [sflag:$0x2] =	stream.indirect_vreg.gather [hbm4b:s4+s3], $0x80, v4, vm0, $0xb8;
	[tilespmem:$0x1C680] =	vst v63  }
0x60c: {  	s19 =	simm.s32 $0x17680  }
0x60d: {  	[tilespmem:s19], [sflag:$0x2] =	stream.indirect_vreg.gather [hbm4b:s2+s3], $0x80, v3, vm0, $0xb8;
	[tilespmem:$0x1C680] =	vst v63  }
0x60e: {  	s20 =	simm.s32 $0x17E80  }
0x60f: {  	[tilespmem:s20], [sflag:$0x2] =	stream.indirect_vreg.gather [hbm4b:s4+s3], $0x80, v3, vm0, $0xb8;
	[tilespmem:$0x1C680] =	vst v63  }
0x610: {  	v3 =	vld [tilespmem:$0x600];
	_ =	sdelay $0x4  }
0x611: {  	v62 =	vshll.u32 v3, $0x2  }
0x612: {  	v3 =	vand.u32 $0x7, v3;
	v4 =	vand.u32 $0xFFFFFFE0, v62  }
0x613: {  	v3 =	vor.u32 v3, v4  }
0x614: {  	v4 =	vperm.xlane v3, v0;
	_ =	sdelay $0x1  }
0x615: {  	v4 =	vadd.s32 v1, v4;
	_ =	sdelay $0x1  }
0x616: {  	v3 =	vperm.xlane v3, v2;
	_ =	sdelay $0x1  }
0x617: {  	s21 =	simm.s32 $0x18680;
	v3 =	vadd.s32 v1, v3  }
0x618: {  	[tilespmem:s21], [sflag:$0x2] =	stream.indirect_vreg.gather [hbm4b:s2+s3], $0x80, v4, vm0, $0xb8;
	[tilespmem:$0x1C680] =	vst v63  }
0x619: {  	s22 =	simm.s32 $0x18E80  }
0x61a: {  	[tilespmem:s22], [sflag:$0x2] =	stream.indirect_vreg.gather [hbm4b:s4+s3], $0x80, v4, vm0, $0xb8;
	[tilespmem:$0x1C680] =	vst v63  }
0x61b: {  	s23 =	simm.s32 $0x19680  }
0x61c: {  	[tilespmem:s23], [sflag:$0x2] =	stream.indirect_vreg.gather [hbm4b:s2+s3], $0x80, v3, vm0, $0xb8;
	[tilespmem:$0x1C680] =	vst v63  }
0x61d: {  	s24 =	simm.s32 $0x19E80  }
0x61e: {  	[tilespmem:s24], [sflag:$0x2] =	stream.indirect_vreg.gather [hbm4b:s4+s3], $0x80, v3, vm0, $0xb8;
	[tilespmem:$0x1C680] =	vst v63  }
0x61f: {  	v3 =	vld [tilespmem:$0x610];
	_ =	sdelay $0x4  }
0x620: {  	v63 =	vshll.u32 v3, $0x2  }
0x621: {  	v3 =	vand.u32 $0x7, v3;
	v4 =	vand.u32 $0xFFFFFFE0, v63  }
0x622: {  	v3 =	vor.u32 v3, v4  }
0x623: {  	v4 =	vperm.xlane v3, v0;
	_ =	sdelay $0x1  }
0x624: {  	v4 =	vadd.s32 v1, v4;
	_ =	sdelay $0x1  }
0x625: {  	v3 =	vperm.xlane v3, v2;
	_ =	sdelay $0x1  }
0x626: {  	s25 =	simm.s32 $0x1A680;
	v3 =	vadd.s32 v1, v3  }
0x627: {  	[tilespmem:s25], [sflag:$0x2] =	stream.indirect_vreg.gather [hbm4b:s2+s3], $0x80, v4, vm0, $0xb8;
	[tilespmem:$0x1C680] =	vst v63  }
0x628: {  	s26 =	simm.s32 $0x1AE80  }
0x629: {  	[tilespmem:s26], [sflag:$0x2] =	stream.indirect_vreg.gather [hbm4b:s4+s3], $0x80, v4, vm0, $0xb8;
	[tilespmem:$0x1C680] =	vst v63  }
0x62a: {  	s28 =	simm.s32 $0x1B680  }
0x62b: {  	[tilespmem:s28], [sflag:$0x2] =	stream.indirect_vreg.gather [hbm4b:s2+s3], $0x80, v3, vm0, $0xb8;
	[tilespmem:$0x1C680] =	vst v63  }
0x62c: {  	s29 =	simm.s32 $0x1BE80  }
0x62d: {  	[tilespmem:s29], [sflag:$0x2] =	stream.indirect_vreg.gather [hbm4b:s4+s3], $0x80, v3, vm0, $0xb8;
	[tilespmem:$0x1C680] =	vst v63  }
0x62e: {  	_ =	swait.ge [sflag:s14], $0xE000  }
0x62f: {  	[sflag:s14] =	ssyncset.done $0x0  }
0x630: {  	s30 =	rddreg [dreg:$0x10];
	[sflag:s14] =	ssyncadd.s32 $0xFFFF2000  }
0x631: {  	[hbm4b:s30+s3] =	stream.linear.scatter [tilespmem:s17], [sflag:$0x3], $0xE000, $0x38;
	[tilespmem:$0x1C680] =	vst v63  }
0x632: {  	_ =	swait.ge [sflag:s6], $0xE000  }
0x633: {  	[sflag:s6] =	ssyncset.done $0x0  }
0x634: {  	[sflag:s6] =	ssyncadd.s32 $0xFFFF2000  }
0x635: {  	_ =	swait.ge [sflag:s15], $0xE000  }
0x636: {  	p0 =	sne.s32 s5, $0x1;
	[sflag:s15] =	ssyncset.done $0x0  }
.Ltmp0:
0x637: {  	s31 =	rddreg [dreg:$0x11];
	[sflag:s15] =	ssyncadd.s32 $0xFFFF2000;
	(pc) =	sbr.rel @p0 .LBB2_1-.Ltmp0, $4  }
0x638: {  	[hbm4b:s31+s3] =	stream.linear.scatter [tilespmem:s10], [sflag:$0x3], $0xE000, $0x38;
	[tilespmem:$0x1C680] =	vst v63  }
0x639: {  	_ =	swait.ge [sflag:s6], $0xE000  }
0x63a: {  	[sflag:s6] =	ssyncset.done $0x0  }
0x63b: {  	s5 =	sadd.s32 $0xFFFFFFFF, s5;
	[sflag:s6] =	ssyncadd.s32 $0xFFFF2000  }
0x63c: {  	_ =	sfence.sel $0x180000  }
0x63d: {  	[bflag:$0x0] =	sbarrier.arrive $0xFFFF  }
0x63e: {  	_ =	strace $0x90000047  }
0x63f: {  	s0 =	stileid.u32;
	[bflag:$0x2] =	sbarrier.arrive $0xFFFF  }
0x640: {  	p0 =	sne.s32 s0, $0x0;
	s0 =	rddreg [dreg:$0x2]  }
0x641: {  	s0 =	sadd.s32 @!p0 $0x100000, s0  }
0x642: {  	[sflag:s0] =	ssyncadd.tile.s32 @!p0 $0x1;
	_ =	shalt  }
.Lfunc_end2:
_tile_overlayer_lowered:
.L_overlay_start_2:
0x643: {  	(tag) =	ssettag $0x2  }
0x644: {  	s0 =	rddreg [dreg:$0x0];
	s2 =	stileid.u32  }
0x645: {  	s1 =	rddreg [dreg:$0x1];
	p0 =	sne.s32 s2, $0x0  }
0x646: {  	s3 =	rddreg [dreg:$0x2];
	[bflag:$0x3] =	sbarrier.arrive $0xFFFF;
	s2 =	simm.s32 @!p0 $0x1C03  }
0x647: {  	[timem:s3], [sflag:s2] =	dma.local @!p0 [hbm:s0], s1  }
0x648: {  	s0 =	simm.s32 @!p0 $0x3  }
0x649: {  	_ =	swait.ge @!p0 [sflag:s0], s1  }
0x64a: {  	s1 =	ssub.s32 @!p0 $0x0, s1;
	[sflag:s0] =	ssyncset.done @!p0 $0x0  }
0x64b: {  	[sflag:s0] =	ssyncadd.s32 @!p0 s1  }
0x64c: {  	[bflag:$0x3] =	sbarrier.arrive $0xFFFF  }
0x64d: {  	_ =	shalt  }

</sc_bundles>
